<compile_context>
chip_gen: v7x
topology: tpu7x:2x2x1
jax: 0.10.2.dev20260603
libtpu: 0.0.44.dev20260713+nightly
codegen_flags: <defaults>
</compile_context>

<pallas_src>
import functools

import jax
import jax.numpy as jnp
from jax import lax
from jax.experimental import pallas as pl
from jax.experimental.pallas import tpu as pltpu
from jax.experimental.pallas import tpu_sc as plsc

N = 10000
E = 320000
DIN = 128
DH = 256
DOUT = 40
DOP = 64

NC = 2
NS = 16
NW = NC * NS

NPAD = 10240
EPAD = 327680
BLK_E = 128
NBLK = EPAD // (NW * BLK_E)
ZROWS = NPAD // NS
ZB = ZROWS // BLK_E

NBLK0 = 80
NBLK1 = 80
PNB = 16
assert NBLK0 + NBLK1 == 2 * NBLK
assert NBLK0 % PNB == 0 and NBLK1 % PNB == 0 and PNB % 2 == 0


def _sc_degree(dst2d):
    mesh = plsc.VectorSubcoreMesh(core_axis_name="c", subcore_axis_name="s")

    @functools.partial(
        pl.kernel,
        mesh=mesh,
        out_type=jax.ShapeDtypeStruct((NC, NPAD, 16), jnp.float32),
        compiler_params=pltpu.CompilerParams(use_tc_tiling_on_sc=False),
        scratch_types=[
            pltpu.VMEM((NBLK, BLK_E), jnp.int32),
            pltpu.VMEM((BLK_E, 16), jnp.float32),
            pltpu.VMEM((BLK_E, 16), jnp.float32),
            pltpu.VMEM_SHARED((NPAD, 16), jnp.float32),
        ],
    )
    def k(dst_hbm, out_hbm, dst_v, ones_v, zeros_v, acc):
        c = lax.axis_index("c")
        s = lax.axis_index("s")
        wid = c * NS + s

        def fill(i, carry):
            ones_v[i, :] = jnp.ones((16,), jnp.float32)
            zeros_v[i, :] = jnp.zeros((16,), jnp.float32)
            return carry

        lax.fori_loop(0, BLK_E, fill, 0)

        def zero(b, carry):
            pltpu.sync_copy(zeros_v, acc.at[pl.ds(s * ZROWS + b * BLK_E, BLK_E)])
            return carry

        lax.fori_loop(0, ZB, zero, 0)
        pltpu.sync_copy(dst_hbm.at[pl.ds(wid * NBLK, NBLK)], dst_v)
        plsc.subcore_barrier()

        def body(j, carry):
            pltpu.sync_copy(ones_v, acc.at[dst_v.at[j]], add=True)
            return carry

        lax.fori_loop(0, NBLK, body, 0)
        plsc.subcore_barrier()
        pltpu.sync_copy(
            acc.at[pl.ds(s * ZROWS, ZROWS)],
            out_hbm.at[c, pl.ds(s * ZROWS, ZROWS)],
        )

    return k(dst2d)


def _sc_agg(y, comb2d, d):
    mesh = plsc.VectorSubcoreMesh(core_axis_name="c", subcore_axis_name="s")

    @functools.partial(
        pl.kernel,
        mesh=mesh,
        out_type=jax.ShapeDtypeStruct((NC, NPAD, d), jnp.float32),
        compiler_params=pltpu.CompilerParams(use_tc_tiling_on_sc=False),
        scratch_types=[
            pltpu.VMEM((2 * PNB, BLK_E), jnp.int32),
            pltpu.VMEM((2 * PNB, BLK_E), jnp.int32),
            pltpu.VMEM((BLK_E, d), jnp.float32),
            pltpu.VMEM((BLK_E, d), jnp.float32),
            pltpu.VMEM_SHARED((NPAD, d), jnp.float32),
            pltpu.SemaphoreType.DMA,
            pltpu.SemaphoreType.DMA,
            pltpu.SemaphoreType.DMA,
            pltpu.SemaphoreType.DMA,
        ],
    )
    def k(y_hbm, comb_hbm, out_hbm, ib0, ib1, rows0, rows1, acc,
          sem0, sem1, semi0, semi1):
        c = lax.axis_index("c")
        s = lax.axis_index("s")
        base_blk = jnp.where(c == 0, s * NBLK0, NS * NBLK0 + s * NBLK1)
        nph = jnp.where(c == 0, NBLK0 // PNB, NBLK1 // PNB)

        def fetch_idx(p, buf, sem):
            pltpu.async_copy(
                comb_hbm.at[pl.ds(2 * (base_blk + p * PNB), 2 * PNB)], buf, sem)

        def drain_idx(buf, sem):
            pltpu.make_async_copy(comb_hbm.at[pl.ds(0, 2 * PNB)], buf,
                                  sem).wait()

        @pl.when(nph > 0)
        def _():
            fetch_idx(0, ib0, semi0)

        def zrow(i, carry):
            def zcol(j, carry2):
                rows0[i, pl.ds(j * 16, 16)] = jnp.zeros((16,), jnp.float32)
                return carry2

            lax.fori_loop(0, d // 16, zcol, 0)
            return carry

        lax.fori_loop(0, BLK_E, zrow, 0)

        def zero(b, carry):
            pltpu.sync_copy(rows0, acc.at[pl.ds(s * ZROWS + b * BLK_E, BLK_E)])
            return carry

        lax.fori_loop(0, ZB, zero, 0)
        plsc.subcore_barrier()

        def gather(ib, j, buf, sem):
            pltpu.async_copy(y_hbm.at[ib.at[2 * j]], buf, sem)

        def drain(buf, sem):
            pltpu.make_async_copy(y_hbm.at[pl.ds(0, BLK_E)], buf, sem).wait()

        def scatter(ib, j, buf):
            pltpu.sync_copy(buf, acc.at[ib.at[2 * j + 1]], add=True)

        def run_phase(ib):
            gather(ib, 0, rows0, sem0)

            def body(i, carry):
                j = 2 * i
                gather(ib, j + 1, rows1, sem1)
                drain(rows0, sem0)
                scatter(ib, j, rows0)
                gather(ib, j + 2, rows0, sem0)
                drain(rows1, sem1)
                scatter(ib, j + 1, rows1)
                return carry

            lax.fori_loop(0, PNB // 2 - 1, body, 0)
            gather(ib, PNB - 1, rows1, sem1)
            drain(rows0, sem0)
            scatter(ib, PNB - 2, rows0)
            drain(rows1, sem1)
            scatter(ib, PNB - 1, rows1)

        def phase(p, carry):
            @pl.when(p % 2 == 0)
            def _():
                @pl.when(p + 1 < nph)
                def _():
                    fetch_idx(p + 1, ib1, semi1)

                drain_idx(ib0, semi0)
                run_phase(ib0)

            @pl.when(p % 2 == 1)
            def _():
                @pl.when(p + 1 < nph)
                def _():
                    fetch_idx(p + 1, ib0, semi0)

                drain_idx(ib1, semi1)
                run_phase(ib1)

            return carry

        lax.fori_loop(0, nph, phase, 0)
        plsc.subcore_barrier()
        pltpu.sync_copy(
            acc.at[pl.ds(s * ZROWS, ZROWS)],
            out_hbm.at[c, pl.ds(s * ZROWS, ZROWS)],
        )

    return k(y, comb2d)


def _tc_prep(deg_parts, x_pad):
    blk = 1024

    def body(d_ref, x_ref, dinv_ref, y_ref):
        deg = d_ref[0, :, 0:1] + d_ref[1, :, 0:1] + 1.0
        dinv = lax.rsqrt(deg)
        dinv_ref[...] = dinv
        y_ref[...] = x_ref[...] * dinv

    return pl.pallas_call(
        body,
        grid=(NPAD // blk,),
        in_specs=[
            pl.BlockSpec((NC, blk, 16), lambda i: (0, i, 0)),
            pl.BlockSpec((blk, DIN), lambda i: (i, 0)),
        ],
        out_specs=[
            pl.BlockSpec((blk, 1), lambda i: (i, 0)),
            pl.BlockSpec((blk, DIN), lambda i: (i, 0)),
        ],
        out_shape=[
            jax.ShapeDtypeStruct((NPAD, 1), jnp.float32),
            jax.ShapeDtypeStruct((NPAD, DIN), jnp.float32),
        ],
    )(deg_parts, x_pad)


def _tc_mlp(agg_parts, y, dinv, w1, b1r, w2p):
    blk = 512

    def body(a_ref, y_ref, dinv_ref, w1_ref, b1_ref, w2_ref, out_ref):
        z = (a_ref[0] + a_ref[1] + y_ref[...]) * dinv_ref[...]
        h = jnp.dot(z, w1_ref[...], preferred_element_type=jnp.float32)
        h = jnp.maximum(h + b1_ref[...], 0.0)
        p = jnp.dot(h, w2_ref[...], preferred_element_type=jnp.float32)
        out_ref[...] = p * dinv_ref[...]

    return pl.pallas_call(
        body,
        grid=(NPAD // blk,),
        in_specs=[
            pl.BlockSpec((NC, blk, DIN), lambda i: (0, i, 0)),
            pl.BlockSpec((blk, DIN), lambda i: (i, 0)),
            pl.BlockSpec((blk, 1), lambda i: (i, 0)),
            pl.BlockSpec((DIN, DH), lambda i: (0, 0)),
            pl.BlockSpec((1, DH), lambda i: (0, 0)),
            pl.BlockSpec((DH, DOP), lambda i: (0, 0)),
        ],
        out_specs=pl.BlockSpec((blk, DOP), lambda i: (i, 0)),
        out_shape=jax.ShapeDtypeStruct((NPAD, DOP), jnp.float32),
    )(agg_parts, y, dinv, w1, b1r, w2p)


def _tc_logsoftmax(agg_parts, y2, dinv, b2p):
    blk = 1024

    def body(a_ref, y2_ref, dinv_ref, b2_ref, out_ref):
        z = (a_ref[0] + a_ref[1] + y2_ref[...]) * dinv_ref[...] + b2_ref[...]
        col = lax.broadcasted_iota(jnp.int32, z.shape, 1)
        mask = col < DOUT
        zm = jnp.where(mask, z, -jnp.inf)
        m = jnp.max(zm, axis=1, keepdims=True)
        e = jnp.where(mask, jnp.exp(z - m), 0.0)
        lse = jnp.log(jnp.sum(e, axis=1, keepdims=True))
        out_ref[...] = z - m - lse

    return pl.pallas_call(
        body,
        grid=(NPAD // blk,),
        in_specs=[
            pl.BlockSpec((NC, blk, DOP), lambda i: (0, i, 0)),
            pl.BlockSpec((blk, DOP), lambda i: (i, 0)),
            pl.BlockSpec((blk, 1), lambda i: (i, 0)),
            pl.BlockSpec((1, DOP), lambda i: (0, 0)),
        ],
        out_specs=pl.BlockSpec((blk, DOP), lambda i: (i, 0)),
        out_shape=jax.ShapeDtypeStruct((NPAD, DOP), jnp.float32),
    )(agg_parts, y2, dinv, b2p)


def kernel(x, edge_index, W1, b1, W2, b2):
    src = edge_index[0]
    dst = edge_index[1]
    pad = EPAD - E
    pad_ids = jnp.arange(pad, dtype=jnp.int32)
    src2d = jnp.concatenate(
        [src, pad_ids % N]).reshape(EPAD // BLK_E, BLK_E)
    dst2d = jnp.concatenate(
        [dst, N + pad_ids % (NPAD - N)]).reshape(EPAD // BLK_E, BLK_E)
    comb2d = jnp.stack([src2d, dst2d], axis=1).reshape(2 * EPAD // BLK_E, BLK_E)
    x_pad = jnp.pad(x, ((0, NPAD - N), (0, 0)))
    w2p = jnp.pad(W2, ((0, 0), (0, DOP - DOUT)))
    b1r = b1.reshape(1, DH)
    b2p = jnp.pad(b2, (0, DOP - DOUT)).reshape(1, DOP)

    deg_parts = _sc_degree(dst2d)
    dinv, y = _tc_prep(deg_parts, x_pad)
    agg1 = _sc_agg(y, comb2d, DIN)
    y2 = _tc_mlp(agg1, y, dinv, W1, b1r, w2p)
    agg2 = _sc_agg(y2, comb2d, DOP)
    out = _tc_logsoftmax(agg2, y2, dinv, b2p)
    return out[:N, :DOUT]

# --- scband reference (transcript-rebuilt; emitter-appended) ---
"""Pipeline reference for scband-gcn-83940840833056 (READ-ONLY COPY).

The authoritative reference and input builder live on the scoring server;
editing this copy changes nothing except your own understanding.
"""

import jax, jax.numpy as jnp
import numpy as np

N = 10000
E = 320000
D_IN = 128
D_H = 256
D_OUT = 40


def _glorot(key, fan_in, fan_out):
    limit = np.sqrt(6.0 / (fan_in + fan_out))
    return jax.random.uniform(key, (fan_in, fan_out), dtype=jnp.float32, minval=-limit, maxval=limit)


def setup_inputs(seed: int = 0) -> dict:
    key = jax.random.key(seed)
    k1, k2, k3, k4 = jax.random.split(key, 4)
    x = jax.random.normal(k1, (N, D_IN), dtype=jnp.float32)
    edge_index = jax.random.randint(k2, (2, E), 0, N, dtype=jnp.int32)
    W1 = _glorot(k3, D_IN, D_H)
    b1 = jnp.zeros((D_H,), dtype=jnp.float32)
    W2 = _glorot(k4, D_H, D_OUT)
    b2 = jnp.zeros((D_OUT,), dtype=jnp.float32)
    return {"x": x, "edge_index": edge_index, "W1": W1, "b1": b1, "W2": W2, "b2": b2}


def _gcn_conv(x, edge_index, W, b):
    # GCNConv: x' = D^{-1/2} (A + I) D^{-1/2} X W + b  (symmetric norm, self-loops)
    src = edge_index[0]
    dst = edge_index[1]
    loop = jnp.arange(N, dtype=src.dtype)
    src = jnp.concatenate([src, loop])
    dst = jnp.concatenate([dst, loop])
    h = x @ W
    deg = jax.ops.segment_sum(jnp.ones(src.shape, dtype=h.dtype), dst, num_segments=N)
    dinv = jnp.where(deg > 0, 1.0 / jnp.sqrt(deg), 0.0)
    norm = dinv[src] * dinv[dst]
    msg = h[src] * norm[:, None]
    out = jax.ops.segment_sum(msg, dst, num_segments=N)
    return out + b


def reference(x, edge_index, W1, b1, W2, b2):
    h = jax.nn.relu(_gcn_conv(x, edge_index, W1, b1))
    # F.dropout(training=self.training) is identity at inference time
    h = _gcn_conv(h, edge_index, W2, b2)
    return jax.nn.log_softmax(h, axis=1)

if __name__ == "__main__":
    import jax
    _d = setup_inputs()
    print(jax.jit(kernel)(*tuple(_d.values())))

</pallas_src>

<mosaic_0001>
#map = affine_map<(d0, d1) -> (0, 0)>
#map1 = affine_map<(d0, d1) -> (0, 0, 0)>
module attributes {stable_mosaic.version = 14 : i64} {
  func.func @k(%arg0: i32, %arg1: i32, %arg2: memref<2560x128xi32, #tpu.memory_space<hbm>>, %arg3: memref<2x10240x16xf32, #tpu.memory_space<hbm>>, %arg4: memref<80x128xi32, #tpu.memory_space<vmem>>, %arg5: memref<128x16xf32, #tpu.memory_space<vmem>>, %arg6: memref<128x16xf32, #tpu.memory_space<vmem>>, %arg7: memref<10240x16xf32, #tpu.memory_space<vmem_shared>>) attributes {dimension_semantics = [#tpu.dimension_semantics<core_parallel>, #tpu.dimension_semantics<subcore_parallel>], iteration_bounds = array<i64: 2, 16>, scalar_prefetch = 0 : i64, scratch_operands = 4 : i64, tpu.core_type = #tpu.core_type<sc_vector_subcore>, window_params = [{transform_indices = #map}, {transform_indices = #map1}]} {
    %mul3A = arith.constant 16 : i32
    %mul3A_0 = arith.muli %arg0, %mul3A : i32
    %add3A = arith.addi %mul3A_0, %arg1 : i32
    %scan3A = arith.constant 0 : i32
    %scan3A_1 = arith.constant 0 : i32
    %scan3A_2 = arith.constant 128 : i32
    %scan3A_3 = arith.addi %scan3A_1, %scan3A_2 : i32
    %scan3A_4 = arith.constant 1 : i32
    scf.for %scan3A_25 = %scan3A_1 to %scan3A_3 step %scan3A_4  : i32 {
      %broadcast_in_dim3A = arith.constant 1.000000e+00 : f32
      %broadcast_in_dim3A_26 = vector.broadcast %broadcast_in_dim3A : f32 to vector<16xf32>
      %swap3A = arith.index_cast %scan3A_25 : i32 to index
      %swap3A_27 = arith.constant 0 : index
      %swap3A_28 = tpu.vector_load %arg5[%swap3A, %swap3A_27] {strides = array<i32>} : memref<128x16xf32, #tpu.memory_space<vmem>>, vector<1x16xf32>,
      %swap3A_29 = vector.shape_cast %swap3A_28 : vector<1x16xf32> to vector<16xf32>
      %swap3A_30 = vector.shape_cast %broadcast_in_dim3A_26 : vector<16xf32> to vector<1x16xf32>
      tpu.vector_store %arg5[%swap3A, %swap3A_27], %swap3A_30 {strides = array<i32>} : memref<128x16xf32, #tpu.memory_space<vmem>>, vector<1x16xf32>,
      %broadcast_in_dim3A_31 = arith.constant 0.000000e+00 : f32
      %broadcast_in_dim3A_32 = vector.broadcast %broadcast_in_dim3A_31 : f32 to vector<16xf32>
      %swap3A_33 = arith.index_cast %scan3A_25 : i32 to index
      %swap3A_34 = arith.constant 0 : index
      %swap3A_35 = tpu.vector_load %arg6[%swap3A_33, %swap3A_34] {strides = array<i32>} : memref<128x16xf32, #tpu.memory_space<vmem>>, vector<1x16xf32>,
      %swap3A_36 = vector.shape_cast %swap3A_35 : vector<1x16xf32> to vector<16xf32>
      %swap3A_37 = vector.shape_cast %broadcast_in_dim3A_32 : vector<16xf32> to vector<1x16xf32>
      tpu.vector_store %arg6[%swap3A_33, %swap3A_34], %swap3A_37 {strides = array<i32>} : memref<128x16xf32, #tpu.memory_space<vmem>>, vector<1x16xf32>,
    }
    %scan3A_5 = arith.constant 128 : i32
    %scan3A_6 = arith.constant 0 : i32
    %scan3A_7 = arith.constant 0 : i32
    %scan3A_8 = arith.constant 5 : i32
    %scan3A_9 = arith.addi %scan3A_7, %scan3A_8 : i32
    %scan3A_10 = arith.constant 1 : i32
    scf.for %scan3A_25 = %scan3A_7 to %scan3A_9 step %scan3A_10  : i32 {
      %mul3A_26 = arith.constant 640 : i32
      %mul3A_27 = arith.muli %arg1, %mul3A_26 : i32
      %mul3A_28 = arith.constant 128 : i32
      %mul3A_29 = arith.muli %scan3A_25, %mul3A_28 : i32
      %add3A_30 = arith.addi %mul3A_27, %mul3A_29 : i32
      "tpu.region"() ({
        %run_scoped3A = tpu.sem_alloc : memref<!tpu.dma_semaphore, #tpu.memory_space<semaphore_mem>>
        %dma_start3A = arith.constant 0 : i32
        %dma_start3A_31 = tpu.memref_slice %arg7[%add3A_30, %dma_start3A] : memref<10240x16xf32, #tpu.memory_space<vmem_shared>> -> memref<128x16xf32, #tpu.memory_space<vmem_shared>>
        %dma_start3A_32 = arith.constant 0 : i32
        %dma_start3A_33 = tpu.memref_slice %arg7[%add3A_30, %dma_start3A_32] : memref<10240x16xf32, #tpu.memory_space<vmem_shared>> -> memref<128x16xf32, #tpu.memory_space<vmem_shared>>
        tpu.enqueue_dma source(%arg6 : memref<128x16xf32, #tpu.memory_space<vmem>>) target(%dma_start3A_33 : memref<128x16xf32, #tpu.memory_space<vmem_shared>>) target_semaphore(%run_scoped3A : memref<!tpu.dma_semaphore, #tpu.memory_space<semaphore_mem>>)
        %dma_wait3A = arith.constant 0 : i32
        %dma_wait3A_34 = tpu.memref_slice %arg7[%add3A_30, %dma_wait3A] : memref<10240x16xf32, #tpu.memory_space<vmem_shared>> -> memref<128x16xf32, #tpu.memory_space<vmem_shared>>
        %dma_wait3A_35 = arith.constant 0 : i32
        %dma_wait3A_36 = tpu.memref_slice %arg7[%add3A_30, %dma_wait3A_35] : memref<10240x16xf32, #tpu.memory_space<vmem_shared>> -> memref<128x16xf32, #tpu.memory_space<vmem_shared>>
        tpu.wait_dma2 semaphore(%run_scoped3A : memref<!tpu.dma_semaphore, #tpu.memory_space<semaphore_mem>>) src(%arg6 : memref<128x16xf32, #tpu.memory_space<vmem>>) dst(%dma_wait3A_36 : memref<128x16xf32, #tpu.memory_space<vmem_shared>>)
        tpu.yield
      }) : () -> ()
    }
    %scan3A_11 = arith.constant 5 : i32
    %mul3A_12 = arith.constant 80 : i32
    %mul3A_13 = arith.muli %add3A, %mul3A_12 : i32
    "tpu.region"() ({
      %run_scoped3A = tpu.sem_alloc : memref<!tpu.dma_semaphore, #tpu.memory_space<semaphore_mem>>
      %dma_start3A = arith.constant 0 : i32
      %dma_start3A_25 = tpu.memref_slice %arg2[%mul3A_13, %dma_start3A] : memref<2560x128xi32, #tpu.memory_space<hbm>> -> memref<80x128xi32, #tpu.memory_space<hbm>>
      %dma_start3A_26 = arith.constant 0 : i32
      %dma_start3A_27 = tpu.memref_slice %arg2[%mul3A_13, %dma_start3A_26] : memref<2560x128xi32, #tpu.memory_space<hbm>> -> memref<80x128xi32, #tpu.memory_space<hbm>>
      tpu.enqueue_dma source(%dma_start3A_27 : memref<80x128xi32, #tpu.memory_space<hbm>>) target(%arg4 : memref<80x128xi32, #tpu.memory_space<vmem>>) target_semaphore(%run_scoped3A : memref<!tpu.dma_semaphore, #tpu.memory_space<semaphore_mem>>)
      %dma_wait3A = arith.constant 0 : i32
      %dma_wait3A_28 = tpu.memref_slice %arg2[%mul3A_13, %dma_wait3A] : memref<2560x128xi32, #tpu.memory_space<hbm>> -> memref<80x128xi32, #tpu.memory_space<hbm>>
      %dma_wait3A_29 = arith.constant 0 : i32
      %dma_wait3A_30 = tpu.memref_slice %arg2[%mul3A_13, %dma_wait3A_29] : memref<2560x128xi32, #tpu.memory_space<hbm>> -> memref<80x128xi32, #tpu.memory_space<hbm>>
      tpu.wait_dma2 semaphore(%run_scoped3A : memref<!tpu.dma_semaphore, #tpu.memory_space<semaphore_mem>>) src(%dma_wait3A_30 : memref<80x128xi32, #tpu.memory_space<hbm>>) dst(%arg4 : memref<80x128xi32, #tpu.memory_space<vmem>>)
      tpu.yield
    }) : () -> ()
    %barrier3A = arith.constant 0 : index
    tpu.barrier barrier_id(%barrier3A)
    %scan3A_14 = arith.constant 0 : i32
    %scan3A_15 = arith.constant 0 : i32
    %scan3A_16 = arith.constant 80 : i32
    %scan3A_17 = arith.addi %scan3A_15, %scan3A_16 : i32
    %scan3A_18 = arith.constant 1 : i32
    scf.for %scan3A_25 = %scan3A_15 to %scan3A_17 step %scan3A_18  : i32 {
      "tpu.region"() ({
        %run_scoped3A = tpu.sem_alloc : memref<!tpu.dma_semaphore, #tpu.memory_space<semaphore_mem>>
        %dma_start3A = arith.constant 0 : i32
        %dma_start3A_26 = tpu.memref_slice %arg4[%scan3A_25, %dma_start3A] : memref<80x128xi32, #tpu.memory_space<vmem>> -> memref<1x128xi32, #tpu.memory_space<vmem>>
        %dma_start3A_27 = tpu.memref_squeeze %dma_start3A_26 : memref<1x128xi32, #tpu.memory_space<vmem>> -> memref<128xi32, #tpu.memory_space<vmem>>
        %dma_start3A_28 = arith.constant 0 : i32
        %dma_start3A_29 = arith.constant 0 : i32
        %dma_start3A_30 = tpu.memref_slice %arg7[%dma_start3A_28, %dma_start3A_29] : memref<10240x16xf32, #tpu.memory_space<vmem_shared>> -> memref<10240x16xf32, #tpu.memory_space<vmem_shared>>
        tpu.enqueue_indirect_dma source(%arg5 : memref<128x16xf32, #tpu.memory_space<vmem>>) target(%dma_start3A_30 : memref<10240x16xf32, #tpu.memory_space<vmem_shared>>) offsets(%dma_start3A_27 : memref<128xi32, #tpu.memory_space<vmem>>) semaphore(%run_scoped3A : memref<!tpu.dma_semaphore, #tpu.memory_space<semaphore_mem>>) {add = true}
        %dma_wait3A = arith.constant 0 : i32
        %dma_wait3A_31 = tpu.memref_slice %arg4[%scan3A_25, %dma_wait3A] : memref<80x128xi32, #tpu.memory_space<vmem>> -> memref<1x128xi32, #tpu.memory_space<vmem>>
        %dma_wait3A_32 = tpu.memref_squeeze %dma_wait3A_31 : memref<1x128xi32, #tpu.memory_space<vmem>> -> memref<128xi32, #tpu.memory_space<vmem>>
        %dma_wait3A_33 = arith.constant 0 : i32
        %dma_wait3A_34 = arith.constant 0 : i32
        %dma_wait3A_35 = tpu.memref_slice %arg7[%dma_wait3A_33, %dma_wait3A_34] : memref<10240x16xf32, #tpu.memory_space<vmem_shared>> -> memref<10240x16xf32, #tpu.memory_space<vmem_shared>>
        tpu.wait_indirect_dma semaphore(%run_scoped3A : memref<!tpu.dma_semaphore, #tpu.memory_space<semaphore_mem>>) src(%arg5 : memref<128x16xf32, #tpu.memory_space<vmem>>) dst(%dma_wait3A_35 : memref<10240x16xf32, #tpu.memory_space<vmem_shared>>)
        tpu.yield
      }) : () -> ()
    }
    %scan3A_19 = arith.constant 80 : i32
    %barrier3A_20 = arith.constant 0 : index
    tpu.barrier barrier_id(%barrier3A_20)
    %mul3A_21 = arith.constant 640 : i32
    %mul3A_22 = arith.muli %arg1, %mul3A_21 : i32
    %mul3A_23 = arith.constant 640 : i32
    %mul3A_24 = arith.muli %arg1, %mul3A_23 : i32
    "tpu.region"() ({
      %run_scoped3A = tpu.sem_alloc : memref<!tpu.dma_semaphore, #tpu.memory_space<semaphore_mem>>
      %dma_start3A = arith.constant 0 : i32
      %dma_start3A_25 = tpu.memref_slice %arg3[%arg0, %mul3A_24, %dma_start3A] : memref<2x10240x16xf32, #tpu.memory_space<hbm>> -> memref<1x640x16xf32, #tpu.memory_space<hbm>>
      %dma_start3A_26 = tpu.memref_squeeze %dma_start3A_25 : memref<1x640x16xf32, #tpu.memory_space<hbm>> -> memref<640x16xf32, #tpu.memory_space<hbm>>
      %dma_start3A_27 = arith.constant 0 : i32
      %dma_start3A_28 = tpu.memref_slice %arg7[%mul3A_22, %dma_start3A_27] : memref<10240x16xf32, #tpu.memory_space<vmem_shared>> -> memref<640x16xf32, #tpu.memory_space<vmem_shared>>
      tpu.enqueue_dma source(%dma_start3A_28 : memref<640x16xf32, #tpu.memory_space<vmem_shared>>) target(%dma_start3A_26 : memref<640x16xf32, #tpu.memory_space<hbm>>) target_semaphore(%run_scoped3A : memref<!tpu.dma_semaphore, #tpu.memory_space<semaphore_mem>>)
      %dma_wait3A = arith.constant 0 : i32
      %dma_wait3A_29 = tpu.memref_slice %arg3[%arg0, %mul3A_24, %dma_wait3A] : memref<2x10240x16xf32, #tpu.memory_space<hbm>> -> memref<1x640x16xf32, #tpu.memory_space<hbm>>
      %dma_wait3A_30 = tpu.memref_squeeze %dma_wait3A_29 : memref<1x640x16xf32, #tpu.memory_space<hbm>> -> memref<640x16xf32, #tpu.memory_space<hbm>>
      %dma_wait3A_31 = arith.constant 0 : i32
      %dma_wait3A_32 = tpu.memref_slice %arg7[%mul3A_22, %dma_wait3A_31] : memref<10240x16xf32, #tpu.memory_space<vmem_shared>> -> memref<640x16xf32, #tpu.memory_space<vmem_shared>>
      tpu.wait_dma2 semaphore(%run_scoped3A : memref<!tpu.dma_semaphore, #tpu.memory_space<semaphore_mem>>) src(%dma_wait3A_32 : memref<640x16xf32, #tpu.memory_space<vmem_shared>>) dst(%dma_wait3A_30 : memref<640x16xf32, #tpu.memory_space<hbm>>)
      tpu.yield
    }) : () -> ()
    return
  }
}

#map = affine_map<(d0, d1) -> (0, 0)>
#map1 = affine_map<(d0, d1) -> (0, 0, 0)>
module attributes {stable_mosaic.version = 14 : i64} {
  func.func @k(%arg0: i32, %arg1: i32, %arg2: memref<10240x128xf32, #tpu.memory_space<hbm>>, %arg3: memref<5120x128xi32, #tpu.memory_space<hbm>>, %arg4: memref<2x10240x128xf32, #tpu.memory_space<hbm>>, %arg5: memref<32x128xi32, #tpu.memory_space<vmem>>, %arg6: memref<32x128xi32, #tpu.memory_space<vmem>>, %arg7: memref<128x128xf32, #tpu.memory_space<vmem>>, %arg8: memref<128x128xf32, #tpu.memory_space<vmem>>, %arg9: memref<10240x128xf32, #tpu.memory_space<vmem_shared>>, %arg10: memref<!tpu.dma_semaphore, #tpu.memory_space<semaphore_mem>>, %arg11: memref<!tpu.dma_semaphore, #tpu.memory_space<semaphore_mem>>, %arg12: memref<!tpu.dma_semaphore, #tpu.memory_space<semaphore_mem>>, %arg13: memref<!tpu.dma_semaphore, #tpu.memory_space<semaphore_mem>>) attributes {dimension_semantics = [#tpu.dimension_semantics<core_parallel>, #tpu.dimension_semantics<subcore_parallel>], iteration_bounds = array<i64: 2, 16>, scalar_prefetch = 0 : i64, scratch_operands = 9 : i64, tpu.core_type = #tpu.core_type<sc_vector_subcore>, window_params = [{transform_indices = #map}, {transform_indices = #map}, {transform_indices = #map1}]} {
    %eq3A = arith.constant 0 : i32
    %eq3A_0 = arith.cmpi eq, %arg0, %eq3A : i32
    %mul3A = arith.constant 80 : i32
    %mul3A_1 = arith.muli %arg1, %mul3A : i32
    %mul3A_2 = arith.constant 80 : i32
    %mul3A_3 = arith.muli %arg1, %mul3A_2 : i32
    %add3A = arith.constant 1280 : i32
    %add3A_4 = arith.addi %add3A, %mul3A_3 : i32
    %select_n3A = arith.select %eq3A_0, %mul3A_1, %add3A_4 : i32
    %eq3A_5 = arith.constant 0 : i32
    %eq3A_6 = arith.cmpi eq, %arg0, %eq3A_5 : i32
    %jit3A = arith.constant 5 : i32
    %jit3A_7 = arith.constant 5 : i32
    %select_n3A_8 = arith.select %eq3A_6, %jit3A, %jit3A_7 : i32
    %gt3A = arith.constant 0 : i32
    %gt3A_9 = arith.cmpi sgt, %select_n3A_8, %gt3A : i32
    %convert_element_type3A = arith.extui %gt3A_9 : i1 to i32
    %cond3A = arith.constant 0 : i32
    %cond3A_10 = arith.cmpi ne, %convert_element_type3A, %cond3A : i32
    scf.if %cond3A_10 {
      %add3A_36 = arith.constant 0 : i32
      %add3A_37 = arith.addi %select_n3A, %add3A_36 : i32
      %mul3A_38 = arith.constant 2 : i32
      %mul3A_39 = arith.muli %mul3A_38, %add3A_37 : i32
      %dma_start3A = arith.constant 0 : i32
      %dma_start3A_40 = tpu.memref_slice %arg3[%mul3A_39, %dma_start3A] : memref<5120x128xi32, #tpu.memory_space<hbm>> -> memref<32x128xi32, #tpu.memory_space<hbm>>
      %dma_start3A_41 = arith.constant 0 : i32
      %dma_start3A_42 = tpu.memref_slice %arg3[%mul3A_39, %dma_start3A_41] : memref<5120x128xi32, #tpu.memory_space<hbm>> -> memref<32x128xi32, #tpu.memory_space<hbm>>
      tpu.enqueue_dma source(%dma_start3A_42 : memref<32x128xi32, #tpu.memory_space<hbm>>) target(%arg5 : memref<32x128xi32, #tpu.memory_space<vmem>>) target_semaphore(%arg12 : memref<!tpu.dma_semaphore, #tpu.memory_space<semaphore_mem>>)
    } else {
    }
    %scan3A = arith.constant 0 : i32
    %scan3A_11 = arith.constant 0 : i32
    %scan3A_12 = arith.constant 128 : i32
    %scan3A_13 = arith.addi %scan3A_11, %scan3A_12 : i32
    %scan3A_14 = arith.constant 1 : i32
    scf.for %scan3A_36 = %scan3A_11 to %scan3A_13 step %scan3A_14  : i32 {
      %scan3A_37 = arith.constant 0 : i32
      %scan3A_38 = arith.constant 0 : i32
      %scan3A_39 = arith.constant 8 : i32
      %scan3A_40 = arith.addi %scan3A_38, %scan3A_39 : i32
      %scan3A_41 = arith.constant 1 : i32
      scf.for %scan3A_43 = %scan3A_38 to %scan3A_40 step %scan3A_41  : i32 {
        %broadcast_in_dim3A = arith.constant 0.000000e+00 : f32
        %broadcast_in_dim3A_44 = vector.broadcast %broadcast_in_dim3A : f32 to vector<16xf32>
        %mul3A_45 = arith.constant 16 : i32
        %mul3A_46 = arith.muli %scan3A_43, %mul3A_45 : i32
        %swap3A = arith.index_cast %scan3A_36 : i32 to index
        %swap3A_47 = arith.index_cast %mul3A_46 : i32 to index
        %swap3A_48 = tpu.vector_load %arg7[%swap3A, %swap3A_47] {strides = array<i32>} : memref<128x128xf32, #tpu.memory_space<vmem>>, vector<1x16xf32>,
        %swap3A_49 = vector.shape_cast %swap3A_48 : vector<1x16xf32> to vector<16xf32>
        %swap3A_50 = vector.shape_cast %broadcast_in_dim3A_44 : vector<16xf32> to vector<1x16xf32>
        tpu.vector_store %arg7[%swap3A, %swap3A_47], %swap3A_50 {strides = array<i32>} : memref<128x128xf32, #tpu.memory_space<vmem>>, vector<1x16xf32>,
      }
      %scan3A_42 = arith.constant 8 : i32
    }
    %scan3A_15 = arith.constant 128 : i32
    %scan3A_16 = arith.constant 0 : i32
    %scan3A_17 = arith.constant 0 : i32
    %scan3A_18 = arith.constant 5 : i32
    %scan3A_19 = arith.addi %scan3A_17, %scan3A_18 : i32
    %scan3A_20 = arith.constant 1 : i32
    scf.for %scan3A_36 = %scan3A_17 to %scan3A_19 step %scan3A_20  : i32 {
      %mul3A_37 = arith.constant 640 : i32
      %mul3A_38 = arith.muli %arg1, %mul3A_37 : i32
      %mul3A_39 = arith.constant 128 : i32
      %mul3A_40 = arith.muli %scan3A_36, %mul3A_39 : i32
      %add3A_41 = arith.addi %mul3A_38, %mul3A_40 : i32
      "tpu.region"() ({
        %run_scoped3A = tpu.sem_alloc : memref<!tpu.dma_semaphore, #tpu.memory_space<semaphore_mem>>
        %dma_start3A = arith.constant 0 : i32
        %dma_start3A_42 = tpu.memref_slice %arg9[%add3A_41, %dma_start3A] : memref<10240x128xf32, #tpu.memory_space<vmem_shared>> -> memref<128x128xf32, #tpu.memory_space<vmem_shared>>
        %dma_start3A_43 = arith.constant 0 : i32
        %dma_start3A_44 = tpu.memref_slice %arg9[%add3A_41, %dma_start3A_43] : memref<10240x128xf32, #tpu.memory_space<vmem_shared>> -> memref<128x128xf32, #tpu.memory_space<vmem_shared>>
        tpu.enqueue_dma source(%arg7 : memref<128x128xf32, #tpu.memory_space<vmem>>) target(%dma_start3A_44 : memref<128x128xf32, #tpu.memory_space<vmem_shared>>) target_semaphore(%run_scoped3A : memref<!tpu.dma_semaphore, #tpu.memory_space<semaphore_mem>>)
        %dma_wait3A = arith.constant 0 : i32
        %dma_wait3A_45 = tpu.memref_slice %arg9[%add3A_41, %dma_wait3A] : memref<10240x128xf32, #tpu.memory_space<vmem_shared>> -> memref<128x128xf32, #tpu.memory_space<vmem_shared>>
        %dma_wait3A_46 = arith.constant 0 : i32
        %dma_wait3A_47 = tpu.memref_slice %arg9[%add3A_41, %dma_wait3A_46] : memref<10240x128xf32, #tpu.memory_space<vmem_shared>> -> memref<128x128xf32, #tpu.memory_space<vmem_shared>>
        tpu.wait_dma2 semaphore(%run_scoped3A : memref<!tpu.dma_semaphore, #tpu.memory_space<semaphore_mem>>) src(%arg7 : memref<128x128xf32, #tpu.memory_space<vmem>>) dst(%dma_wait3A_47 : memref<128x128xf32, #tpu.memory_space<vmem_shared>>)
        tpu.yield
      }) : () -> ()
    }
    %scan3A_21 = arith.constant 5 : i32
    %barrier3A = arith.constant 0 : index
    tpu.barrier barrier_id(%barrier3A)
    %while3A = arith.constant 0 : i32
    %while3A_22 = arith.constant 0 : i32
    %while3A_23 = arith.subi %select_n3A_8, %while3A_22 : i32
    %while3A_24 = arith.addi %while3A_22, %while3A_23 : i32
    %while3A_25 = arith.constant 1 : i32
    %while3A_26 = arith.divsi %while3A_23, %while3A_25 : i32
    %while3A_27 = arith.muli %while3A_26, %while3A_25 : i32
    %while3A_28 = arith.addi %while3A_22, %while3A_27 : i32
    %while3A_29 = arith.constant 1 : i32
    scf.for %while3A_36 = %while3A_22 to %while3A_28 step %while3A_29  : i32 {
      %jit3A_37 = arith.constant 2 : i32
      %eq3A_38 = arith.constant 0 : i32
      %eq3A_39 = arith.cmpi eq, %jit3A_37, %eq3A_38 : i32
      %jit3A_40 = arith.constant 1 : i32
      %select_n3A_41 = arith.select %eq3A_39, %jit3A_40, %jit3A_37 : i32
      %rem3A = arith.remsi %while3A_36, %select_n3A_41 : i32
      %ne3A = arith.constant 0 : i32
      %ne3A_42 = arith.cmpi ne, %rem3A, %ne3A : i32
      %lt3A = arith.constant 0 : i32
      %lt3A_43 = arith.cmpi slt, %rem3A, %lt3A : i32
      %lt3A_44 = arith.constant 0 : i32
      %lt3A_45 = arith.cmpi slt, %select_n3A_41, %lt3A_44 : i32
      %ne3A_46 = arith.xori %lt3A_43, %lt3A_45 : i1
      %and3A = arith.andi %ne3A_46, %ne3A_42 : i1
      %add3A_47 = arith.addi %rem3A, %select_n3A_41 : i32
      %select_n3A_48 = arith.select %and3A, %add3A_47, %rem3A : i32
      %eq3A_49 = arith.constant 0 : i32
      %eq3A_50 = arith.cmpi eq, %select_n3A_48, %eq3A_49 : i32
      %convert_element_type3A_51 = arith.extui %eq3A_50 : i1 to i32
      %cond3A_52 = arith.constant 0 : i32
      %cond3A_53 = arith.cmpi ne, %convert_element_type3A_51, %cond3A_52 : i32
      scf.if %cond3A_53 {
        %add3A_75 = arith.constant 1 : i32
        %add3A_76 = arith.addi %while3A_36, %add3A_75 : i32
        %lt3A_77 = arith.cmpi slt, %add3A_76, %select_n3A_8 : i32
        %convert_element_type3A_78 = arith.extui %lt3A_77 : i1 to i32
        %cond3A_79 = arith.constant 0 : i32
        %cond3A_80 = arith.cmpi ne, %convert_element_type3A_78, %cond3A_79 : i32
        scf.if %cond3A_80 {
          %add3A_118 = arith.constant 1 : i32
          %add3A_119 = arith.addi %while3A_36, %add3A_118 : i32
          %mul3A_120 = arith.constant 16 : i32
          %mul3A_121 = arith.muli %add3A_119, %mul3A_120 : i32
          %add3A_122 = arith.addi %select_n3A, %mul3A_121 : i32
          %mul3A_123 = arith.constant 2 : i32
          %mul3A_124 = arith.muli %mul3A_123, %add3A_122 : i32
          %dma_start3A_125 = arith.constant 0 : i32
          %dma_start3A_126 = tpu.memref_slice %arg3[%mul3A_124, %dma_start3A_125] : memref<5120x128xi32, #tpu.memory_space<hbm>> -> memref<32x128xi32, #tpu.memory_space<hbm>>
          %dma_start3A_127 = arith.constant 0 : i32
          %dma_start3A_128 = tpu.memref_slice %arg3[%mul3A_124, %dma_start3A_127] : memref<5120x128xi32, #tpu.memory_space<hbm>> -> memref<32x128xi32, #tpu.memory_space<hbm>>
          tpu.enqueue_dma source(%dma_start3A_128 : memref<32x128xi32, #tpu.memory_space<hbm>>) target(%arg6 : memref<32x128xi32, #tpu.memory_space<vmem>>) target_semaphore(%arg13 : memref<!tpu.dma_semaphore, #tpu.memory_space<semaphore_mem>>)
        } else {
        }
        %dma_wait3A = arith.constant 0 : i32
        %dma_wait3A_81 = arith.constant 0 : i32
        %dma_wait3A_82 = tpu.memref_slice %arg3[%dma_wait3A, %dma_wait3A_81] : memref<5120x128xi32, #tpu.memory_space<hbm>> -> memref<32x128xi32, #tpu.memory_space<hbm>>
        %dma_wait3A_83 = arith.constant 0 : i32
        %dma_wait3A_84 = arith.constant 0 : i32
        %dma_wait3A_85 = tpu.memref_slice %arg3[%dma_wait3A_83, %dma_wait3A_84] : memref<5120x128xi32, #tpu.memory_space<hbm>> -> memref<32x128xi32, #tpu.memory_space<hbm>>
        tpu.wait_dma2 semaphore(%arg12 : memref<!tpu.dma_semaphore, #tpu.memory_space<semaphore_mem>>) src(%dma_wait3A_85 : memref<32x128xi32, #tpu.memory_space<hbm>>) dst(%arg5 : memref<32x128xi32, #tpu.memory_space<vmem>>)
        %dma_start3A = arith.constant 0 : i32
        %dma_start3A_86 = arith.constant 0 : i32
        %dma_start3A_87 = tpu.memref_slice %arg5[%dma_start3A, %dma_start3A_86] : memref<32x128xi32, #tpu.memory_space<vmem>> -> memref<1x128xi32, #tpu.memory_space<vmem>>
        %dma_start3A_88 = tpu.memref_squeeze %dma_start3A_87 : memref<1x128xi32, #tpu.memory_space<vmem>> -> memref<128xi32, #tpu.memory_space<vmem>>
        %dma_start3A_89 = arith.constant 0 : i32
        %dma_start3A_90 = arith.constant 0 : i32
        %dma_start3A_91 = tpu.memref_slice %arg2[%dma_start3A_89, %dma_start3A_90] : memref<10240x128xf32, #tpu.memory_space<hbm>> -> memref<10240x128xf32, #tpu.memory_space<hbm>>
        tpu.enqueue_indirect_dma source(%dma_start3A_91 : memref<10240x128xf32, #tpu.memory_space<hbm>>) target(%arg7 : memref<128x128xf32, #tpu.memory_space<vmem>>) offsets(%dma_start3A_88 : memref<128xi32, #tpu.memory_space<vmem>>) semaphore(%arg10 : memref<!tpu.dma_semaphore, #tpu.memory_space<semaphore_mem>>)
        %scan3A_92 = arith.constant 0 : i32
        %scan3A_93 = arith.constant 0 : i32
        %scan3A_94 = arith.constant 7 : i32
        %scan3A_95 = arith.addi %scan3A_93, %scan3A_94 : i32
        %scan3A_96 = arith.constant 1 : i32
        scf.for %scan3A_118 = %scan3A_93 to %scan3A_95 step %scan3A_96  : i32 {
          %mul3A_119 = arith.constant 2 : i32
          %mul3A_120 = arith.muli %mul3A_119, %scan3A_118 : i32
          %add3A_121 = arith.constant 1 : i32
          %add3A_122 = arith.addi %mul3A_120, %add3A_121 : i32
          %mul3A_123 = arith.constant 2 : i32
          %mul3A_124 = arith.muli %mul3A_123, %add3A_122 : i32
          %dma_start3A_125 = arith.constant 0 : i32
          %dma_start3A_126 = tpu.memref_slice %arg5[%mul3A_124, %dma_start3A_125] : memref<32x128xi32, #tpu.memory_space<vmem>> -> memref<1x128xi32, #tpu.memory_space<vmem>>
          %dma_start3A_127 = tpu.memref_squeeze %dma_start3A_126 : memref<1x128xi32, #tpu.memory_space<vmem>> -> memref<128xi32, #tpu.memory_space<vmem>>
          %dma_start3A_128 = arith.constant 0 : i32
          %dma_start3A_129 = arith.constant 0 : i32
          %dma_start3A_130 = tpu.memref_slice %arg2[%dma_start3A_128, %dma_start3A_129] : memref<10240x128xf32, #tpu.memory_space<hbm>> -> memref<10240x128xf32, #tpu.memory_space<hbm>>
          tpu.enqueue_indirect_dma source(%dma_start3A_130 : memref<10240x128xf32, #tpu.memory_space<hbm>>) target(%arg8 : memref<128x128xf32, #tpu.memory_space<vmem>>) offsets(%dma_start3A_127 : memref<128xi32, #tpu.memory_space<vmem>>) semaphore(%arg11 : memref<!tpu.dma_semaphore, #tpu.memory_space<semaphore_mem>>)
          %dma_wait3A_131 = arith.constant 0 : i32
          %dma_wait3A_132 = arith.constant 0 : i32
          %dma_wait3A_133 = tpu.memref_slice %arg2[%dma_wait3A_131, %dma_wait3A_132] : memref<10240x128xf32, #tpu.memory_space<hbm>> -> memref<128x128xf32, #tpu.memory_space<hbm>>
          %dma_wait3A_134 = arith.constant 0 : i32
          %dma_wait3A_135 = arith.constant 0 : i32
          %dma_wait3A_136 = tpu.memref_slice %arg2[%dma_wait3A_134, %dma_wait3A_135] : memref<10240x128xf32, #tpu.memory_space<hbm>> -> memref<128x128xf32, #tpu.memory_space<hbm>>
          tpu.wait_dma2 semaphore(%arg10 : memref<!tpu.dma_semaphore, #tpu.memory_space<semaphore_mem>>) src(%dma_wait3A_136 : memref<128x128xf32, #tpu.memory_space<hbm>>) dst(%arg7 : memref<128x128xf32, #tpu.memory_space<vmem>>)
          %mul3A_137 = arith.constant 2 : i32
          %mul3A_138 = arith.muli %mul3A_137, %mul3A_120 : i32
          %add3A_139 = arith.constant 1 : i32
          %add3A_140 = arith.addi %mul3A_138, %add3A_139 : i32
          "tpu.region"() ({
            %run_scoped3A_163 = tpu.sem_alloc : memref<!tpu.dma_semaphore, #tpu.memory_space<semaphore_mem>>
            %dma_start3A_164 = arith.constant 0 : i32
            %dma_start3A_165 = tpu.memref_slice %arg5[%add3A_140, %dma_start3A_164] : memref<32x128xi32, #tpu.memory_space<vmem>> -> memref<1x128xi32, #tpu.memory_space<vmem>>
            %dma_start3A_166 = tpu.memref_squeeze %dma_start3A_165 : memref<1x128xi32, #tpu.memory_space<vmem>> -> memref<128xi32, #tpu.memory_space<vmem>>
            %dma_start3A_167 = arith.constant 0 : i32
            %dma_start3A_168 = arith.constant 0 : i32
            %dma_start3A_169 = tpu.memref_slice %arg9[%dma_start3A_167, %dma_start3A_168] : memref<10240x128xf32, #tpu.memory_space<vmem_shared>> -> memref<10240x128xf32, #tpu.memory_space<vmem_shared>>
            tpu.enqueue_indirect_dma source(%arg7 : memref<128x128xf32, #tpu.memory_space<vmem>>) target(%dma_start3A_169 : memref<10240x128xf32, #tpu.memory_space<vmem_shared>>) offsets(%dma_start3A_166 : memref<128xi32, #tpu.memory_space<vmem>>) semaphore(%run_scoped3A_163 : memref<!tpu.dma_semaphore, #tpu.memory_space<semaphore_mem>>) {add = true}
            %dma_wait3A_170 = arith.constant 0 : i32
            %dma_wait3A_171 = tpu.memref_slice %arg5[%add3A_140, %dma_wait3A_170] : memref<32x128xi32, #tpu.memory_space<vmem>> -> memref<1x128xi32, #tpu.memory_space<vmem>>
            %dma_wait3A_172 = tpu.memref_squeeze %dma_wait3A_171 : memref<1x128xi32, #tpu.memory_space<vmem>> -> memref<128xi32, #tpu.memory_space<vmem>>
            %dma_wait3A_173 = arith.constant 0 : i32
            %dma_wait3A_174 = arith.constant 0 : i32
            %dma_wait3A_175 = tpu.memref_slice %arg9[%dma_wait3A_173, %dma_wait3A_174] : memref<10240x128xf32, #tpu.memory_space<vmem_shared>> -> memref<10240x128xf32, #tpu.memory_space<vmem_shared>>
            tpu.wait_indirect_dma semaphore(%run_scoped3A_163 : memref<!tpu.dma_semaphore, #tpu.memory_space<semaphore_mem>>) src(%arg7 : memref<128x128xf32, #tpu.memory_space<vmem>>) dst(%dma_wait3A_175 : memref<10240x128xf32, #tpu.memory_space<vmem_shared>>)
            tpu.yield
          }) : () -> ()
          %add3A_141 = arith.constant 2 : i32
          %add3A_142 = arith.addi %mul3A_120, %add3A_141 : i32
          %mul3A_143 = arith.constant 2 : i32
          %mul3A_144 = arith.muli %mul3A_143, %add3A_142 : i32
          %dma_start3A_145 = arith.constant 0 : i32
          %dma_start3A_146 = tpu.memref_slice %arg5[%mul3A_144, %dma_start3A_145] : memref<32x128xi32, #tpu.memory_space<vmem>> -> memref<1x128xi32, #tpu.memory_space<vmem>>
          %dma_start3A_147 = tpu.memref_squeeze %dma_start3A_146 : memref<1x128xi32, #tpu.memory_space<vmem>> -> memref<128xi32, #tpu.memory_space<vmem>>
          %dma_start3A_148 = arith.constant 0 : i32
          %dma_start3A_149 = arith.constant 0 : i32
          %dma_start3A_150 = tpu.memref_slice %arg2[%dma_start3A_148, %dma_start3A_149] : memref<10240x128xf32, #tpu.memory_space<hbm>> -> memref<10240x128xf32, #tpu.memory_space<hbm>>
          tpu.enqueue_indirect_dma source(%dma_start3A_150 : memref<10240x128xf32, #tpu.memory_space<hbm>>) target(%arg7 : memref<128x128xf32, #tpu.memory_space<vmem>>) offsets(%dma_start3A_147 : memref<128xi32, #tpu.memory_space<vmem>>) semaphore(%arg10 : memref<!tpu.dma_semaphore, #tpu.memory_space<semaphore_mem>>)
          %dma_wait3A_151 = arith.constant 0 : i32
          %dma_wait3A_152 = arith.constant 0 : i32
          %dma_wait3A_153 = tpu.memref_slice %arg2[%dma_wait3A_151, %dma_wait3A_152] : memref<10240x128xf32, #tpu.memory_space<hbm>> -> memref<128x128xf32, #tpu.memory_space<hbm>>
          %dma_wait3A_154 = arith.constant 0 : i32
          %dma_wait3A_155 = arith.constant 0 : i32
          %dma_wait3A_156 = tpu.memref_slice %arg2[%dma_wait3A_154, %dma_wait3A_155] : memref<10240x128xf32, #tpu.memory_space<hbm>> -> memref<128x128xf32, #tpu.memory_space<hbm>>
          tpu.wait_dma2 semaphore(%arg11 : memref<!tpu.dma_semaphore, #tpu.memory_space<semaphore_mem>>) src(%dma_wait3A_156 : memref<128x128xf32, #tpu.memory_space<hbm>>) dst(%arg8 : memref<128x128xf32, #tpu.memory_space<vmem>>)
          %add3A_157 = arith.constant 1 : i32
          %add3A_158 = arith.addi %mul3A_120, %add3A_157 : i32
          %mul3A_159 = arith.constant 2 : i32
          %mul3A_160 = arith.muli %mul3A_159, %add3A_158 : i32
          %add3A_161 = arith.constant 1 : i32
          %add3A_162 = arith.addi %mul3A_160, %add3A_161 : i32
          "tpu.region"() ({
            %run_scoped3A_163 = tpu.sem_alloc : memref<!tpu.dma_semaphore, #tpu.memory_space<semaphore_mem>>
            %dma_start3A_164 = arith.constant 0 : i32
            %dma_start3A_165 = tpu.memref_slice %arg5[%add3A_162, %dma_start3A_164] : memref<32x128xi32, #tpu.memory_space<vmem>> -> memref<1x128xi32, #tpu.memory_space<vmem>>
            %dma_start3A_166 = tpu.memref_squeeze %dma_start3A_165 : memref<1x128xi32, #tpu.memory_space<vmem>> -> memref<128xi32, #tpu.memory_space<vmem>>
            %dma_start3A_167 = arith.constant 0 : i32
            %dma_start3A_168 = arith.constant 0 : i32
            %dma_start3A_169 = tpu.memref_slice %arg9[%dma_start3A_167, %dma_start3A_168] : memref<10240x128xf32, #tpu.memory_space<vmem_shared>> -> memref<10240x128xf32, #tpu.memory_space<vmem_shared>>
            tpu.enqueue_indirect_dma source(%arg8 : memref<128x128xf32, #tpu.memory_space<vmem>>) target(%dma_start3A_169 : memref<10240x128xf32, #tpu.memory_space<vmem_shared>>) offsets(%dma_start3A_166 : memref<128xi32, #tpu.memory_space<vmem>>) semaphore(%run_scoped3A_163 : memref<!tpu.dma_semaphore, #tpu.memory_space<semaphore_mem>>) {add = true}
            %dma_wait3A_170 = arith.constant 0 : i32
            %dma_wait3A_171 = tpu.memref_slice %arg5[%add3A_162, %dma_wait3A_170] : memref<32x128xi32, #tpu.memory_space<vmem>> -> memref<1x128xi32, #tpu.memory_space<vmem>>
            %dma_wait3A_172 = tpu.memref_squeeze %dma_wait3A_171 : memref<1x128xi32, #tpu.memory_space<vmem>> -> memref<128xi32, #tpu.memory_space<vmem>>
            %dma_wait3A_173 = arith.constant 0 : i32
            %dma_wait3A_174 = arith.constant 0 : i32
            %dma_wait3A_175 = tpu.memref_slice %arg9[%dma_wait3A_173, %dma_wait3A_174] : memref<10240x128xf32, #tpu.memory_space<vmem_shared>> -> memref<10240x128xf32, #tpu.memory_space<vmem_shared>>
            tpu.wait_indirect_dma semaphore(%run_scoped3A_163 : memref<!tpu.dma_semaphore, #tpu.memory_space<semaphore_mem>>) src(%arg8 : memref<128x128xf32, #tpu.memory_space<vmem>>) dst(%dma_wait3A_175 : memref<10240x128xf32, #tpu.memory_space<vmem_shared>>)
            tpu.yield
          }) : () -> ()
        }
        %scan3A_97 = arith.constant 7 : i32
        %dma_start3A_98 = arith.constant 30 : i32
        %dma_start3A_99 = arith.constant 0 : i32
        %dma_start3A_100 = tpu.memref_slice %arg5[%dma_start3A_98, %dma_start3A_99] : memref<32x128xi32, #tpu.memory_space<vmem>> -> memref<1x128xi32, #tpu.memory_space<vmem>>
        %dma_start3A_101 = tpu.memref_squeeze %dma_start3A_100 : memref<1x128xi32, #tpu.memory_space<vmem>> -> memref<128xi32, #tpu.memory_space<vmem>>
        %dma_start3A_102 = arith.constant 0 : i32
        %dma_start3A_103 = arith.constant 0 : i32
        %dma_start3A_104 = tpu.memref_slice %arg2[%dma_start3A_102, %dma_start3A_103] : memref<10240x128xf32, #tpu.memory_space<hbm>> -> memref<10240x128xf32, #tpu.memory_space<hbm>>
        tpu.enqueue_indirect_dma source(%dma_start3A_104 : memref<10240x128xf32, #tpu.memory_space<hbm>>) target(%arg8 : memref<128x128xf32, #tpu.memory_space<vmem>>) offsets(%dma_start3A_101 : memref<128xi32, #tpu.memory_space<vmem>>) semaphore(%arg11 : memref<!tpu.dma_semaphore, #tpu.memory_space<semaphore_mem>>)
        %dma_wait3A_105 = arith.constant 0 : i32
        %dma_wait3A_106 = arith.constant 0 : i32
        %dma_wait3A_107 = tpu.memref_slice %arg2[%dma_wait3A_105, %dma_wait3A_106] : memref<10240x128xf32, #tpu.memory_space<hbm>> -> memref<128x128xf32, #tpu.memory_space<hbm>>
        %dma_wait3A_108 = arith.constant 0 : i32
        %dma_wait3A_109 = arith.constant 0 : i32
        %dma_wait3A_110 = tpu.memref_slice %arg2[%dma_wait3A_108, %dma_wait3A_109] : memref<10240x128xf32, #tpu.memory_space<hbm>> -> memref<128x128xf32, #tpu.memory_space<hbm>>
        tpu.wait_dma2 semaphore(%arg10 : memref<!tpu.dma_semaphore, #tpu.memory_space<semaphore_mem>>) src(%dma_wait3A_110 : memref<128x128xf32, #tpu.memory_space<hbm>>) dst(%arg7 : memref<128x128xf32, #tpu.memory_space<vmem>>)
        %run_scoped3A = arith.constant 29 : i32
        "tpu.region"() ({
          %run_scoped3A_118 = tpu.sem_alloc : memref<!tpu.dma_semaphore, #tpu.memory_space<semaphore_mem>>
          %dma_start3A_119 = arith.constant 0 : i32
          %dma_start3A_120 = tpu.memref_slice %arg5[%run_scoped3A, %dma_start3A_119] : memref<32x128xi32, #tpu.memory_space<vmem>> -> memref<1x128xi32, #tpu.memory_space<vmem>>
          %dma_start3A_121 = tpu.memref_squeeze %dma_start3A_120 : memref<1x128xi32, #tpu.memory_space<vmem>> -> memref<128xi32, #tpu.memory_space<vmem>>
          %dma_start3A_122 = arith.constant 0 : i32
          %dma_start3A_123 = arith.constant 0 : i32
          %dma_start3A_124 = tpu.memref_slice %arg9[%dma_start3A_122, %dma_start3A_123] : memref<10240x128xf32, #tpu.memory_space<vmem_shared>> -> memref<10240x128xf32, #tpu.memory_space<vmem_shared>>
          tpu.enqueue_indirect_dma source(%arg7 : memref<128x128xf32, #tpu.memory_space<vmem>>) target(%dma_start3A_124 : memref<10240x128xf32, #tpu.memory_space<vmem_shared>>) offsets(%dma_start3A_121 : memref<128xi32, #tpu.memory_space<vmem>>) semaphore(%run_scoped3A_118 : memref<!tpu.dma_semaphore, #tpu.memory_space<semaphore_mem>>) {add = true}
          %dma_wait3A_125 = arith.constant 0 : i32
          %dma_wait3A_126 = tpu.memref_slice %arg5[%run_scoped3A, %dma_wait3A_125] : memref<32x128xi32, #tpu.memory_space<vmem>> -> memref<1x128xi32, #tpu.memory_space<vmem>>
          %dma_wait3A_127 = tpu.memref_squeeze %dma_wait3A_126 : memref<1x128xi32, #tpu.memory_space<vmem>> -> memref<128xi32, #tpu.memory_space<vmem>>
          %dma_wait3A_128 = arith.constant 0 : i32
          %dma_wait3A_129 = arith.constant 0 : i32
          %dma_wait3A_130 = tpu.memref_slice %arg9[%dma_wait3A_128, %dma_wait3A_129] : memref<10240x128xf32, #tpu.memory_space<vmem_shared>> -> memref<10240x128xf32, #tpu.memory_space<vmem_shared>>
          tpu.wait_indirect_dma semaphore(%run_scoped3A_118 : memref<!tpu.dma_semaphore, #tpu.memory_space<semaphore_mem>>) src(%arg7 : memref<128x128xf32, #tpu.memory_space<vmem>>) dst(%dma_wait3A_130 : memref<10240x128xf32, #tpu.memory_space<vmem_shared>>)
          tpu.yield
        }) : () -> ()
        %dma_wait3A_111 = arith.constant 0 : i32
        %dma_wait3A_112 = arith.constant 0 : i32
        %dma_wait3A_113 = tpu.memref_slice %arg2[%dma_wait3A_111, %dma_wait3A_112] : memref<10240x128xf32, #tpu.memory_space<hbm>> -> memref<128x128xf32, #tpu.memory_space<hbm>>
        %dma_wait3A_114 = arith.constant 0 : i32
        %dma_wait3A_115 = arith.constant 0 : i32
        %dma_wait3A_116 = tpu.memref_slice %arg2[%dma_wait3A_114, %dma_wait3A_115] : memref<10240x128xf32, #tpu.memory_space<hbm>> -> memref<128x128xf32, #tpu.memory_space<hbm>>
        tpu.wait_dma2 semaphore(%arg11 : memref<!tpu.dma_semaphore, #tpu.memory_space<semaphore_mem>>) src(%dma_wait3A_116 : memref<128x128xf32, #tpu.memory_space<hbm>>) dst(%arg8 : memref<128x128xf32, #tpu.memory_space<vmem>>)
        %run_scoped3A_117 = arith.constant 31 : i32
        "tpu.region"() ({
          %run_scoped3A_118 = tpu.sem_alloc : memref<!tpu.dma_semaphore, #tpu.memory_space<semaphore_mem>>
          %dma_start3A_119 = arith.constant 0 : i32
          %dma_start3A_120 = tpu.memref_slice %arg5[%run_scoped3A_117, %dma_start3A_119] : memref<32x128xi32, #tpu.memory_space<vmem>> -> memref<1x128xi32, #tpu.memory_space<vmem>>
          %dma_start3A_121 = tpu.memref_squeeze %dma_start3A_120 : memref<1x128xi32, #tpu.memory_space<vmem>> -> memref<128xi32, #tpu.memory_space<vmem>>
          %dma_start3A_122 = arith.constant 0 : i32
          %dma_start3A_123 = arith.constant 0 : i32
          %dma_start3A_124 = tpu.memref_slice %arg9[%dma_start3A_122, %dma_start3A_123] : memref<10240x128xf32, #tpu.memory_space<vmem_shared>> -> memref<10240x128xf32, #tpu.memory_space<vmem_shared>>
          tpu.enqueue_indirect_dma source(%arg8 : memref<128x128xf32, #tpu.memory_space<vmem>>) target(%dma_start3A_124 : memref<10240x128xf32, #tpu.memory_space<vmem_shared>>) offsets(%dma_start3A_121 : memref<128xi32, #tpu.memory_space<vmem>>) semaphore(%run_scoped3A_118 : memref<!tpu.dma_semaphore, #tpu.memory_space<semaphore_mem>>) {add = true}
          %dma_wait3A_125 = arith.constant 0 : i32
          %dma_wait3A_126 = tpu.memref_slice %arg5[%run_scoped3A_117, %dma_wait3A_125] : memref<32x128xi32, #tpu.memory_space<vmem>> -> memref<1x128xi32, #tpu.memory_space<vmem>>
          %dma_wait3A_127 = tpu.memref_squeeze %dma_wait3A_126 : memref<1x128xi32, #tpu.memory_space<vmem>> -> memref<128xi32, #tpu.memory_space<vmem>>
          %dma_wait3A_128 = arith.constant 0 : i32
          %dma_wait3A_129 = arith.constant 0 : i32
          %dma_wait3A_130 = tpu.memref_slice %arg9[%dma_wait3A_128, %dma_wait3A_129] : memref<10240x128xf32, #tpu.memory_space<vmem_shared>> -> memref<10240x128xf32, #tpu.memory_space<vmem_shared>>
          tpu.wait_indirect_dma semaphore(%run_scoped3A_118 : memref<!tpu.dma_semaphore, #tpu.memory_space<semaphore_mem>>) src(%arg8 : memref<128x128xf32, #tpu.memory_space<vmem>>) dst(%dma_wait3A_130 : memref<10240x128xf32, #tpu.memory_space<vmem_shared>>)
          tpu.yield
        }) : () -> ()
      } else {
      }
      %jit3A_54 = arith.constant 2 : i32
      %eq3A_55 = arith.constant 0 : i32
      %eq3A_56 = arith.cmpi eq, %jit3A_54, %eq3A_55 : i32
      %jit3A_57 = arith.constant 1 : i32
      %select_n3A_58 = arith.select %eq3A_56, %jit3A_57, %jit3A_54 : i32
      %rem3A_59 = arith.remsi %while3A_36, %select_n3A_58 : i32
      %ne3A_60 = arith.constant 0 : i32
      %ne3A_61 = arith.cmpi ne, %rem3A_59, %ne3A_60 : i32
      %lt3A_62 = arith.constant 0 : i32
      %lt3A_63 = arith.cmpi slt, %rem3A_59, %lt3A_62 : i32
      %lt3A_64 = arith.constant 0 : i32
      %lt3A_65 = arith.cmpi slt, %select_n3A_58, %lt3A_64 : i32
      %ne3A_66 = arith.xori %lt3A_63, %lt3A_65 : i1
      %and3A_67 = arith.andi %ne3A_66, %ne3A_61 : i1
      %add3A_68 = arith.addi %rem3A_59, %select_n3A_58 : i32
      %select_n3A_69 = arith.select %and3A_67, %add3A_68, %rem3A_59 : i32
      %eq3A_70 = arith.constant 1 : i32
      %eq3A_71 = arith.cmpi eq, %select_n3A_69, %eq3A_70 : i32
      %convert_element_type3A_72 = arith.extui %eq3A_71 : i1 to i32
      %cond3A_73 = arith.constant 0 : i32
      %cond3A_74 = arith.cmpi ne, %convert_element_type3A_72, %cond3A_73 : i32
      scf.if %cond3A_74 {
        %add3A_75 = arith.constant 1 : i32
        %add3A_76 = arith.addi %while3A_36, %add3A_75 : i32
        %lt3A_77 = arith.cmpi slt, %add3A_76, %select_n3A_8 : i32
        %convert_element_type3A_78 = arith.extui %lt3A_77 : i1 to i32
        %cond3A_79 = arith.constant 0 : i32
        %cond3A_80 = arith.cmpi ne, %convert_element_type3A_78, %cond3A_79 : i32
        scf.if %cond3A_80 {
          %add3A_118 = arith.constant 1 : i32
          %add3A_119 = arith.addi %while3A_36, %add3A_118 : i32
          %mul3A_120 = arith.constant 16 : i32
          %mul3A_121 = arith.muli %add3A_119, %mul3A_120 : i32
          %add3A_122 = arith.addi %select_n3A, %mul3A_121 : i32
          %mul3A_123 = arith.constant 2 : i32
          %mul3A_124 = arith.muli %mul3A_123, %add3A_122 : i32
          %dma_start3A_125 = arith.constant 0 : i32
          %dma_start3A_126 = tpu.memref_slice %arg3[%mul3A_124, %dma_start3A_125] : memref<5120x128xi32, #tpu.memory_space<hbm>> -> memref<32x128xi32, #tpu.memory_space<hbm>>
          %dma_start3A_127 = arith.constant 0 : i32
          %dma_start3A_128 = tpu.memref_slice %arg3[%mul3A_124, %dma_start3A_127] : memref<5120x128xi32, #tpu.memory_space<hbm>> -> memref<32x128xi32, #tpu.memory_space<hbm>>
          tpu.enqueue_dma source(%dma_start3A_128 : memref<32x128xi32, #tpu.memory_space<hbm>>) target(%arg5 : memref<32x128xi32, #tpu.memory_space<vmem>>) target_semaphore(%arg12 : memref<!tpu.dma_semaphore, #tpu.memory_space<semaphore_mem>>)
        } else {
        }
        %dma_wait3A = arith.constant 0 : i32
        %dma_wait3A_81 = arith.constant 0 : i32
        %dma_wait3A_82 = tpu.memref_slice %arg3[%dma_wait3A, %dma_wait3A_81] : memref<5120x128xi32, #tpu.memory_space<hbm>> -> memref<32x128xi32, #tpu.memory_space<hbm>>
        %dma_wait3A_83 = arith.constant 0 : i32
        %dma_wait3A_84 = arith.constant 0 : i32
        %dma_wait3A_85 = tpu.memref_slice %arg3[%dma_wait3A_83, %dma_wait3A_84] : memref<5120x128xi32, #tpu.memory_space<hbm>> -> memref<32x128xi32, #tpu.memory_space<hbm>>
        tpu.wait_dma2 semaphore(%arg13 : memref<!tpu.dma_semaphore, #tpu.memory_space<semaphore_mem>>) src(%dma_wait3A_85 : memref<32x128xi32, #tpu.memory_space<hbm>>) dst(%arg6 : memref<32x128xi32, #tpu.memory_space<vmem>>)
        %dma_start3A = arith.constant 0 : i32
        %dma_start3A_86 = arith.constant 0 : i32
        %dma_start3A_87 = tpu.memref_slice %arg6[%dma_start3A, %dma_start3A_86] : memref<32x128xi32, #tpu.memory_space<vmem>> -> memref<1x128xi32, #tpu.memory_space<vmem>>
        %dma_start3A_88 = tpu.memref_squeeze %dma_start3A_87 : memref<1x128xi32, #tpu.memory_space<vmem>> -> memref<128xi32, #tpu.memory_space<vmem>>
        %dma_start3A_89 = arith.constant 0 : i32
        %dma_start3A_90 = arith.constant 0 : i32
        %dma_start3A_91 = tpu.memref_slice %arg2[%dma_start3A_89, %dma_start3A_90] : memref<10240x128xf32, #tpu.memory_space<hbm>> -> memref<10240x128xf32, #tpu.memory_space<hbm>>
        tpu.enqueue_indirect_dma source(%dma_start3A_91 : memref<10240x128xf32, #tpu.memory_space<hbm>>) target(%arg7 : memref<128x128xf32, #tpu.memory_space<vmem>>) offsets(%dma_start3A_88 : memref<128xi32, #tpu.memory_space<vmem>>) semaphore(%arg10 : memref<!tpu.dma_semaphore, #tpu.memory_space<semaphore_mem>>)
        %scan3A_92 = arith.constant 0 : i32
        %scan3A_93 = arith.constant 0 : i32
        %scan3A_94 = arith.constant 7 : i32
        %scan3A_95 = arith.addi %scan3A_93, %scan3A_94 : i32
        %scan3A_96 = arith.constant 1 : i32
        scf.for %scan3A_118 = %scan3A_93 to %scan3A_95 step %scan3A_96  : i32 {
          %mul3A_119 = arith.constant 2 : i32
          %mul3A_120 = arith.muli %mul3A_119, %scan3A_118 : i32
          %add3A_121 = arith.constant 1 : i32
          %add3A_122 = arith.addi %mul3A_120, %add3A_121 : i32
          %mul3A_123 = arith.constant 2 : i32
          %mul3A_124 = arith.muli %mul3A_123, %add3A_122 : i32
          %dma_start3A_125 = arith.constant 0 : i32
          %dma_start3A_126 = tpu.memref_slice %arg6[%mul3A_124, %dma_start3A_125] : memref<32x128xi32, #tpu.memory_space<vmem>> -> memref<1x128xi32, #tpu.memory_space<vmem>>
          %dma_start3A_127 = tpu.memref_squeeze %dma_start3A_126 : memref<1x128xi32, #tpu.memory_space<vmem>> -> memref<128xi32, #tpu.memory_space<vmem>>
          %dma_start3A_128 = arith.constant 0 : i32
          %dma_start3A_129 = arith.constant 0 : i32
          %dma_start3A_130 = tpu.memref_slice %arg2[%dma_start3A_128, %dma_start3A_129] : memref<10240x128xf32, #tpu.memory_space<hbm>> -> memref<10240x128xf32, #tpu.memory_space<hbm>>
          tpu.enqueue_indirect_dma source(%dma_start3A_130 : memref<10240x128xf32, #tpu.memory_space<hbm>>) target(%arg8 : memref<128x128xf32, #tpu.memory_space<vmem>>) offsets(%dma_start3A_127 : memref<128xi32, #tpu.memory_space<vmem>>) semaphore(%arg11 : memref<!tpu.dma_semaphore, #tpu.memory_space<semaphore_mem>>)
          %dma_wait3A_131 = arith.constant 0 : i32
          %dma_wait3A_132 = arith.constant 0 : i32
          %dma_wait3A_133 = tpu.memref_slice %arg2[%dma_wait3A_131, %dma_wait3A_132] : memref<10240x128xf32, #tpu.memory_space<hbm>> -> memref<128x128xf32, #tpu.memory_space<hbm>>
          %dma_wait3A_134 = arith.constant 0 : i32
          %dma_wait3A_135 = arith.constant 0 : i32
          %dma_wait3A_136 = tpu.memref_slice %arg2[%dma_wait3A_134, %dma_wait3A_135] : memref<10240x128xf32, #tpu.memory_space<hbm>> -> memref<128x128xf32, #tpu.memory_space<hbm>>
          tpu.wait_dma2 semaphore(%arg10 : memref<!tpu.dma_semaphore, #tpu.memory_space<semaphore_mem>>) src(%dma_wait3A_136 : memref<128x128xf32, #tpu.memory_space<hbm>>) dst(%arg7 : memref<128x128xf32, #tpu.memory_space<vmem>>)
          %mul3A_137 = arith.constant 2 : i32
          %mul3A_138 = arith.muli %mul3A_137, %mul3A_120 : i32
          %add3A_139 = arith.constant 1 : i32
          %add3A_140 = arith.addi %mul3A_138, %add3A_139 : i32
          "tpu.region"() ({
            %run_scoped3A_163 = tpu.sem_alloc : memref<!tpu.dma_semaphore, #tpu.memory_space<semaphore_mem>>
            %dma_start3A_164 = arith.constant 0 : i32
            %dma_start3A_165 = tpu.memref_slice %arg6[%add3A_140, %dma_start3A_164] : memref<32x128xi32, #tpu.memory_space<vmem>> -> memref<1x128xi32, #tpu.memory_space<vmem>>
            %dma_start3A_166 = tpu.memref_squeeze %dma_start3A_165 : memref<1x128xi32, #tpu.memory_space<vmem>> -> memref<128xi32, #tpu.memory_space<vmem>>
            %dma_start3A_167 = arith.constant 0 : i32
            %dma_start3A_168 = arith.constant 0 : i32
            %dma_start3A_169 = tpu.memref_slice %arg9[%dma_start3A_167, %dma_start3A_168] : memref<10240x128xf32, #tpu.memory_space<vmem_shared>> -> memref<10240x128xf32, #tpu.memory_space<vmem_shared>>
            tpu.enqueue_indirect_dma source(%arg7 : memref<128x128xf32, #tpu.memory_space<vmem>>) target(%dma_start3A_169 : memref<10240x128xf32, #tpu.memory_space<vmem_shared>>) offsets(%dma_start3A_166 : memref<128xi32, #tpu.memory_space<vmem>>) semaphore(%run_scoped3A_163 : memref<!tpu.dma_semaphore, #tpu.memory_space<semaphore_mem>>) {add = true}
            %dma_wait3A_170 = arith.constant 0 : i32
            %dma_wait3A_171 = tpu.memref_slice %arg6[%add3A_140, %dma_wait3A_170] : memref<32x128xi32, #tpu.memory_space<vmem>> -> memref<1x128xi32, #tpu.memory_space<vmem>>
            %dma_wait3A_172 = tpu.memref_squeeze %dma_wait3A_171 : memref<1x128xi32, #tpu.memory_space<vmem>> -> memref<128xi32, #tpu.memory_space<vmem>>
            %dma_wait3A_173 = arith.constant 0 : i32
            %dma_wait3A_174 = arith.constant 0 : i32
            %dma_wait3A_175 = tpu.memref_slice %arg9[%dma_wait3A_173, %dma_wait3A_174] : memref<10240x128xf32, #tpu.memory_space<vmem_shared>> -> memref<10240x128xf32, #tpu.memory_space<vmem_shared>>
            tpu.wait_indirect_dma semaphore(%run_scoped3A_163 : memref<!tpu.dma_semaphore, #tpu.memory_space<semaphore_mem>>) src(%arg7 : memref<128x128xf32, #tpu.memory_space<vmem>>) dst(%dma_wait3A_175 : memref<10240x128xf32, #tpu.memory_space<vmem_shared>>)
            tpu.yield
          }) : () -> ()
          %add3A_141 = arith.constant 2 : i32
          %add3A_142 = arith.addi %mul3A_120, %add3A_141 : i32
          %mul3A_143 = arith.constant 2 : i32
          %mul3A_144 = arith.muli %mul3A_143, %add3A_142 : i32
          %dma_start3A_145 = arith.constant 0 : i32
          %dma_start3A_146 = tpu.memref_slice %arg6[%mul3A_144, %dma_start3A_145] : memref<32x128xi32, #tpu.memory_space<vmem>> -> memref<1x128xi32, #tpu.memory_space<vmem>>
          %dma_start3A_147 = tpu.memref_squeeze %dma_start3A_146 : memref<1x128xi32, #tpu.memory_space<vmem>> -> memref<128xi32, #tpu.memory_space<vmem>>
          %dma_start3A_148 = arith.constant 0 : i32
          %dma_start3A_149 = arith.constant 0 : i32
          %dma_start3A_150 = tpu.memref_slice %arg2[%dma_start3A_148, %dma_start3A_149] : memref<10240x128xf32, #tpu.memory_space<hbm>> -> memref<10240x128xf32, #tpu.memory_space<hbm>>
          tpu.enqueue_indirect_dma source(%dma_start3A_150 : memref<10240x128xf32, #tpu.memory_space<hbm>>) target(%arg7 : memref<128x128xf32, #tpu.memory_space<vmem>>) offsets(%dma_start3A_147 : memref<128xi32, #tpu.memory_space<vmem>>) semaphore(%arg10 : memref<!tpu.dma_semaphore, #tpu.memory_space<semaphore_mem>>)
          %dma_wait3A_151 = arith.constant 0 : i32
          %dma_wait3A_152 = arith.constant 0 : i32
          %dma_wait3A_153 = tpu.memref_slice %arg2[%dma_wait3A_151, %dma_wait3A_152] : memref<10240x128xf32, #tpu.memory_space<hbm>> -> memref<128x128xf32, #tpu.memory_space<hbm>>
          %dma_wait3A_154 = arith.constant 0 : i32
          %dma_wait3A_155 = arith.constant 0 : i32
          %dma_wait3A_156 = tpu.memref_slice %arg2[%dma_wait3A_154, %dma_wait3A_155] : memref<10240x128xf32, #tpu.memory_space<hbm>> -> memref<128x128xf32, #tpu.memory_space<hbm>>
          tpu.wait_dma2 semaphore(%arg11 : memref<!tpu.dma_semaphore, #tpu.memory_space<semaphore_mem>>) src(%dma_wait3A_156 : memref<128x128xf32, #tpu.memory_space<hbm>>) dst(%arg8 : memref<128x128xf32, #tpu.memory_space<vmem>>)
          %add3A_157 = arith.constant 1 : i32
          %add3A_158 = arith.addi %mul3A_120, %add3A_157 : i32
          %mul3A_159 = arith.constant 2 : i32
          %mul3A_160 = arith.muli %mul3A_159, %add3A_158 : i32
          %add3A_161 = arith.constant 1 : i32
          %add3A_162 = arith.addi %mul3A_160, %add3A_161 : i32
          "tpu.region"() ({
            %run_scoped3A_163 = tpu.sem_alloc : memref<!tpu.dma_semaphore, #tpu.memory_space<semaphore_mem>>
            %dma_start3A_164 = arith.constant 0 : i32
            %dma_start3A_165 = tpu.memref_slice %arg6[%add3A_162, %dma_start3A_164] : memref<32x128xi32, #tpu.memory_space<vmem>> -> memref<1x128xi32, #tpu.memory_space<vmem>>
            %dma_start3A_166 = tpu.memref_squeeze %dma_start3A_165 : memref<1x128xi32, #tpu.memory_space<vmem>> -> memref<128xi32, #tpu.memory_space<vmem>>
            %dma_start3A_167 = arith.constant 0 : i32
            %dma_start3A_168 = arith.constant 0 : i32
            %dma_start3A_169 = tpu.memref_slice %arg9[%dma_start3A_167, %dma_start3A_168] : memref<10240x128xf32, #tpu.memory_space<vmem_shared>> -> memref<10240x128xf32, #tpu.memory_space<vmem_shared>>
            tpu.enqueue_indirect_dma source(%arg8 : memref<128x128xf32, #tpu.memory_space<vmem>>) target(%dma_start3A_169 : memref<10240x128xf32, #tpu.memory_space<vmem_shared>>) offsets(%dma_start3A_166 : memref<128xi32, #tpu.memory_space<vmem>>) semaphore(%run_scoped3A_163 : memref<!tpu.dma_semaphore, #tpu.memory_space<semaphore_mem>>) {add = true}
            %dma_wait3A_170 = arith.constant 0 : i32
            %dma_wait3A_171 = tpu.memref_slice %arg6[%add3A_162, %dma_wait3A_170] : memref<32x128xi32, #tpu.memory_space<vmem>> -> memref<1x128xi32, #tpu.memory_space<vmem>>
            %dma_wait3A_172 = tpu.memref_squeeze %dma_wait3A_171 : memref<1x128xi32, #tpu.memory_space<vmem>> -> memref<128xi32, #tpu.memory_space<vmem>>
            %dma_wait3A_173 = arith.constant 0 : i32
            %dma_wait3A_174 = arith.constant 0 : i32
            %dma_wait3A_175 = tpu.memref_slice %arg9[%dma_wait3A_173, %dma_wait3A_174] : memref<10240x128xf32, #tpu.memory_space<vmem_shared>> -> memref<10240x128xf32, #tpu.memory_space<vmem_shared>>
            tpu.wait_indirect_dma semaphore(%run_scoped3A_163 : memref<!tpu.dma_semaphore, #tpu.memory_space<semaphore_mem>>) src(%arg8 : memref<128x128xf32, #tpu.memory_space<vmem>>) dst(%dma_wait3A_175 : memref<10240x128xf32, #tpu.memory_space<vmem_shared>>)
            tpu.yield
          }) : () -> ()
        }
        %scan3A_97 = arith.constant 7 : i32
        %dma_start3A_98 = arith.constant 30 : i32
        %dma_start3A_99 = arith.constant 0 : i32
        %dma_start3A_100 = tpu.memref_slice %arg6[%dma_start3A_98, %dma_start3A_99] : memref<32x128xi32, #tpu.memory_space<vmem>> -> memref<1x128xi32, #tpu.memory_space<vmem>>
        %dma_start3A_101 = tpu.memref_squeeze %dma_start3A_100 : memref<1x128xi32, #tpu.memory_space<vmem>> -> memref<128xi32, #tpu.memory_space<vmem>>
        %dma_start3A_102 = arith.constant 0 : i32
        %dma_start3A_103 = arith.constant 0 : i32
        %dma_start3A_104 = tpu.memref_slice %arg2[%dma_start3A_102, %dma_start3A_103] : memref<10240x128xf32, #tpu.memory_space<hbm>> -> memref<10240x128xf32, #tpu.memory_space<hbm>>
        tpu.enqueue_indirect_dma source(%dma_start3A_104 : memref<10240x128xf32, #tpu.memory_space<hbm>>) target(%arg8 : memref<128x128xf32, #tpu.memory_space<vmem>>) offsets(%dma_start3A_101 : memref<128xi32, #tpu.memory_space<vmem>>) semaphore(%arg11 : memref<!tpu.dma_semaphore, #tpu.memory_space<semaphore_mem>>)
        %dma_wait3A_105 = arith.constant 0 : i32
        %dma_wait3A_106 = arith.constant 0 : i32
        %dma_wait3A_107 = tpu.memref_slice %arg2[%dma_wait3A_105, %dma_wait3A_106] : memref<10240x128xf32, #tpu.memory_space<hbm>> -> memref<128x128xf32, #tpu.memory_space<hbm>>
        %dma_wait3A_108 = arith.constant 0 : i32
        %dma_wait3A_109 = arith.constant 0 : i32
        %dma_wait3A_110 = tpu.memref_slice %arg2[%dma_wait3A_108, %dma_wait3A_109] : memref<10240x128xf32, #tpu.memory_space<hbm>> -> memref<128x128xf32, #tpu.memory_space<hbm>>
        tpu.wait_dma2 semaphore(%arg10 : memref<!tpu.dma_semaphore, #tpu.memory_space<semaphore_mem>>) src(%dma_wait3A_110 : memref<128x128xf32, #tpu.memory_space<hbm>>) dst(%arg7 : memref<128x128xf32, #tpu.memory_space<vmem>>)
        %run_scoped3A = arith.constant 29 : i32
        "tpu.region"() ({
          %run_scoped3A_118 = tpu.sem_alloc : memref<!tpu.dma_semaphore, #tpu.memory_space<semaphore_mem>>
          %dma_start3A_119 = arith.constant 0 : i32
          %dma_start3A_120 = tpu.memref_slice %arg6[%run_scoped3A, %dma_start3A_119] : memref<32x128xi32, #tpu.memory_space<vmem>> -> memref<1x128xi32, #tpu.memory_space<vmem>>
          %dma_start3A_121 = tpu.memref_squeeze %dma_start3A_120 : memref<1x128xi32, #tpu.memory_space<vmem>> -> memref<128xi32, #tpu.memory_space<vmem>>
          %dma_start3A_122 = arith.constant 0 : i32
          %dma_start3A_123 = arith.constant 0 : i32
          %dma_start3A_124 = tpu.memref_slice %arg9[%dma_start3A_122, %dma_start3A_123] : memref<10240x128xf32, #tpu.memory_space<vmem_shared>> -> memref<10240x128xf32, #tpu.memory_space<vmem_shared>>
          tpu.enqueue_indirect_dma source(%arg7 : memref<128x128xf32, #tpu.memory_space<vmem>>) target(%dma_start3A_124 : memref<10240x128xf32, #tpu.memory_space<vmem_shared>>) offsets(%dma_start3A_121 : memref<128xi32, #tpu.memory_space<vmem>>) semaphore(%run_scoped3A_118 : memref<!tpu.dma_semaphore, #tpu.memory_space<semaphore_mem>>) {add = true}
          %dma_wait3A_125 = arith.constant 0 : i32
          %dma_wait3A_126 = tpu.memref_slice %arg6[%run_scoped3A, %dma_wait3A_125] : memref<32x128xi32, #tpu.memory_space<vmem>> -> memref<1x128xi32, #tpu.memory_space<vmem>>
          %dma_wait3A_127 = tpu.memref_squeeze %dma_wait3A_126 : memref<1x128xi32, #tpu.memory_space<vmem>> -> memref<128xi32, #tpu.memory_space<vmem>>
          %dma_wait3A_128 = arith.constant 0 : i32
          %dma_wait3A_129 = arith.constant 0 : i32
          %dma_wait3A_130 = tpu.memref_slice %arg9[%dma_wait3A_128, %dma_wait3A_129] : memref<10240x128xf32, #tpu.memory_space<vmem_shared>> -> memref<10240x128xf32, #tpu.memory_space<vmem_shared>>
          tpu.wait_indirect_dma semaphore(%run_scoped3A_118 : memref<!tpu.dma_semaphore, #tpu.memory_space<semaphore_mem>>) src(%arg7 : memref<128x128xf32, #tpu.memory_space<vmem>>) dst(%dma_wait3A_130 : memref<10240x128xf32, #tpu.memory_space<vmem_shared>>)
          tpu.yield
        }) : () -> ()
        %dma_wait3A_111 = arith.constant 0 : i32
        %dma_wait3A_112 = arith.constant 0 : i32
        %dma_wait3A_113 = tpu.memref_slice %arg2[%dma_wait3A_111, %dma_wait3A_112] : memref<10240x128xf32, #tpu.memory_space<hbm>> -> memref<128x128xf32, #tpu.memory_space<hbm>>
        %dma_wait3A_114 = arith.constant 0 : i32
        %dma_wait3A_115 = arith.constant 0 : i32
        %dma_wait3A_116 = tpu.memref_slice %arg2[%dma_wait3A_114, %dma_wait3A_115] : memref<10240x128xf32, #tpu.memory_space<hbm>> -> memref<128x128xf32, #tpu.memory_space<hbm>>
        tpu.wait_dma2 semaphore(%arg11 : memref<!tpu.dma_semaphore, #tpu.memory_space<semaphore_mem>>) src(%dma_wait3A_116 : memref<128x128xf32, #tpu.memory_space<hbm>>) dst(%arg8 : memref<128x128xf32, #tpu.memory_space<vmem>>)
        %run_scoped3A_117 = arith.constant 31 : i32
        "tpu.region"() ({
          %run_scoped3A_118 = tpu.sem_alloc : memref<!tpu.dma_semaphore, #tpu.memory_space<semaphore_mem>>
          %dma_start3A_119 = arith.constant 0 : i32
          %dma_start3A_120 = tpu.memref_slice %arg6[%run_scoped3A_117, %dma_start3A_119] : memref<32x128xi32, #tpu.memory_space<vmem>> -> memref<1x128xi32, #tpu.memory_space<vmem>>
          %dma_start3A_121 = tpu.memref_squeeze %dma_start3A_120 : memref<1x128xi32, #tpu.memory_space<vmem>> -> memref<128xi32, #tpu.memory_space<vmem>>
          %dma_start3A_122 = arith.constant 0 : i32
          %dma_start3A_123 = arith.constant 0 : i32
          %dma_start3A_124 = tpu.memref_slice %arg9[%dma_start3A_122, %dma_start3A_123] : memref<10240x128xf32, #tpu.memory_space<vmem_shared>> -> memref<10240x128xf32, #tpu.memory_space<vmem_shared>>
          tpu.enqueue_indirect_dma source(%arg8 : memref<128x128xf32, #tpu.memory_space<vmem>>) target(%dma_start3A_124 : memref<10240x128xf32, #tpu.memory_space<vmem_shared>>) offsets(%dma_start3A_121 : memref<128xi32, #tpu.memory_space<vmem>>) semaphore(%run_scoped3A_118 : memref<!tpu.dma_semaphore, #tpu.memory_space<semaphore_mem>>) {add = true}
          %dma_wait3A_125 = arith.constant 0 : i32
          %dma_wait3A_126 = tpu.memref_slice %arg6[%run_scoped3A_117, %dma_wait3A_125] : memref<32x128xi32, #tpu.memory_space<vmem>> -> memref<1x128xi32, #tpu.memory_space<vmem>>
          %dma_wait3A_127 = tpu.memref_squeeze %dma_wait3A_126 : memref<1x128xi32, #tpu.memory_space<vmem>> -> memref<128xi32, #tpu.memory_space<vmem>>
          %dma_wait3A_128 = arith.constant 0 : i32
          %dma_wait3A_129 = arith.constant 0 : i32
          %dma_wait3A_130 = tpu.memref_slice %arg9[%dma_wait3A_128, %dma_wait3A_129] : memref<10240x128xf32, #tpu.memory_space<vmem_shared>> -> memref<10240x128xf32, #tpu.memory_space<vmem_shared>>
          tpu.wait_indirect_dma semaphore(%run_scoped3A_118 : memref<!tpu.dma_semaphore, #tpu.memory_space<semaphore_mem>>) src(%arg8 : memref<128x128xf32, #tpu.memory_space<vmem>>) dst(%dma_wait3A_130 : memref<10240x128xf32, #tpu.memory_space<vmem_shared>>)
          tpu.yield
        }) : () -> ()
      } else {
      }
    }
    %while3A_30 = arith.constant 1 : i32
    scf.for %while3A_36 = %while3A_28 to %while3A_24 step %while3A_30  : i32 {
      %jit3A_37 = arith.constant 2 : i32
      %eq3A_38 = arith.constant 0 : i32
      %eq3A_39 = arith.cmpi eq, %jit3A_37, %eq3A_38 : i32
      %jit3A_40 = arith.constant 1 : i32
      %select_n3A_41 = arith.select %eq3A_39, %jit3A_40, %jit3A_37 : i32
      %rem3A = arith.remsi %while3A_36, %select_n3A_41 : i32
      %ne3A = arith.constant 0 : i32
      %ne3A_42 = arith.cmpi ne, %rem3A, %ne3A : i32
      %lt3A = arith.constant 0 : i32
      %lt3A_43 = arith.cmpi slt, %rem3A, %lt3A : i32
      %lt3A_44 = arith.constant 0 : i32
      %lt3A_45 = arith.cmpi slt, %select_n3A_41, %lt3A_44 : i32
      %ne3A_46 = arith.xori %lt3A_43, %lt3A_45 : i1
      %and3A = arith.andi %ne3A_46, %ne3A_42 : i1
      %add3A_47 = arith.addi %rem3A, %select_n3A_41 : i32
      %select_n3A_48 = arith.select %and3A, %add3A_47, %rem3A : i32
      %eq3A_49 = arith.constant 0 : i32
      %eq3A_50 = arith.cmpi eq, %select_n3A_48, %eq3A_49 : i32
      %convert_element_type3A_51 = arith.extui %eq3A_50 : i1 to i32
      %cond3A_52 = arith.constant 0 : i32
      %cond3A_53 = arith.cmpi ne, %convert_element_type3A_51, %cond3A_52 : i32
      scf.if %cond3A_53 {
        %add3A_75 = arith.constant 1 : i32
        %add3A_76 = arith.addi %while3A_36, %add3A_75 : i32
        %lt3A_77 = arith.cmpi slt, %add3A_76, %select_n3A_8 : i32
        %convert_element_type3A_78 = arith.extui %lt3A_77 : i1 to i32
        %cond3A_79 = arith.constant 0 : i32
        %cond3A_80 = arith.cmpi ne, %convert_element_type3A_78, %cond3A_79 : i32
        scf.if %cond3A_80 {
          %add3A_118 = arith.constant 1 : i32
          %add3A_119 = arith.addi %while3A_36, %add3A_118 : i32
          %mul3A_120 = arith.constant 16 : i32
          %mul3A_121 = arith.muli %add3A_119, %mul3A_120 : i32
          %add3A_122 = arith.addi %select_n3A, %mul3A_121 : i32
          %mul3A_123 = arith.constant 2 : i32
          %mul3A_124 = arith.muli %mul3A_123, %add3A_122 : i32
          %dma_start3A_125 = arith.constant 0 : i32
          %dma_start3A_126 = tpu.memref_slice %arg3[%mul3A_124, %dma_start3A_125] : memref<5120x128xi32, #tpu.memory_space<hbm>> -> memref<32x128xi32, #tpu.memory_space<hbm>>
          %dma_start3A_127 = arith.constant 0 : i32
          %dma_start3A_128 = tpu.memref_slice %arg3[%mul3A_124, %dma_start3A_127] : memref<5120x128xi32, #tpu.memory_space<hbm>> -> memref<32x128xi32, #tpu.memory_space<hbm>>
          tpu.enqueue_dma source(%dma_start3A_128 : memref<32x128xi32, #tpu.memory_space<hbm>>) target(%arg6 : memref<32x128xi32, #tpu.memory_space<vmem>>) target_semaphore(%arg13 : memref<!tpu.dma_semaphore, #tpu.memory_space<semaphore_mem>>)
        } else {
        }
        %dma_wait3A = arith.constant 0 : i32
        %dma_wait3A_81 = arith.constant 0 : i32
        %dma_wait3A_82 = tpu.memref_slice %arg3[%dma_wait3A, %dma_wait3A_81] : memref<5120x128xi32, #tpu.memory_space<hbm>> -> memref<32x128xi32, #tpu.memory_space<hbm>>
        %dma_wait3A_83 = arith.constant 0 : i32
        %dma_wait3A_84 = arith.constant 0 : i32
        %dma_wait3A_85 = tpu.memref_slice %arg3[%dma_wait3A_83, %dma_wait3A_84] : memref<5120x128xi32, #tpu.memory_space<hbm>> -> memref<32x128xi32, #tpu.memory_space<hbm>>
        tpu.wait_dma2 semaphore(%arg12 : memref<!tpu.dma_semaphore, #tpu.memory_space<semaphore_mem>>) src(%dma_wait3A_85 : memref<32x128xi32, #tpu.memory_space<hbm>>) dst(%arg5 : memref<32x128xi32, #tpu.memory_space<vmem>>)
        %dma_start3A = arith.constant 0 : i32
        %dma_start3A_86 = arith.constant 0 : i32
        %dma_start3A_87 = tpu.memref_slice %arg5[%dma_start3A, %dma_start3A_86] : memref<32x128xi32, #tpu.memory_space<vmem>> -> memref<1x128xi32, #tpu.memory_space<vmem>>
        %dma_start3A_88 = tpu.memref_squeeze %dma_start3A_87 : memref<1x128xi32, #tpu.memory_space<vmem>> -> memref<128xi32, #tpu.memory_space<vmem>>
        %dma_start3A_89 = arith.constant 0 : i32
        %dma_start3A_90 = arith.constant 0 : i32
        %dma_start3A_91 = tpu.memref_slice %arg2[%dma_start3A_89, %dma_start3A_90] : memref<10240x128xf32, #tpu.memory_space<hbm>> -> memref<10240x128xf32, #tpu.memory_space<hbm>>
        tpu.enqueue_indirect_dma source(%dma_start3A_91 : memref<10240x128xf32, #tpu.memory_space<hbm>>) target(%arg7 : memref<128x128xf32, #tpu.memory_space<vmem>>) offsets(%dma_start3A_88 : memref<128xi32, #tpu.memory_space<vmem>>) semaphore(%arg10 : memref<!tpu.dma_semaphore, #tpu.memory_space<semaphore_mem>>)
        %scan3A_92 = arith.constant 0 : i32
        %scan3A_93 = arith.constant 0 : i32
        %scan3A_94 = arith.constant 7 : i32
        %scan3A_95 = arith.addi %scan3A_93, %scan3A_94 : i32
        %scan3A_96 = arith.constant 1 : i32
        scf.for %scan3A_118 = %scan3A_93 to %scan3A_95 step %scan3A_96  : i32 {
          %mul3A_119 = arith.constant 2 : i32
          %mul3A_120 = arith.muli %mul3A_119, %scan3A_118 : i32
          %add3A_121 = arith.constant 1 : i32
          %add3A_122 = arith.addi %mul3A_120, %add3A_121 : i32
          %mul3A_123 = arith.constant 2 : i32
          %mul3A_124 = arith.muli %mul3A_123, %add3A_122 : i32
          %dma_start3A_125 = arith.constant 0 : i32
          %dma_start3A_126 = tpu.memref_slice %arg5[%mul3A_124, %dma_start3A_125] : memref<32x128xi32, #tpu.memory_space<vmem>> -> memref<1x128xi32, #tpu.memory_space<vmem>>
          %dma_start3A_127 = tpu.memref_squeeze %dma_start3A_126 : memref<1x128xi32, #tpu.memory_space<vmem>> -> memref<128xi32, #tpu.memory_space<vmem>>
          %dma_start3A_128 = arith.constant 0 : i32
          %dma_start3A_129 = arith.constant 0 : i32
          %dma_start3A_130 = tpu.memref_slice %arg2[%dma_start3A_128, %dma_start3A_129] : memref<10240x128xf32, #tpu.memory_space<hbm>> -> memref<10240x128xf32, #tpu.memory_space<hbm>>
          tpu.enqueue_indirect_dma source(%dma_start3A_130 : memref<10240x128xf32, #tpu.memory_space<hbm>>) target(%arg8 : memref<128x128xf32, #tpu.memory_space<vmem>>) offsets(%dma_start3A_127 : memref<128xi32, #tpu.memory_space<vmem>>) semaphore(%arg11 : memref<!tpu.dma_semaphore, #tpu.memory_space<semaphore_mem>>)
          %dma_wait3A_131 = arith.constant 0 : i32
          %dma_wait3A_132 = arith.constant 0 : i32
          %dma_wait3A_133 = tpu.memref_slice %arg2[%dma_wait3A_131, %dma_wait3A_132] : memref<10240x128xf32, #tpu.memory_space<hbm>> -> memref<128x128xf32, #tpu.memory_space<hbm>>
          %dma_wait3A_134 = arith.constant 0 : i32
          %dma_wait3A_135 = arith.constant 0 : i32
          %dma_wait3A_136 = tpu.memref_slice %arg2[%dma_wait3A_134, %dma_wait3A_135] : memref<10240x128xf32, #tpu.memory_space<hbm>> -> memref<128x128xf32, #tpu.memory_space<hbm>>
          tpu.wait_dma2 semaphore(%arg10 : memref<!tpu.dma_semaphore, #tpu.memory_space<semaphore_mem>>) src(%dma_wait3A_136 : memref<128x128xf32, #tpu.memory_space<hbm>>) dst(%arg7 : memref<128x128xf32, #tpu.memory_space<vmem>>)
          %mul3A_137 = arith.constant 2 : i32
          %mul3A_138 = arith.muli %mul3A_137, %mul3A_120 : i32
          %add3A_139 = arith.constant 1 : i32
          %add3A_140 = arith.addi %mul3A_138, %add3A_139 : i32
          "tpu.region"() ({
            %run_scoped3A_163 = tpu.sem_alloc : memref<!tpu.dma_semaphore, #tpu.memory_space<semaphore_mem>>
            %dma_start3A_164 = arith.constant 0 : i32
            %dma_start3A_165 = tpu.memref_slice %arg5[%add3A_140, %dma_start3A_164] : memref<32x128xi32, #tpu.memory_space<vmem>> -> memref<1x128xi32, #tpu.memory_space<vmem>>
            %dma_start3A_166 = tpu.memref_squeeze %dma_start3A_165 : memref<1x128xi32, #tpu.memory_space<vmem>> -> memref<128xi32, #tpu.memory_space<vmem>>
            %dma_start3A_167 = arith.constant 0 : i32
            %dma_start3A_168 = arith.constant 0 : i32
            %dma_start3A_169 = tpu.memref_slice %arg9[%dma_start3A_167, %dma_start3A_168] : memref<10240x128xf32, #tpu.memory_space<vmem_shared>> -> memref<10240x128xf32, #tpu.memory_space<vmem_shared>>
            tpu.enqueue_indirect_dma source(%arg7 : memref<128x128xf32, #tpu.memory_space<vmem>>) target(%dma_start3A_169 : memref<10240x128xf32, #tpu.memory_space<vmem_shared>>) offsets(%dma_start3A_166 : memref<128xi32, #tpu.memory_space<vmem>>) semaphore(%run_scoped3A_163 : memref<!tpu.dma_semaphore, #tpu.memory_space<semaphore_mem>>) {add = true}
            %dma_wait3A_170 = arith.constant 0 : i32
            %dma_wait3A_171 = tpu.memref_slice %arg5[%add3A_140, %dma_wait3A_170] : memref<32x128xi32, #tpu.memory_space<vmem>> -> memref<1x128xi32, #tpu.memory_space<vmem>>
            %dma_wait3A_172 = tpu.memref_squeeze %dma_wait3A_171 : memref<1x128xi32, #tpu.memory_space<vmem>> -> memref<128xi32, #tpu.memory_space<vmem>>
            %dma_wait3A_173 = arith.constant 0 : i32
            %dma_wait3A_174 = arith.constant 0 : i32
            %dma_wait3A_175 = tpu.memref_slice %arg9[%dma_wait3A_173, %dma_wait3A_174] : memref<10240x128xf32, #tpu.memory_space<vmem_shared>> -> memref<10240x128xf32, #tpu.memory_space<vmem_shared>>
            tpu.wait_indirect_dma semaphore(%run_scoped3A_163 : memref<!tpu.dma_semaphore, #tpu.memory_space<semaphore_mem>>) src(%arg7 : memref<128x128xf32, #tpu.memory_space<vmem>>) dst(%dma_wait3A_175 : memref<10240x128xf32, #tpu.memory_space<vmem_shared>>)
            tpu.yield
          }) : () -> ()
          %add3A_141 = arith.constant 2 : i32
          %add3A_142 = arith.addi %mul3A_120, %add3A_141 : i32
          %mul3A_143 = arith.constant 2 : i32
          %mul3A_144 = arith.muli %mul3A_143, %add3A_142 : i32
          %dma_start3A_145 = arith.constant 0 : i32
          %dma_start3A_146 = tpu.memref_slice %arg5[%mul3A_144, %dma_start3A_145] : memref<32x128xi32, #tpu.memory_space<vmem>> -> memref<1x128xi32, #tpu.memory_space<vmem>>
          %dma_start3A_147 = tpu.memref_squeeze %dma_start3A_146 : memref<1x128xi32, #tpu.memory_space<vmem>> -> memref<128xi32, #tpu.memory_space<vmem>>
          %dma_start3A_148 = arith.constant 0 : i32
          %dma_start3A_149 = arith.constant 0 : i32
          %dma_start3A_150 = tpu.memref_slice %arg2[%dma_start3A_148, %dma_start3A_149] : memref<10240x128xf32, #tpu.memory_space<hbm>> -> memref<10240x128xf32, #tpu.memory_space<hbm>>
          tpu.enqueue_indirect_dma source(%dma_start3A_150 : memref<10240x128xf32, #tpu.memory_space<hbm>>) target(%arg7 : memref<128x128xf32, #tpu.memory_space<vmem>>) offsets(%dma_start3A_147 : memref<128xi32, #tpu.memory_space<vmem>>) semaphore(%arg10 : memref<!tpu.dma_semaphore, #tpu.memory_space<semaphore_mem>>)
          %dma_wait3A_151 = arith.constant 0 : i32
          %dma_wait3A_152 = arith.constant 0 : i32
          %dma_wait3A_153 = tpu.memref_slice %arg2[%dma_wait3A_151, %dma_wait3A_152] : memref<10240x128xf32, #tpu.memory_space<hbm>> -> memref<128x128xf32, #tpu.memory_space<hbm>>
          %dma_wait3A_154 = arith.constant 0 : i32
          %dma_wait3A_155 = arith.constant 0 : i32
          %dma_wait3A_156 = tpu.memref_slice %arg2[%dma_wait3A_154, %dma_wait3A_155] : memref<10240x128xf32, #tpu.memory_space<hbm>> -> memref<128x128xf32, #tpu.memory_space<hbm>>
          tpu.wait_dma2 semaphore(%arg11 : memref<!tpu.dma_semaphore, #tpu.memory_space<semaphore_mem>>) src(%dma_wait3A_156 : memref<128x128xf32, #tpu.memory_space<hbm>>) dst(%arg8 : memref<128x128xf32, #tpu.memory_space<vmem>>)
          %add3A_157 = arith.constant 1 : i32
          %add3A_158 = arith.addi %mul3A_120, %add3A_157 : i32
          %mul3A_159 = arith.constant 2 : i32
          %mul3A_160 = arith.muli %mul3A_159, %add3A_158 : i32
          %add3A_161 = arith.constant 1 : i32
          %add3A_162 = arith.addi %mul3A_160, %add3A_161 : i32
          "tpu.region"() ({
            %run_scoped3A_163 = tpu.sem_alloc : memref<!tpu.dma_semaphore, #tpu.memory_space<semaphore_mem>>
            %dma_start3A_164 = arith.constant 0 : i32
            %dma_start3A_165 = tpu.memref_slice %arg5[%add3A_162, %dma_start3A_164] : memref<32x128xi32, #tpu.memory_space<vmem>> -> memref<1x128xi32, #tpu.memory_space<vmem>>
            %dma_start3A_166 = tpu.memref_squeeze %dma_start3A_165 : memref<1x128xi32, #tpu.memory_space<vmem>> -> memref<128xi32, #tpu.memory_space<vmem>>
            %dma_start3A_167 = arith.constant 0 : i32
            %dma_start3A_168 = arith.constant 0 : i32
            %dma_start3A_169 = tpu.memref_slice %arg9[%dma_start3A_167, %dma_start3A_168] : memref<10240x128xf32, #tpu.memory_space<vmem_shared>> -> memref<10240x128xf32, #tpu.memory_space<vmem_shared>>
            tpu.enqueue_indirect_dma source(%arg8 : memref<128x128xf32, #tpu.memory_space<vmem>>) target(%dma_start3A_169 : memref<10240x128xf32, #tpu.memory_space<vmem_shared>>) offsets(%dma_start3A_166 : memref<128xi32, #tpu.memory_space<vmem>>) semaphore(%run_scoped3A_163 : memref<!tpu.dma_semaphore, #tpu.memory_space<semaphore_mem>>) {add = true}
            %dma_wait3A_170 = arith.constant 0 : i32
            %dma_wait3A_171 = tpu.memref_slice %arg5[%add3A_162, %dma_wait3A_170] : memref<32x128xi32, #tpu.memory_space<vmem>> -> memref<1x128xi32, #tpu.memory_space<vmem>>
            %dma_wait3A_172 = tpu.memref_squeeze %dma_wait3A_171 : memref<1x128xi32, #tpu.memory_space<vmem>> -> memref<128xi32, #tpu.memory_space<vmem>>
            %dma_wait3A_173 = arith.constant 0 : i32
            %dma_wait3A_174 = arith.constant 0 : i32
            %dma_wait3A_175 = tpu.memref_slice %arg9[%dma_wait3A_173, %dma_wait3A_174] : memref<10240x128xf32, #tpu.memory_space<vmem_shared>> -> memref<10240x128xf32, #tpu.memory_space<vmem_shared>>
            tpu.wait_indirect_dma semaphore(%run_scoped3A_163 : memref<!tpu.dma_semaphore, #tpu.memory_space<semaphore_mem>>) src(%arg8 : memref<128x128xf32, #tpu.memory_space<vmem>>) dst(%dma_wait3A_175 : memref<10240x128xf32, #tpu.memory_space<vmem_shared>>)
            tpu.yield
          }) : () -> ()
        }
        %scan3A_97 = arith.constant 7 : i32
        %dma_start3A_98 = arith.constant 30 : i32
        %dma_start3A_99 = arith.constant 0 : i32
        %dma_start3A_100 = tpu.memref_slice %arg5[%dma_start3A_98, %dma_start3A_99] : memref<32x128xi32, #tpu.memory_space<vmem>> -> memref<1x128xi32, #tpu.memory_space<vmem>>
        %dma_start3A_101 = tpu.memref_squeeze %dma_start3A_100 : memref<1x128xi32, #tpu.memory_space<vmem>> -> memref<128xi32, #tpu.memory_space<vmem>>
        %dma_start3A_102 = arith.constant 0 : i32
        %dma_start3A_103 = arith.constant 0 : i32
        %dma_start3A_104 = tpu.memref_slice %arg2[%dma_start3A_102, %dma_start3A_103] : memref<10240x128xf32, #tpu.memory_space<hbm>> -> memref<10240x128xf32, #tpu.memory_space<hbm>>
        tpu.enqueue_indirect_dma source(%dma_start3A_104 : memref<10240x128xf32, #tpu.memory_space<hbm>>) target(%arg8 : memref<128x128xf32, #tpu.memory_space<vmem>>) offsets(%dma_start3A_101 : memref<128xi32, #tpu.memory_space<vmem>>) semaphore(%arg11 : memref<!tpu.dma_semaphore, #tpu.memory_space<semaphore_mem>>)
        %dma_wait3A_105 = arith.constant 0 : i32
        %dma_wait3A_106 = arith.constant 0 : i32
        %dma_wait3A_107 = tpu.memref_slice %arg2[%dma_wait3A_105, %dma_wait3A_106] : memref<10240x128xf32, #tpu.memory_space<hbm>> -> memref<128x128xf32, #tpu.memory_space<hbm>>
        %dma_wait3A_108 = arith.constant 0 : i32
        %dma_wait3A_109 = arith.constant 0 : i32
        %dma_wait3A_110 = tpu.memref_slice %arg2[%dma_wait3A_108, %dma_wait3A_109] : memref<10240x128xf32, #tpu.memory_space<hbm>> -> memref<128x128xf32, #tpu.memory_space<hbm>>
        tpu.wait_dma2 semaphore(%arg10 : memref<!tpu.dma_semaphore, #tpu.memory_space<semaphore_mem>>) src(%dma_wait3A_110 : memref<128x128xf32, #tpu.memory_space<hbm>>) dst(%arg7 : memref<128x128xf32, #tpu.memory_space<vmem>>)
        %run_scoped3A = arith.constant 29 : i32
        "tpu.region"() ({
          %run_scoped3A_118 = tpu.sem_alloc : memref<!tpu.dma_semaphore, #tpu.memory_space<semaphore_mem>>
          %dma_start3A_119 = arith.constant 0 : i32
          %dma_start3A_120 = tpu.memref_slice %arg5[%run_scoped3A, %dma_start3A_119] : memref<32x128xi32, #tpu.memory_space<vmem>> -> memref<1x128xi32, #tpu.memory_space<vmem>>
          %dma_start3A_121 = tpu.memref_squeeze %dma_start3A_120 : memref<1x128xi32, #tpu.memory_space<vmem>> -> memref<128xi32, #tpu.memory_space<vmem>>
          %dma_start3A_122 = arith.constant 0 : i32
          %dma_start3A_123 = arith.constant 0 : i32
          %dma_start3A_124 = tpu.memref_slice %arg9[%dma_start3A_122, %dma_start3A_123] : memref<10240x128xf32, #tpu.memory_space<vmem_shared>> -> memref<10240x128xf32, #tpu.memory_space<vmem_shared>>
          tpu.enqueue_indirect_dma source(%arg7 : memref<128x128xf32, #tpu.memory_space<vmem>>) target(%dma_start3A_124 : memref<10240x128xf32, #tpu.memory_space<vmem_shared>>) offsets(%dma_start3A_121 : memref<128xi32, #tpu.memory_space<vmem>>) semaphore(%run_scoped3A_118 : memref<!tpu.dma_semaphore, #tpu.memory_space<semaphore_mem>>) {add = true}
          %dma_wait3A_125 = arith.constant 0 : i32
          %dma_wait3A_126 = tpu.memref_slice %arg5[%run_scoped3A, %dma_wait3A_125] : memref<32x128xi32, #tpu.memory_space<vmem>> -> memref<1x128xi32, #tpu.memory_space<vmem>>
          %dma_wait3A_127 = tpu.memref_squeeze %dma_wait3A_126 : memref<1x128xi32, #tpu.memory_space<vmem>> -> memref<128xi32, #tpu.memory_space<vmem>>
          %dma_wait3A_128 = arith.constant 0 : i32
          %dma_wait3A_129 = arith.constant 0 : i32
          %dma_wait3A_130 = tpu.memref_slice %arg9[%dma_wait3A_128, %dma_wait3A_129] : memref<10240x128xf32, #tpu.memory_space<vmem_shared>> -> memref<10240x128xf32, #tpu.memory_space<vmem_shared>>
          tpu.wait_indirect_dma semaphore(%run_scoped3A_118 : memref<!tpu.dma_semaphore, #tpu.memory_space<semaphore_mem>>) src(%arg7 : memref<128x128xf32, #tpu.memory_space<vmem>>) dst(%dma_wait3A_130 : memref<10240x128xf32, #tpu.memory_space<vmem_shared>>)
          tpu.yield
        }) : () -> ()
        %dma_wait3A_111 = arith.constant 0 : i32
        %dma_wait3A_112 = arith.constant 0 : i32
        %dma_wait3A_113 = tpu.memref_slice %arg2[%dma_wait3A_111, %dma_wait3A_112] : memref<10240x128xf32, #tpu.memory_space<hbm>> -> memref<128x128xf32, #tpu.memory_space<hbm>>
        %dma_wait3A_114 = arith.constant 0 : i32
        %dma_wait3A_115 = arith.constant 0 : i32
        %dma_wait3A_116 = tpu.memref_slice %arg2[%dma_wait3A_114, %dma_wait3A_115] : memref<10240x128xf32, #tpu.memory_space<hbm>> -> memref<128x128xf32, #tpu.memory_space<hbm>>
        tpu.wait_dma2 semaphore(%arg11 : memref<!tpu.dma_semaphore, #tpu.memory_space<semaphore_mem>>) src(%dma_wait3A_116 : memref<128x128xf32, #tpu.memory_space<hbm>>) dst(%arg8 : memref<128x128xf32, #tpu.memory_space<vmem>>)
        %run_scoped3A_117 = arith.constant 31 : i32
        "tpu.region"() ({
          %run_scoped3A_118 = tpu.sem_alloc : memref<!tpu.dma_semaphore, #tpu.memory_space<semaphore_mem>>
          %dma_start3A_119 = arith.constant 0 : i32
          %dma_start3A_120 = tpu.memref_slice %arg5[%run_scoped3A_117, %dma_start3A_119] : memref<32x128xi32, #tpu.memory_space<vmem>> -> memref<1x128xi32, #tpu.memory_space<vmem>>
          %dma_start3A_121 = tpu.memref_squeeze %dma_start3A_120 : memref<1x128xi32, #tpu.memory_space<vmem>> -> memref<128xi32, #tpu.memory_space<vmem>>
          %dma_start3A_122 = arith.constant 0 : i32
          %dma_start3A_123 = arith.constant 0 : i32
          %dma_start3A_124 = tpu.memref_slice %arg9[%dma_start3A_122, %dma_start3A_123] : memref<10240x128xf32, #tpu.memory_space<vmem_shared>> -> memref<10240x128xf32, #tpu.memory_space<vmem_shared>>
          tpu.enqueue_indirect_dma source(%arg8 : memref<128x128xf32, #tpu.memory_space<vmem>>) target(%dma_start3A_124 : memref<10240x128xf32, #tpu.memory_space<vmem_shared>>) offsets(%dma_start3A_121 : memref<128xi32, #tpu.memory_space<vmem>>) semaphore(%run_scoped3A_118 : memref<!tpu.dma_semaphore, #tpu.memory_space<semaphore_mem>>) {add = true}
          %dma_wait3A_125 = arith.constant 0 : i32
          %dma_wait3A_126 = tpu.memref_slice %arg5[%run_scoped3A_117, %dma_wait3A_125] : memref<32x128xi32, #tpu.memory_space<vmem>> -> memref<1x128xi32, #tpu.memory_space<vmem>>
          %dma_wait3A_127 = tpu.memref_squeeze %dma_wait3A_126 : memref<1x128xi32, #tpu.memory_space<vmem>> -> memref<128xi32, #tpu.memory_space<vmem>>
          %dma_wait3A_128 = arith.constant 0 : i32
          %dma_wait3A_129 = arith.constant 0 : i32
          %dma_wait3A_130 = tpu.memref_slice %arg9[%dma_wait3A_128, %dma_wait3A_129] : memref<10240x128xf32, #tpu.memory_space<vmem_shared>> -> memref<10240x128xf32, #tpu.memory_space<vmem_shared>>
          tpu.wait_indirect_dma semaphore(%run_scoped3A_118 : memref<!tpu.dma_semaphore, #tpu.memory_space<semaphore_mem>>) src(%arg8 : memref<128x128xf32, #tpu.memory_space<vmem>>) dst(%dma_wait3A_130 : memref<10240x128xf32, #tpu.memory_space<vmem_shared>>)
          tpu.yield
        }) : () -> ()
      } else {
      }
      %jit3A_54 = arith.constant 2 : i32
      %eq3A_55 = arith.constant 0 : i32
      %eq3A_56 = arith.cmpi eq, %jit3A_54, %eq3A_55 : i32
      %jit3A_57 = arith.constant 1 : i32
      %select_n3A_58 = arith.select %eq3A_56, %jit3A_57, %jit3A_54 : i32
      %rem3A_59 = arith.remsi %while3A_36, %select_n3A_58 : i32
      %ne3A_60 = arith.constant 0 : i32
      %ne3A_61 = arith.cmpi ne, %rem3A_59, %ne3A_60 : i32
      %lt3A_62 = arith.constant 0 : i32
      %lt3A_63 = arith.cmpi slt, %rem3A_59, %lt3A_62 : i32
      %lt3A_64 = arith.constant 0 : i32
      %lt3A_65 = arith.cmpi slt, %select_n3A_58, %lt3A_64 : i32
      %ne3A_66 = arith.xori %lt3A_63, %lt3A_65 : i1
      %and3A_67 = arith.andi %ne3A_66, %ne3A_61 : i1
      %add3A_68 = arith.addi %rem3A_59, %select_n3A_58 : i32
      %select_n3A_69 = arith.select %and3A_67, %add3A_68, %rem3A_59 : i32
      %eq3A_70 = arith.constant 1 : i32
      %eq3A_71 = arith.cmpi eq, %select_n3A_69, %eq3A_70 : i32
      %convert_element_type3A_72 = arith.extui %eq3A_71 : i1 to i32
      %cond3A_73 = arith.constant 0 : i32
      %cond3A_74 = arith.cmpi ne, %convert_element_type3A_72, %cond3A_73 : i32
      scf.if %cond3A_74 {
        %add3A_75 = arith.constant 1 : i32
        %add3A_76 = arith.addi %while3A_36, %add3A_75 : i32
        %lt3A_77 = arith.cmpi slt, %add3A_76, %select_n3A_8 : i32
        %convert_element_type3A_78 = arith.extui %lt3A_77 : i1 to i32
        %cond3A_79 = arith.constant 0 : i32
        %cond3A_80 = arith.cmpi ne, %convert_element_type3A_78, %cond3A_79 : i32
        scf.if %cond3A_80 {
          %add3A_118 = arith.constant 1 : i32
          %add3A_119 = arith.addi %while3A_36, %add3A_118 : i32
          %mul3A_120 = arith.constant 16 : i32
          %mul3A_121 = arith.muli %add3A_119, %mul3A_120 : i32
          %add3A_122 = arith.addi %select_n3A, %mul3A_121 : i32
          %mul3A_123 = arith.constant 2 : i32
          %mul3A_124 = arith.muli %mul3A_123, %add3A_122 : i32
          %dma_start3A_125 = arith.constant 0 : i32
          %dma_start3A_126 = tpu.memref_slice %arg3[%mul3A_124, %dma_start3A_125] : memref<5120x128xi32, #tpu.memory_space<hbm>> -> memref<32x128xi32, #tpu.memory_space<hbm>>
          %dma_start3A_127 = arith.constant 0 : i32
          %dma_start3A_128 = tpu.memref_slice %arg3[%mul3A_124, %dma_start3A_127] : memref<5120x128xi32, #tpu.memory_space<hbm>> -> memref<32x128xi32, #tpu.memory_space<hbm>>
          tpu.enqueue_dma source(%dma_start3A_128 : memref<32x128xi32, #tpu.memory_space<hbm>>) target(%arg5 : memref<32x128xi32, #tpu.memory_space<vmem>>) target_semaphore(%arg12 : memref<!tpu.dma_semaphore, #tpu.memory_space<semaphore_mem>>)
        } else {
        }
        %dma_wait3A = arith.constant 0 : i32
        %dma_wait3A_81 = arith.constant 0 : i32
        %dma_wait3A_82 = tpu.memref_slice %arg3[%dma_wait3A, %dma_wait3A_81] : memref<5120x128xi32, #tpu.memory_space<hbm>> -> memref<32x128xi32, #tpu.memory_space<hbm>>
        %dma_wait3A_83 = arith.constant 0 : i32
        %dma_wait3A_84 = arith.constant 0 : i32
        %dma_wait3A_85 = tpu.memref_slice %arg3[%dma_wait3A_83, %dma_wait3A_84] : memref<5120x128xi32, #tpu.memory_space<hbm>> -> memref<32x128xi32, #tpu.memory_space<hbm>>
        tpu.wait_dma2 semaphore(%arg13 : memref<!tpu.dma_semaphore, #tpu.memory_space<semaphore_mem>>) src(%dma_wait3A_85 : memref<32x128xi32, #tpu.memory_space<hbm>>) dst(%arg6 : memref<32x128xi32, #tpu.memory_space<vmem>>)
        %dma_start3A = arith.constant 0 : i32
        %dma_start3A_86 = arith.constant 0 : i32
        %dma_start3A_87 = tpu.memref_slice %arg6[%dma_start3A, %dma_start3A_86] : memref<32x128xi32, #tpu.memory_space<vmem>> -> memref<1x128xi32, #tpu.memory_space<vmem>>
        %dma_start3A_88 = tpu.memref_squeeze %dma_start3A_87 : memref<1x128xi32, #tpu.memory_space<vmem>> -> memref<128xi32, #tpu.memory_space<vmem>>
        %dma_start3A_89 = arith.constant 0 : i32
        %dma_start3A_90 = arith.constant 0 : i32
        %dma_start3A_91 = tpu.memref_slice %arg2[%dma_start3A_89, %dma_start3A_90] : memref<10240x128xf32, #tpu.memory_space<hbm>> -> memref<10240x128xf32, #tpu.memory_space<hbm>>
        tpu.enqueue_indirect_dma source(%dma_start3A_91 : memref<10240x128xf32, #tpu.memory_space<hbm>>) target(%arg7 : memref<128x128xf32, #tpu.memory_space<vmem>>) offsets(%dma_start3A_88 : memref<128xi32, #tpu.memory_space<vmem>>) semaphore(%arg10 : memref<!tpu.dma_semaphore, #tpu.memory_space<semaphore_mem>>)
        %scan3A_92 = arith.constant 0 : i32
        %scan3A_93 = arith.constant 0 : i32
        %scan3A_94 = arith.constant 7 : i32
        %scan3A_95 = arith.addi %scan3A_93, %scan3A_94 : i32
        %scan3A_96 = arith.constant 1 : i32
        scf.for %scan3A_118 = %scan3A_93 to %scan3A_95 step %scan3A_96  : i32 {
          %mul3A_119 = arith.constant 2 : i32
          %mul3A_120 = arith.muli %mul3A_119, %scan3A_118 : i32
          %add3A_121 = arith.constant 1 : i32
          %add3A_122 = arith.addi %mul3A_120, %add3A_121 : i32
          %mul3A_123 = arith.constant 2 : i32
          %mul3A_124 = arith.muli %mul3A_123, %add3A_122 : i32
          %dma_start3A_125 = arith.constant 0 : i32
          %dma_start3A_126 = tpu.memref_slice %arg6[%mul3A_124, %dma_start3A_125] : memref<32x128xi32, #tpu.memory_space<vmem>> -> memref<1x128xi32, #tpu.memory_space<vmem>>
          %dma_start3A_127 = tpu.memref_squeeze %dma_start3A_126 : memref<1x128xi32, #tpu.memory_space<vmem>> -> memref<128xi32, #tpu.memory_space<vmem>>
          %dma_start3A_128 = arith.constant 0 : i32
          %dma_start3A_129 = arith.constant 0 : i32
          %dma_start3A_130 = tpu.memref_slice %arg2[%dma_start3A_128, %dma_start3A_129] : memref<10240x128xf32, #tpu.memory_space<hbm>> -> memref<10240x128xf32, #tpu.memory_space<hbm>>
          tpu.enqueue_indirect_dma source(%dma_start3A_130 : memref<10240x128xf32, #tpu.memory_space<hbm>>) target(%arg8 : memref<128x128xf32, #tpu.memory_space<vmem>>) offsets(%dma_start3A_127 : memref<128xi32, #tpu.memory_space<vmem>>) semaphore(%arg11 : memref<!tpu.dma_semaphore, #tpu.memory_space<semaphore_mem>>)
          %dma_wait3A_131 = arith.constant 0 : i32
          %dma_wait3A_132 = arith.constant 0 : i32
          %dma_wait3A_133 = tpu.memref_slice %arg2[%dma_wait3A_131, %dma_wait3A_132] : memref<10240x128xf32, #tpu.memory_space<hbm>> -> memref<128x128xf32, #tpu.memory_space<hbm>>
          %dma_wait3A_134 = arith.constant 0 : i32
          %dma_wait3A_135 = arith.constant 0 : i32
          %dma_wait3A_136 = tpu.memref_slice %arg2[%dma_wait3A_134, %dma_wait3A_135] : memref<10240x128xf32, #tpu.memory_space<hbm>> -> memref<128x128xf32, #tpu.memory_space<hbm>>
          tpu.wait_dma2 semaphore(%arg10 : memref<!tpu.dma_semaphore, #tpu.memory_space<semaphore_mem>>) src(%dma_wait3A_136 : memref<128x128xf32, #tpu.memory_space<hbm>>) dst(%arg7 : memref<128x128xf32, #tpu.memory_space<vmem>>)
          %mul3A_137 = arith.constant 2 : i32
          %mul3A_138 = arith.muli %mul3A_137, %mul3A_120 : i32
          %add3A_139 = arith.constant 1 : i32
          %add3A_140 = arith.addi %mul3A_138, %add3A_139 : i32
          "tpu.region"() ({
            %run_scoped3A_163 = tpu.sem_alloc : memref<!tpu.dma_semaphore, #tpu.memory_space<semaphore_mem>>
            %dma_start3A_164 = arith.constant 0 : i32
            %dma_start3A_165 = tpu.memref_slice %arg6[%add3A_140, %dma_start3A_164] : memref<32x128xi32, #tpu.memory_space<vmem>> -> memref<1x128xi32, #tpu.memory_space<vmem>>
            %dma_start3A_166 = tpu.memref_squeeze %dma_start3A_165 : memref<1x128xi32, #tpu.memory_space<vmem>> -> memref<128xi32, #tpu.memory_space<vmem>>
            %dma_start3A_167 = arith.constant 0 : i32
            %dma_start3A_168 = arith.constant 0 : i32
            %dma_start3A_169 = tpu.memref_slice %arg9[%dma_start3A_167, %dma_start3A_168] : memref<10240x128xf32, #tpu.memory_space<vmem_shared>> -> memref<10240x128xf32, #tpu.memory_space<vmem_shared>>
            tpu.enqueue_indirect_dma source(%arg7 : memref<128x128xf32, #tpu.memory_space<vmem>>) target(%dma_start3A_169 : memref<10240x128xf32, #tpu.memory_space<vmem_shared>>) offsets(%dma_start3A_166 : memref<128xi32, #tpu.memory_space<vmem>>) semaphore(%run_scoped3A_163 : memref<!tpu.dma_semaphore, #tpu.memory_space<semaphore_mem>>) {add = true}
            %dma_wait3A_170 = arith.constant 0 : i32
            %dma_wait3A_171 = tpu.memref_slice %arg6[%add3A_140, %dma_wait3A_170] : memref<32x128xi32, #tpu.memory_space<vmem>> -> memref<1x128xi32, #tpu.memory_space<vmem>>
            %dma_wait3A_172 = tpu.memref_squeeze %dma_wait3A_171 : memref<1x128xi32, #tpu.memory_space<vmem>> -> memref<128xi32, #tpu.memory_space<vmem>>
            %dma_wait3A_173 = arith.constant 0 : i32
            %dma_wait3A_174 = arith.constant 0 : i32
            %dma_wait3A_175 = tpu.memref_slice %arg9[%dma_wait3A_173, %dma_wait3A_174] : memref<10240x128xf32, #tpu.memory_space<vmem_shared>> -> memref<10240x128xf32, #tpu.memory_space<vmem_shared>>
            tpu.wait_indirect_dma semaphore(%run_scoped3A_163 : memref<!tpu.dma_semaphore, #tpu.memory_space<semaphore_mem>>) src(%arg7 : memref<128x128xf32, #tpu.memory_space<vmem>>) dst(%dma_wait3A_175 : memref<10240x128xf32, #tpu.memory_space<vmem_shared>>)
            tpu.yield
          }) : () -> ()
          %add3A_141 = arith.constant 2 : i32
          %add3A_142 = arith.addi %mul3A_120, %add3A_141 : i32
          %mul3A_143 = arith.constant 2 : i32
          %mul3A_144 = arith.muli %mul3A_143, %add3A_142 : i32
          %dma_start3A_145 = arith.constant 0 : i32
          %dma_start3A_146 = tpu.memref_slice %arg6[%mul3A_144, %dma_start3A_145] : memref<32x128xi32, #tpu.memory_space<vmem>> -> memref<1x128xi32, #tpu.memory_space<vmem>>
          %dma_start3A_147 = tpu.memref_squeeze %dma_start3A_146 : memref<1x128xi32, #tpu.memory_space<vmem>> -> memref<128xi32, #tpu.memory_space<vmem>>
          %dma_start3A_148 = arith.constant 0 : i32
          %dma_start3A_149 = arith.constant 0 : i32
          %dma_start3A_150 = tpu.memref_slice %arg2[%dma_start3A_148, %dma_start3A_149] : memref<10240x128xf32, #tpu.memory_space<hbm>> -> memref<10240x128xf32, #tpu.memory_space<hbm>>
          tpu.enqueue_indirect_dma source(%dma_start3A_150 : memref<10240x128xf32, #tpu.memory_space<hbm>>) target(%arg7 : memref<128x128xf32, #tpu.memory_space<vmem>>) offsets(%dma_start3A_147 : memref<128xi32, #tpu.memory_space<vmem>>) semaphore(%arg10 : memref<!tpu.dma_semaphore, #tpu.memory_space<semaphore_mem>>)
          %dma_wait3A_151 = arith.constant 0 : i32
          %dma_wait3A_152 = arith.constant 0 : i32
          %dma_wait3A_153 = tpu.memref_slice %arg2[%dma_wait3A_151, %dma_wait3A_152] : memref<10240x128xf32, #tpu.memory_space<hbm>> -> memref<128x128xf32, #tpu.memory_space<hbm>>
          %dma_wait3A_154 = arith.constant 0 : i32
          %dma_wait3A_155 = arith.constant 0 : i32
          %dma_wait3A_156 = tpu.memref_slice %arg2[%dma_wait3A_154, %dma_wait3A_155] : memref<10240x128xf32, #tpu.memory_space<hbm>> -> memref<128x128xf32, #tpu.memory_space<hbm>>
          tpu.wait_dma2 semaphore(%arg11 : memref<!tpu.dma_semaphore, #tpu.memory_space<semaphore_mem>>) src(%dma_wait3A_156 : memref<128x128xf32, #tpu.memory_space<hbm>>) dst(%arg8 : memref<128x128xf32, #tpu.memory_space<vmem>>)
          %add3A_157 = arith.constant 1 : i32
          %add3A_158 = arith.addi %mul3A_120, %add3A_157 : i32
          %mul3A_159 = arith.constant 2 : i32
          %mul3A_160 = arith.muli %mul3A_159, %add3A_158 : i32
          %add3A_161 = arith.constant 1 : i32
          %add3A_162 = arith.addi %mul3A_160, %add3A_161 : i32
          "tpu.region"() ({
            %run_scoped3A_163 = tpu.sem_alloc : memref<!tpu.dma_semaphore, #tpu.memory_space<semaphore_mem>>
            %dma_start3A_164 = arith.constant 0 : i32
            %dma_start3A_165 = tpu.memref_slice %arg6[%add3A_162, %dma_start3A_164] : memref<32x128xi32, #tpu.memory_space<vmem>> -> memref<1x128xi32, #tpu.memory_space<vmem>>
            %dma_start3A_166 = tpu.memref_squeeze %dma_start3A_165 : memref<1x128xi32, #tpu.memory_space<vmem>> -> memref<128xi32, #tpu.memory_space<vmem>>
            %dma_start3A_167 = arith.constant 0 : i32
            %dma_start3A_168 = arith.constant 0 : i32
            %dma_start3A_169 = tpu.memref_slice %arg9[%dma_start3A_167, %dma_start3A_168] : memref<10240x128xf32, #tpu.memory_space<vmem_shared>> -> memref<10240x128xf32, #tpu.memory_space<vmem_shared>>
            tpu.enqueue_indirect_dma source(%arg8 : memref<128x128xf32, #tpu.memory_space<vmem>>) target(%dma_start3A_169 : memref<10240x128xf32, #tpu.memory_space<vmem_shared>>) offsets(%dma_start3A_166 : memref<128xi32, #tpu.memory_space<vmem>>) semaphore(%run_scoped3A_163 : memref<!tpu.dma_semaphore, #tpu.memory_space<semaphore_mem>>) {add = true}
            %dma_wait3A_170 = arith.constant 0 : i32
            %dma_wait3A_171 = tpu.memref_slice %arg6[%add3A_162, %dma_wait3A_170] : memref<32x128xi32, #tpu.memory_space<vmem>> -> memref<1x128xi32, #tpu.memory_space<vmem>>
            %dma_wait3A_172 = tpu.memref_squeeze %dma_wait3A_171 : memref<1x128xi32, #tpu.memory_space<vmem>> -> memref<128xi32, #tpu.memory_space<vmem>>
            %dma_wait3A_173 = arith.constant 0 : i32
            %dma_wait3A_174 = arith.constant 0 : i32
            %dma_wait3A_175 = tpu.memref_slice %arg9[%dma_wait3A_173, %dma_wait3A_174] : memref<10240x128xf32, #tpu.memory_space<vmem_shared>> -> memref<10240x128xf32, #tpu.memory_space<vmem_shared>>
            tpu.wait_indirect_dma semaphore(%run_scoped3A_163 : memref<!tpu.dma_semaphore, #tpu.memory_space<semaphore_mem>>) src(%arg8 : memref<128x128xf32, #tpu.memory_space<vmem>>) dst(%dma_wait3A_175 : memref<10240x128xf32, #tpu.memory_space<vmem_shared>>)
            tpu.yield
          }) : () -> ()
        }
        %scan3A_97 = arith.constant 7 : i32
        %dma_start3A_98 = arith.constant 30 : i32
        %dma_start3A_99 = arith.constant 0 : i32
        %dma_start3A_100 = tpu.memref_slice %arg6[%dma_start3A_98, %dma_start3A_99] : memref<32x128xi32, #tpu.memory_space<vmem>> -> memref<1x128xi32, #tpu.memory_space<vmem>>
        %dma_start3A_101 = tpu.memref_squeeze %dma_start3A_100 : memref<1x128xi32, #tpu.memory_space<vmem>> -> memref<128xi32, #tpu.memory_space<vmem>>
        %dma_start3A_102 = arith.constant 0 : i32
        %dma_start3A_103 = arith.constant 0 : i32
        %dma_start3A_104 = tpu.memref_slice %arg2[%dma_start3A_102, %dma_start3A_103] : memref<10240x128xf32, #tpu.memory_space<hbm>> -> memref<10240x128xf32, #tpu.memory_space<hbm>>
        tpu.enqueue_indirect_dma source(%dma_start3A_104 : memref<10240x128xf32, #tpu.memory_space<hbm>>) target(%arg8 : memref<128x128xf32, #tpu.memory_space<vmem>>) offsets(%dma_start3A_101 : memref<128xi32, #tpu.memory_space<vmem>>) semaphore(%arg11 : memref<!tpu.dma_semaphore, #tpu.memory_space<semaphore_mem>>)
        %dma_wait3A_105 = arith.constant 0 : i32
        %dma_wait3A_106 = arith.constant 0 : i32
        %dma_wait3A_107 = tpu.memref_slice %arg2[%dma_wait3A_105, %dma_wait3A_106] : memref<10240x128xf32, #tpu.memory_space<hbm>> -> memref<128x128xf32, #tpu.memory_space<hbm>>
        %dma_wait3A_108 = arith.constant 0 : i32
        %dma_wait3A_109 = arith.constant 0 : i32
        %dma_wait3A_110 = tpu.memref_slice %arg2[%dma_wait3A_108, %dma_wait3A_109] : memref<10240x128xf32, #tpu.memory_space<hbm>> -> memref<128x128xf32, #tpu.memory_space<hbm>>
        tpu.wait_dma2 semaphore(%arg10 : memref<!tpu.dma_semaphore, #tpu.memory_space<semaphore_mem>>) src(%dma_wait3A_110 : memref<128x128xf32, #tpu.memory_space<hbm>>) dst(%arg7 : memref<128x128xf32, #tpu.memory_space<vmem>>)
        %run_scoped3A = arith.constant 29 : i32
        "tpu.region"() ({
          %run_scoped3A_118 = tpu.sem_alloc : memref<!tpu.dma_semaphore, #tpu.memory_space<semaphore_mem>>
          %dma_start3A_119 = arith.constant 0 : i32
          %dma_start3A_120 = tpu.memref_slice %arg6[%run_scoped3A, %dma_start3A_119] : memref<32x128xi32, #tpu.memory_space<vmem>> -> memref<1x128xi32, #tpu.memory_space<vmem>>
          %dma_start3A_121 = tpu.memref_squeeze %dma_start3A_120 : memref<1x128xi32, #tpu.memory_space<vmem>> -> memref<128xi32, #tpu.memory_space<vmem>>
          %dma_start3A_122 = arith.constant 0 : i32
          %dma_start3A_123 = arith.constant 0 : i32
          %dma_start3A_124 = tpu.memref_slice %arg9[%dma_start3A_122, %dma_start3A_123] : memref<10240x128xf32, #tpu.memory_space<vmem_shared>> -> memref<10240x128xf32, #tpu.memory_space<vmem_shared>>
          tpu.enqueue_indirect_dma source(%arg7 : memref<128x128xf32, #tpu.memory_space<vmem>>) target(%dma_start3A_124 : memref<10240x128xf32, #tpu.memory_space<vmem_shared>>) offsets(%dma_start3A_121 : memref<128xi32, #tpu.memory_space<vmem>>) semaphore(%run_scoped3A_118 : memref<!tpu.dma_semaphore, #tpu.memory_space<semaphore_mem>>) {add = true}
          %dma_wait3A_125 = arith.constant 0 : i32
          %dma_wait3A_126 = tpu.memref_slice %arg6[%run_scoped3A, %dma_wait3A_125] : memref<32x128xi32, #tpu.memory_space<vmem>> -> memref<1x128xi32, #tpu.memory_space<vmem>>
          %dma_wait3A_127 = tpu.memref_squeeze %dma_wait3A_126 : memref<1x128xi32, #tpu.memory_space<vmem>> -> memref<128xi32, #tpu.memory_space<vmem>>
          %dma_wait3A_128 = arith.constant 0 : i32
          %dma_wait3A_129 = arith.constant 0 : i32
          %dma_wait3A_130 = tpu.memref_slice %arg9[%dma_wait3A_128, %dma_wait3A_129] : memref<10240x128xf32, #tpu.memory_space<vmem_shared>> -> memref<10240x128xf32, #tpu.memory_space<vmem_shared>>
          tpu.wait_indirect_dma semaphore(%run_scoped3A_118 : memref<!tpu.dma_semaphore, #tpu.memory_space<semaphore_mem>>) src(%arg7 : memref<128x128xf32, #tpu.memory_space<vmem>>) dst(%dma_wait3A_130 : memref<10240x128xf32, #tpu.memory_space<vmem_shared>>)
          tpu.yield
        }) : () -> ()
        %dma_wait3A_111 = arith.constant 0 : i32
        %dma_wait3A_112 = arith.constant 0 : i32
        %dma_wait3A_113 = tpu.memref_slice %arg2[%dma_wait3A_111, %dma_wait3A_112] : memref<10240x128xf32, #tpu.memory_space<hbm>> -> memref<128x128xf32, #tpu.memory_space<hbm>>
        %dma_wait3A_114 = arith.constant 0 : i32
        %dma_wait3A_115 = arith.constant 0 : i32
        %dma_wait3A_116 = tpu.memref_slice %arg2[%dma_wait3A_114, %dma_wait3A_115] : memref<10240x128xf32, #tpu.memory_space<hbm>> -> memref<128x128xf32, #tpu.memory_space<hbm>>
        tpu.wait_dma2 semaphore(%arg11 : memref<!tpu.dma_semaphore, #tpu.memory_space<semaphore_mem>>) src(%dma_wait3A_116 : memref<128x128xf32, #tpu.memory_space<hbm>>) dst(%arg8 : memref<128x128xf32, #tpu.memory_space<vmem>>)
        %run_scoped3A_117 = arith.constant 31 : i32
        "tpu.region"() ({
          %run_scoped3A_118 = tpu.sem_alloc : memref<!tpu.dma_semaphore, #tpu.memory_space<semaphore_mem>>
          %dma_start3A_119 = arith.constant 0 : i32
          %dma_start3A_120 = tpu.memref_slice %arg6[%run_scoped3A_117, %dma_start3A_119] : memref<32x128xi32, #tpu.memory_space<vmem>> -> memref<1x128xi32, #tpu.memory_space<vmem>>
          %dma_start3A_121 = tpu.memref_squeeze %dma_start3A_120 : memref<1x128xi32, #tpu.memory_space<vmem>> -> memref<128xi32, #tpu.memory_space<vmem>>
          %dma_start3A_122 = arith.constant 0 : i32
          %dma_start3A_123 = arith.constant 0 : i32
          %dma_start3A_124 = tpu.memref_slice %arg9[%dma_start3A_122, %dma_start3A_123] : memref<10240x128xf32, #tpu.memory_space<vmem_shared>> -> memref<10240x128xf32, #tpu.memory_space<vmem_shared>>
          tpu.enqueue_indirect_dma source(%arg8 : memref<128x128xf32, #tpu.memory_space<vmem>>) target(%dma_start3A_124 : memref<10240x128xf32, #tpu.memory_space<vmem_shared>>) offsets(%dma_start3A_121 : memref<128xi32, #tpu.memory_space<vmem>>) semaphore(%run_scoped3A_118 : memref<!tpu.dma_semaphore, #tpu.memory_space<semaphore_mem>>) {add = true}
          %dma_wait3A_125 = arith.constant 0 : i32
          %dma_wait3A_126 = tpu.memref_slice %arg6[%run_scoped3A_117, %dma_wait3A_125] : memref<32x128xi32, #tpu.memory_space<vmem>> -> memref<1x128xi32, #tpu.memory_space<vmem>>
          %dma_wait3A_127 = tpu.memref_squeeze %dma_wait3A_126 : memref<1x128xi32, #tpu.memory_space<vmem>> -> memref<128xi32, #tpu.memory_space<vmem>>
          %dma_wait3A_128 = arith.constant 0 : i32
          %dma_wait3A_129 = arith.constant 0 : i32
          %dma_wait3A_130 = tpu.memref_slice %arg9[%dma_wait3A_128, %dma_wait3A_129] : memref<10240x128xf32, #tpu.memory_space<vmem_shared>> -> memref<10240x128xf32, #tpu.memory_space<vmem_shared>>
          tpu.wait_indirect_dma semaphore(%run_scoped3A_118 : memref<!tpu.dma_semaphore, #tpu.memory_space<semaphore_mem>>) src(%arg8 : memref<128x128xf32, #tpu.memory_space<vmem>>) dst(%dma_wait3A_130 : memref<10240x128xf32, #tpu.memory_space<vmem_shared>>)
          tpu.yield
        }) : () -> ()
      } else {
      }
    }
    %barrier3A_31 = arith.constant 0 : index
    tpu.barrier barrier_id(%barrier3A_31)
    %mul3A_32 = arith.constant 640 : i32
    %mul3A_33 = arith.muli %arg1, %mul3A_32 : i32
    %mul3A_34 = arith.constant 640 : i32
    %mul3A_35 = arith.muli %arg1, %mul3A_34 : i32
    "tpu.region"() ({
      %run_scoped3A = tpu.sem_alloc : memref<!tpu.dma_semaphore, #tpu.memory_space<semaphore_mem>>
      %dma_start3A = arith.constant 0 : i32
      %dma_start3A_36 = tpu.memref_slice %arg4[%arg0, %mul3A_35, %dma_start3A] : memref<2x10240x128xf32, #tpu.memory_space<hbm>> -> memref<1x640x128xf32, #tpu.memory_space<hbm>>
      %dma_start3A_37 = tpu.memref_squeeze %dma_start3A_36 : memref<1x640x128xf32, #tpu.memory_space<hbm>> -> memref<640x128xf32, #tpu.memory_space<hbm>>
      %dma_start3A_38 = arith.constant 0 : i32
      %dma_start3A_39 = tpu.memref_slice %arg9[%mul3A_33, %dma_start3A_38] : memref<10240x128xf32, #tpu.memory_space<vmem_shared>> -> memref<640x128xf32, #tpu.memory_space<vmem_shared>>
      tpu.enqueue_dma source(%dma_start3A_39 : memref<640x128xf32, #tpu.memory_space<vmem_shared>>) target(%dma_start3A_37 : memref<640x128xf32, #tpu.memory_space<hbm>>) target_semaphore(%run_scoped3A : memref<!tpu.dma_semaphore, #tpu.memory_space<semaphore_mem>>)
      %dma_wait3A = arith.constant 0 : i32
      %dma_wait3A_40 = tpu.memref_slice %arg4[%arg0, %mul3A_35, %dma_wait3A] : memref<2x10240x128xf32, #tpu.memory_space<hbm>> -> memref<1x640x128xf32, #tpu.memory_space<hbm>>
      %dma_wait3A_41 = tpu.memref_squeeze %dma_wait3A_40 : memref<1x640x128xf32, #tpu.memory_space<hbm>> -> memref<640x128xf32, #tpu.memory_space<hbm>>
      %dma_wait3A_42 = arith.constant 0 : i32
      %dma_wait3A_43 = tpu.memref_slice %arg9[%mul3A_33, %dma_wait3A_42] : memref<10240x128xf32, #tpu.memory_space<vmem_shared>> -> memref<640x128xf32, #tpu.memory_space<vmem_shared>>
      tpu.wait_dma2 semaphore(%run_scoped3A : memref<!tpu.dma_semaphore, #tpu.memory_space<semaphore_mem>>) src(%dma_wait3A_43 : memref<640x128xf32, #tpu.memory_space<vmem_shared>>) dst(%dma_wait3A_41 : memref<640x128xf32, #tpu.memory_space<hbm>>)
      tpu.yield
    }) : () -> ()
    return
  }
}

#map = affine_map<(d0, d1) -> (0, 0)>
#map1 = affine_map<(d0, d1) -> (0, 0, 0)>
module attributes {stable_mosaic.version = 14 : i64} {
  func.func @k(%arg0: i32, %arg1: i32, %arg2: memref<10240x64xf32, #tpu.memory_space<hbm>>, %arg3: memref<5120x128xi32, #tpu.memory_space<hbm>>, %arg4: memref<2x10240x64xf32, #tpu.memory_space<hbm>>, %arg5: memref<32x128xi32, #tpu.memory_space<vmem>>, %arg6: memref<32x128xi32, #tpu.memory_space<vmem>>, %arg7: memref<128x64xf32, #tpu.memory_space<vmem>>, %arg8: memref<128x64xf32, #tpu.memory_space<vmem>>, %arg9: memref<10240x64xf32, #tpu.memory_space<vmem_shared>>, %arg10: memref<!tpu.dma_semaphore, #tpu.memory_space<semaphore_mem>>, %arg11: memref<!tpu.dma_semaphore, #tpu.memory_space<semaphore_mem>>, %arg12: memref<!tpu.dma_semaphore, #tpu.memory_space<semaphore_mem>>, %arg13: memref<!tpu.dma_semaphore, #tpu.memory_space<semaphore_mem>>) attributes {dimension_semantics = [#tpu.dimension_semantics<core_parallel>, #tpu.dimension_semantics<subcore_parallel>], iteration_bounds = array<i64: 2, 16>, scalar_prefetch = 0 : i64, scratch_operands = 9 : i64, tpu.core_type = #tpu.core_type<sc_vector_subcore>, window_params = [{transform_indices = #map}, {transform_indices = #map}, {transform_indices = #map1}]} {
    %eq3A = arith.constant 0 : i32
    %eq3A_0 = arith.cmpi eq, %arg0, %eq3A : i32
    %mul3A = arith.constant 80 : i32
    %mul3A_1 = arith.muli %arg1, %mul3A : i32
    %mul3A_2 = arith.constant 80 : i32
    %mul3A_3 = arith.muli %arg1, %mul3A_2 : i32
    %add3A = arith.constant 1280 : i32
    %add3A_4 = arith.addi %add3A, %mul3A_3 : i32
    %select_n3A = arith.select %eq3A_0, %mul3A_1, %add3A_4 : i32
    %eq3A_5 = arith.constant 0 : i32
    %eq3A_6 = arith.cmpi eq, %arg0, %eq3A_5 : i32
    %jit3A = arith.constant 5 : i32
    %jit3A_7 = arith.constant 5 : i32
    %select_n3A_8 = arith.select %eq3A_6, %jit3A, %jit3A_7 : i32
    %gt3A = arith.constant 0 : i32
    %gt3A_9 = arith.cmpi sgt, %select_n3A_8, %gt3A : i32
    %convert_element_type3A = arith.extui %gt3A_9 : i1 to i32
    %cond3A = arith.constant 0 : i32
    %cond3A_10 = arith.cmpi ne, %convert_element_type3A, %cond3A : i32
    scf.if %cond3A_10 {
      %add3A_36 = arith.constant 0 : i32
      %add3A_37 = arith.addi %select_n3A, %add3A_36 : i32
      %mul3A_38 = arith.constant 2 : i32
      %mul3A_39 = arith.muli %mul3A_38, %add3A_37 : i32
      %dma_start3A = arith.constant 0 : i32
      %dma_start3A_40 = tpu.memref_slice %arg3[%mul3A_39, %dma_start3A] : memref<5120x128xi32, #tpu.memory_space<hbm>> -> memref<32x128xi32, #tpu.memory_space<hbm>>
      %dma_start3A_41 = arith.constant 0 : i32
      %dma_start3A_42 = tpu.memref_slice %arg3[%mul3A_39, %dma_start3A_41] : memref<5120x128xi32, #tpu.memory_space<hbm>> -> memref<32x128xi32, #tpu.memory_space<hbm>>
      tpu.enqueue_dma source(%dma_start3A_42 : memref<32x128xi32, #tpu.memory_space<hbm>>) target(%arg5 : memref<32x128xi32, #tpu.memory_space<vmem>>) target_semaphore(%arg12 : memref<!tpu.dma_semaphore, #tpu.memory_space<semaphore_mem>>)
    } else {
    }
    %scan3A = arith.constant 0 : i32
    %scan3A_11 = arith.constant 0 : i32
    %scan3A_12 = arith.constant 128 : i32
    %scan3A_13 = arith.addi %scan3A_11, %scan3A_12 : i32
    %scan3A_14 = arith.constant 1 : i32
    scf.for %scan3A_36 = %scan3A_11 to %scan3A_13 step %scan3A_14  : i32 {
      %scan3A_37 = arith.constant 0 : i32
      %scan3A_38 = arith.constant 0 : i32
      %scan3A_39 = arith.constant 4 : i32
      %scan3A_40 = arith.addi %scan3A_38, %scan3A_39 : i32
      %scan3A_41 = arith.constant 1 : i32
      scf.for %scan3A_43 = %scan3A_38 to %scan3A_40 step %scan3A_41  : i32 {
        %broadcast_in_dim3A = arith.constant 0.000000e+00 : f32
        %broadcast_in_dim3A_44 = vector.broadcast %broadcast_in_dim3A : f32 to vector<16xf32>
        %mul3A_45 = arith.constant 16 : i32
        %mul3A_46 = arith.muli %scan3A_43, %mul3A_45 : i32
        %swap3A = arith.index_cast %scan3A_36 : i32 to index
        %swap3A_47 = arith.index_cast %mul3A_46 : i32 to index
        %swap3A_48 = tpu.vector_load %arg7[%swap3A, %swap3A_47] {strides = array<i32>} : memref<128x64xf32, #tpu.memory_space<vmem>>, vector<1x16xf32>,
        %swap3A_49 = vector.shape_cast %swap3A_48 : vector<1x16xf32> to vector<16xf32>
        %swap3A_50 = vector.shape_cast %broadcast_in_dim3A_44 : vector<16xf32> to vector<1x16xf32>
        tpu.vector_store %arg7[%swap3A, %swap3A_47], %swap3A_50 {strides = array<i32>} : memref<128x64xf32, #tpu.memory_space<vmem>>, vector<1x16xf32>,
      }
      %scan3A_42 = arith.constant 4 : i32
    }
    %scan3A_15 = arith.constant 128 : i32
    %scan3A_16 = arith.constant 0 : i32
    %scan3A_17 = arith.constant 0 : i32
    %scan3A_18 = arith.constant 5 : i32
    %scan3A_19 = arith.addi %scan3A_17, %scan3A_18 : i32
    %scan3A_20 = arith.constant 1 : i32
    scf.for %scan3A_36 = %scan3A_17 to %scan3A_19 step %scan3A_20  : i32 {
      %mul3A_37 = arith.constant 640 : i32
      %mul3A_38 = arith.muli %arg1, %mul3A_37 : i32
      %mul3A_39 = arith.constant 128 : i32
      %mul3A_40 = arith.muli %scan3A_36, %mul3A_39 : i32
      %add3A_41 = arith.addi %mul3A_38, %mul3A_40 : i32
      "tpu.region"() ({
        %run_scoped3A = tpu.sem_alloc : memref<!tpu.dma_semaphore, #tpu.memory_space<semaphore_mem>>
        %dma_start3A = arith.constant 0 : i32
        %dma_start3A_42 = tpu.memref_slice %arg9[%add3A_41, %dma_start3A] : memref<10240x64xf32, #tpu.memory_space<vmem_shared>> -> memref<128x64xf32, #tpu.memory_space<vmem_shared>>
        %dma_start3A_43 = arith.constant 0 : i32
        %dma_start3A_44 = tpu.memref_slice %arg9[%add3A_41, %dma_start3A_43] : memref<10240x64xf32, #tpu.memory_space<vmem_shared>> -> memref<128x64xf32, #tpu.memory_space<vmem_shared>>
        tpu.enqueue_dma source(%arg7 : memref<128x64xf32, #tpu.memory_space<vmem>>) target(%dma_start3A_44 : memref<128x64xf32, #tpu.memory_space<vmem_shared>>) target_semaphore(%run_scoped3A : memref<!tpu.dma_semaphore, #tpu.memory_space<semaphore_mem>>)
        %dma_wait3A = arith.constant 0 : i32
        %dma_wait3A_45 = tpu.memref_slice %arg9[%add3A_41, %dma_wait3A] : memref<10240x64xf32, #tpu.memory_space<vmem_shared>> -> memref<128x64xf32, #tpu.memory_space<vmem_shared>>
        %dma_wait3A_46 = arith.constant 0 : i32
        %dma_wait3A_47 = tpu.memref_slice %arg9[%add3A_41, %dma_wait3A_46] : memref<10240x64xf32, #tpu.memory_space<vmem_shared>> -> memref<128x64xf32, #tpu.memory_space<vmem_shared>>
        tpu.wait_dma2 semaphore(%run_scoped3A : memref<!tpu.dma_semaphore, #tpu.memory_space<semaphore_mem>>) src(%arg7 : memref<128x64xf32, #tpu.memory_space<vmem>>) dst(%dma_wait3A_47 : memref<128x64xf32, #tpu.memory_space<vmem_shared>>)
        tpu.yield
      }) : () -> ()
    }
    %scan3A_21 = arith.constant 5 : i32
    %barrier3A = arith.constant 0 : index
    tpu.barrier barrier_id(%barrier3A)
    %while3A = arith.constant 0 : i32
    %while3A_22 = arith.constant 0 : i32
    %while3A_23 = arith.subi %select_n3A_8, %while3A_22 : i32
    %while3A_24 = arith.addi %while3A_22, %while3A_23 : i32
    %while3A_25 = arith.constant 1 : i32
    %while3A_26 = arith.divsi %while3A_23, %while3A_25 : i32
    %while3A_27 = arith.muli %while3A_26, %while3A_25 : i32
    %while3A_28 = arith.addi %while3A_22, %while3A_27 : i32
    %while3A_29 = arith.constant 1 : i32
    scf.for %while3A_36 = %while3A_22 to %while3A_28 step %while3A_29  : i32 {
      %jit3A_37 = arith.constant 2 : i32
      %eq3A_38 = arith.constant 0 : i32
      %eq3A_39 = arith.cmpi eq, %jit3A_37, %eq3A_38 : i32
      %jit3A_40 = arith.constant 1 : i32
      %select_n3A_41 = arith.select %eq3A_39, %jit3A_40, %jit3A_37 : i32
      %rem3A = arith.remsi %while3A_36, %select_n3A_41 : i32
      %ne3A = arith.constant 0 : i32
      %ne3A_42 = arith.cmpi ne, %rem3A, %ne3A : i32
      %lt3A = arith.constant 0 : i32
      %lt3A_43 = arith.cmpi slt, %rem3A, %lt3A : i32
      %lt3A_44 = arith.constant 0 : i32
      %lt3A_45 = arith.cmpi slt, %select_n3A_41, %lt3A_44 : i32
      %ne3A_46 = arith.xori %lt3A_43, %lt3A_45 : i1
      %and3A = arith.andi %ne3A_46, %ne3A_42 : i1
      %add3A_47 = arith.addi %rem3A, %select_n3A_41 : i32
      %select_n3A_48 = arith.select %and3A, %add3A_47, %rem3A : i32
      %eq3A_49 = arith.constant 0 : i32
      %eq3A_50 = arith.cmpi eq, %select_n3A_48, %eq3A_49 : i32
      %convert_element_type3A_51 = arith.extui %eq3A_50 : i1 to i32
      %cond3A_52 = arith.constant 0 : i32
      %cond3A_53 = arith.cmpi ne, %convert_element_type3A_51, %cond3A_52 : i32
      scf.if %cond3A_53 {
        %add3A_75 = arith.constant 1 : i32
        %add3A_76 = arith.addi %while3A_36, %add3A_75 : i32
        %lt3A_77 = arith.cmpi slt, %add3A_76, %select_n3A_8 : i32
        %convert_element_type3A_78 = arith.extui %lt3A_77 : i1 to i32
        %cond3A_79 = arith.constant 0 : i32
        %cond3A_80 = arith.cmpi ne, %convert_element_type3A_78, %cond3A_79 : i32
        scf.if %cond3A_80 {
          %add3A_118 = arith.constant 1 : i32
          %add3A_119 = arith.addi %while3A_36, %add3A_118 : i32
          %mul3A_120 = arith.constant 16 : i32
          %mul3A_121 = arith.muli %add3A_119, %mul3A_120 : i32
          %add3A_122 = arith.addi %select_n3A, %mul3A_121 : i32
          %mul3A_123 = arith.constant 2 : i32
          %mul3A_124 = arith.muli %mul3A_123, %add3A_122 : i32
          %dma_start3A_125 = arith.constant 0 : i32
          %dma_start3A_126 = tpu.memref_slice %arg3[%mul3A_124, %dma_start3A_125] : memref<5120x128xi32, #tpu.memory_space<hbm>> -> memref<32x128xi32, #tpu.memory_space<hbm>>
          %dma_start3A_127 = arith.constant 0 : i32
          %dma_start3A_128 = tpu.memref_slice %arg3[%mul3A_124, %dma_start3A_127] : memref<5120x128xi32, #tpu.memory_space<hbm>> -> memref<32x128xi32, #tpu.memory_space<hbm>>
          tpu.enqueue_dma source(%dma_start3A_128 : memref<32x128xi32, #tpu.memory_space<hbm>>) target(%arg6 : memref<32x128xi32, #tpu.memory_space<vmem>>) target_semaphore(%arg13 : memref<!tpu.dma_semaphore, #tpu.memory_space<semaphore_mem>>)
        } else {
        }
        %dma_wait3A = arith.constant 0 : i32
        %dma_wait3A_81 = arith.constant 0 : i32
        %dma_wait3A_82 = tpu.memref_slice %arg3[%dma_wait3A, %dma_wait3A_81] : memref<5120x128xi32, #tpu.memory_space<hbm>> -> memref<32x128xi32, #tpu.memory_space<hbm>>
        %dma_wait3A_83 = arith.constant 0 : i32
        %dma_wait3A_84 = arith.constant 0 : i32
        %dma_wait3A_85 = tpu.memref_slice %arg3[%dma_wait3A_83, %dma_wait3A_84] : memref<5120x128xi32, #tpu.memory_space<hbm>> -> memref<32x128xi32, #tpu.memory_space<hbm>>
        tpu.wait_dma2 semaphore(%arg12 : memref<!tpu.dma_semaphore, #tpu.memory_space<semaphore_mem>>) src(%dma_wait3A_85 : memref<32x128xi32, #tpu.memory_space<hbm>>) dst(%arg5 : memref<32x128xi32, #tpu.memory_space<vmem>>)
        %dma_start3A = arith.constant 0 : i32
        %dma_start3A_86 = arith.constant 0 : i32
        %dma_start3A_87 = tpu.memref_slice %arg5[%dma_start3A, %dma_start3A_86] : memref<32x128xi32, #tpu.memory_space<vmem>> -> memref<1x128xi32, #tpu.memory_space<vmem>>
        %dma_start3A_88 = tpu.memref_squeeze %dma_start3A_87 : memref<1x128xi32, #tpu.memory_space<vmem>> -> memref<128xi32, #tpu.memory_space<vmem>>
        %dma_start3A_89 = arith.constant 0 : i32
        %dma_start3A_90 = arith.constant 0 : i32
        %dma_start3A_91 = tpu.memref_slice %arg2[%dma_start3A_89, %dma_start3A_90] : memref<10240x64xf32, #tpu.memory_space<hbm>> -> memref<10240x64xf32, #tpu.memory_space<hbm>>
        tpu.enqueue_indirect_dma source(%dma_start3A_91 : memref<10240x64xf32, #tpu.memory_space<hbm>>) target(%arg7 : memref<128x64xf32, #tpu.memory_space<vmem>>) offsets(%dma_start3A_88 : memref<128xi32, #tpu.memory_space<vmem>>) semaphore(%arg10 : memref<!tpu.dma_semaphore, #tpu.memory_space<semaphore_mem>>)
        %scan3A_92 = arith.constant 0 : i32
        %scan3A_93 = arith.constant 0 : i32
        %scan3A_94 = arith.constant 7 : i32
        %scan3A_95 = arith.addi %scan3A_93, %scan3A_94 : i32
        %scan3A_96 = arith.constant 1 : i32
        scf.for %scan3A_118 = %scan3A_93 to %scan3A_95 step %scan3A_96  : i32 {
          %mul3A_119 = arith.constant 2 : i32
          %mul3A_120 = arith.muli %mul3A_119, %scan3A_118 : i32
          %add3A_121 = arith.constant 1 : i32
          %add3A_122 = arith.addi %mul3A_120, %add3A_121 : i32
          %mul3A_123 = arith.constant 2 : i32
          %mul3A_124 = arith.muli %mul3A_123, %add3A_122 : i32
          %dma_start3A_125 = arith.constant 0 : i32
          %dma_start3A_126 = tpu.memref_slice %arg5[%mul3A_124, %dma_start3A_125] : memref<32x128xi32, #tpu.memory_space<vmem>> -> memref<1x128xi32, #tpu.memory_space<vmem>>
          %dma_start3A_127 = tpu.memref_squeeze %dma_start3A_126 : memref<1x128xi32, #tpu.memory_space<vmem>> -> memref<128xi32, #tpu.memory_space<vmem>>
          %dma_start3A_128 = arith.constant 0 : i32
          %dma_start3A_129 = arith.constant 0 : i32
          %dma_start3A_130 = tpu.memref_slice %arg2[%dma_start3A_128, %dma_start3A_129] : memref<10240x64xf32, #tpu.memory_space<hbm>> -> memref<10240x64xf32, #tpu.memory_space<hbm>>
          tpu.enqueue_indirect_dma source(%dma_start3A_130 : memref<10240x64xf32, #tpu.memory_space<hbm>>) target(%arg8 : memref<128x64xf32, #tpu.memory_space<vmem>>) offsets(%dma_start3A_127 : memref<128xi32, #tpu.memory_space<vmem>>) semaphore(%arg11 : memref<!tpu.dma_semaphore, #tpu.memory_space<semaphore_mem>>)
          %dma_wait3A_131 = arith.constant 0 : i32
          %dma_wait3A_132 = arith.constant 0 : i32
          %dma_wait3A_133 = tpu.memref_slice %arg2[%dma_wait3A_131, %dma_wait3A_132] : memref<10240x64xf32, #tpu.memory_space<hbm>> -> memref<128x64xf32, #tpu.memory_space<hbm>>
          %dma_wait3A_134 = arith.constant 0 : i32
          %dma_wait3A_135 = arith.constant 0 : i32
          %dma_wait3A_136 = tpu.memref_slice %arg2[%dma_wait3A_134, %dma_wait3A_135] : memref<10240x64xf32, #tpu.memory_space<hbm>> -> memref<128x64xf32, #tpu.memory_space<hbm>>
          tpu.wait_dma2 semaphore(%arg10 : memref<!tpu.dma_semaphore, #tpu.memory_space<semaphore_mem>>) src(%dma_wait3A_136 : memref<128x64xf32, #tpu.memory_space<hbm>>) dst(%arg7 : memref<128x64xf32, #tpu.memory_space<vmem>>)
          %mul3A_137 = arith.constant 2 : i32
          %mul3A_138 = arith.muli %mul3A_137, %mul3A_120 : i32
          %add3A_139 = arith.constant 1 : i32
          %add3A_140 = arith.addi %mul3A_138, %add3A_139 : i32
          "tpu.region"() ({
            %run_scoped3A_163 = tpu.sem_alloc : memref<!tpu.dma_semaphore, #tpu.memory_space<semaphore_mem>>
            %dma_start3A_164 = arith.constant 0 : i32
            %dma_start3A_165 = tpu.memref_slice %arg5[%add3A_140, %dma_start3A_164] : memref<32x128xi32, #tpu.memory_space<vmem>> -> memref<1x128xi32, #tpu.memory_space<vmem>>
            %dma_start3A_166 = tpu.memref_squeeze %dma_start3A_165 : memref<1x128xi32, #tpu.memory_space<vmem>> -> memref<128xi32, #tpu.memory_space<vmem>>
            %dma_start3A_167 = arith.constant 0 : i32
            %dma_start3A_168 = arith.constant 0 : i32
            %dma_start3A_169 = tpu.memref_slice %arg9[%dma_start3A_167, %dma_start3A_168] : memref<10240x64xf32, #tpu.memory_space<vmem_shared>> -> memref<10240x64xf32, #tpu.memory_space<vmem_shared>>
            tpu.enqueue_indirect_dma source(%arg7 : memref<128x64xf32, #tpu.memory_space<vmem>>) target(%dma_start3A_169 : memref<10240x64xf32, #tpu.memory_space<vmem_shared>>) offsets(%dma_start3A_166 : memref<128xi32, #tpu.memory_space<vmem>>) semaphore(%run_scoped3A_163 : memref<!tpu.dma_semaphore, #tpu.memory_space<semaphore_mem>>) {add = true}
            %dma_wait3A_170 = arith.constant 0 : i32
            %dma_wait3A_171 = tpu.memref_slice %arg5[%add3A_140, %dma_wait3A_170] : memref<32x128xi32, #tpu.memory_space<vmem>> -> memref<1x128xi32, #tpu.memory_space<vmem>>
            %dma_wait3A_172 = tpu.memref_squeeze %dma_wait3A_171 : memref<1x128xi32, #tpu.memory_space<vmem>> -> memref<128xi32, #tpu.memory_space<vmem>>
            %dma_wait3A_173 = arith.constant 0 : i32
            %dma_wait3A_174 = arith.constant 0 : i32
            %dma_wait3A_175 = tpu.memref_slice %arg9[%dma_wait3A_173, %dma_wait3A_174] : memref<10240x64xf32, #tpu.memory_space<vmem_shared>> -> memref<10240x64xf32, #tpu.memory_space<vmem_shared>>
            tpu.wait_indirect_dma semaphore(%run_scoped3A_163 : memref<!tpu.dma_semaphore, #tpu.memory_space<semaphore_mem>>) src(%arg7 : memref<128x64xf32, #tpu.memory_space<vmem>>) dst(%dma_wait3A_175 : memref<10240x64xf32, #tpu.memory_space<vmem_shared>>)
            tpu.yield
          }) : () -> ()
          %add3A_141 = arith.constant 2 : i32
          %add3A_142 = arith.addi %mul3A_120, %add3A_141 : i32
          %mul3A_143 = arith.constant 2 : i32
          %mul3A_144 = arith.muli %mul3A_143, %add3A_142 : i32
          %dma_start3A_145 = arith.constant 0 : i32
          %dma_start3A_146 = tpu.memref_slice %arg5[%mul3A_144, %dma_start3A_145] : memref<32x128xi32, #tpu.memory_space<vmem>> -> memref<1x128xi32, #tpu.memory_space<vmem>>
          %dma_start3A_147 = tpu.memref_squeeze %dma_start3A_146 : memref<1x128xi32, #tpu.memory_space<vmem>> -> memref<128xi32, #tpu.memory_space<vmem>>
          %dma_start3A_148 = arith.constant 0 : i32
          %dma_start3A_149 = arith.constant 0 : i32
          %dma_start3A_150 = tpu.memref_slice %arg2[%dma_start3A_148, %dma_start3A_149] : memref<10240x64xf32, #tpu.memory_space<hbm>> -> memref<10240x64xf32, #tpu.memory_space<hbm>>
          tpu.enqueue_indirect_dma source(%dma_start3A_150 : memref<10240x64xf32, #tpu.memory_space<hbm>>) target(%arg7 : memref<128x64xf32, #tpu.memory_space<vmem>>) offsets(%dma_start3A_147 : memref<128xi32, #tpu.memory_space<vmem>>) semaphore(%arg10 : memref<!tpu.dma_semaphore, #tpu.memory_space<semaphore_mem>>)
          %dma_wait3A_151 = arith.constant 0 : i32
          %dma_wait3A_152 = arith.constant 0 : i32
          %dma_wait3A_153 = tpu.memref_slice %arg2[%dma_wait3A_151, %dma_wait3A_152] : memref<10240x64xf32, #tpu.memory_space<hbm>> -> memref<128x64xf32, #tpu.memory_space<hbm>>
          %dma_wait3A_154 = arith.constant 0 : i32
          %dma_wait3A_155 = arith.constant 0 : i32
          %dma_wait3A_156 = tpu.memref_slice %arg2[%dma_wait3A_154, %dma_wait3A_155] : memref<10240x64xf32, #tpu.memory_space<hbm>> -> memref<128x64xf32, #tpu.memory_space<hbm>>
          tpu.wait_dma2 semaphore(%arg11 : memref<!tpu.dma_semaphore, #tpu.memory_space<semaphore_mem>>) src(%dma_wait3A_156 : memref<128x64xf32, #tpu.memory_space<hbm>>) dst(%arg8 : memref<128x64xf32, #tpu.memory_space<vmem>>)
          %add3A_157 = arith.constant 1 : i32
          %add3A_158 = arith.addi %mul3A_120, %add3A_157 : i32
          %mul3A_159 = arith.constant 2 : i32
          %mul3A_160 = arith.muli %mul3A_159, %add3A_158 : i32
          %add3A_161 = arith.constant 1 : i32
          %add3A_162 = arith.addi %mul3A_160, %add3A_161 : i32
          "tpu.region"() ({
            %run_scoped3A_163 = tpu.sem_alloc : memref<!tpu.dma_semaphore, #tpu.memory_space<semaphore_mem>>
            %dma_start3A_164 = arith.constant 0 : i32
            %dma_start3A_165 = tpu.memref_slice %arg5[%add3A_162, %dma_start3A_164] : memref<32x128xi32, #tpu.memory_space<vmem>> -> memref<1x128xi32, #tpu.memory_space<vmem>>
            %dma_start3A_166 = tpu.memref_squeeze %dma_start3A_165 : memref<1x128xi32, #tpu.memory_space<vmem>> -> memref<128xi32, #tpu.memory_space<vmem>>
            %dma_start3A_167 = arith.constant 0 : i32
            %dma_start3A_168 = arith.constant 0 : i32
            %dma_start3A_169 = tpu.memref_slice %arg9[%dma_start3A_167, %dma_start3A_168] : memref<10240x64xf32, #tpu.memory_space<vmem_shared>> -> memref<10240x64xf32, #tpu.memory_space<vmem_shared>>
            tpu.enqueue_indirect_dma source(%arg8 : memref<128x64xf32, #tpu.memory_space<vmem>>) target(%dma_start3A_169 : memref<10240x64xf32, #tpu.memory_space<vmem_shared>>) offsets(%dma_start3A_166 : memref<128xi32, #tpu.memory_space<vmem>>) semaphore(%run_scoped3A_163 : memref<!tpu.dma_semaphore, #tpu.memory_space<semaphore_mem>>) {add = true}
            %dma_wait3A_170 = arith.constant 0 : i32
            %dma_wait3A_171 = tpu.memref_slice %arg5[%add3A_162, %dma_wait3A_170] : memref<32x128xi32, #tpu.memory_space<vmem>> -> memref<1x128xi32, #tpu.memory_space<vmem>>
            %dma_wait3A_172 = tpu.memref_squeeze %dma_wait3A_171 : memref<1x128xi32, #tpu.memory_space<vmem>> -> memref<128xi32, #tpu.memory_space<vmem>>
            %dma_wait3A_173 = arith.constant 0 : i32
            %dma_wait3A_174 = arith.constant 0 : i32
            %dma_wait3A_175 = tpu.memref_slice %arg9[%dma_wait3A_173, %dma_wait3A_174] : memref<10240x64xf32, #tpu.memory_space<vmem_shared>> -> memref<10240x64xf32, #tpu.memory_space<vmem_shared>>
            tpu.wait_indirect_dma semaphore(%run_scoped3A_163 : memref<!tpu.dma_semaphore, #tpu.memory_space<semaphore_mem>>) src(%arg8 : memref<128x64xf32, #tpu.memory_space<vmem>>) dst(%dma_wait3A_175 : memref<10240x64xf32, #tpu.memory_space<vmem_shared>>)
            tpu.yield
          }) : () -> ()
        }
        %scan3A_97 = arith.constant 7 : i32
        %dma_start3A_98 = arith.constant 30 : i32
        %dma_start3A_99 = arith.constant 0 : i32
        %dma_start3A_100 = tpu.memref_slice %arg5[%dma_start3A_98, %dma_start3A_99] : memref<32x128xi32, #tpu.memory_space<vmem>> -> memref<1x128xi32, #tpu.memory_space<vmem>>
        %dma_start3A_101 = tpu.memref_squeeze %dma_start3A_100 : memref<1x128xi32, #tpu.memory_space<vmem>> -> memref<128xi32, #tpu.memory_space<vmem>>
        %dma_start3A_102 = arith.constant 0 : i32
        %dma_start3A_103 = arith.constant 0 : i32
        %dma_start3A_104 = tpu.memref_slice %arg2[%dma_start3A_102, %dma_start3A_103] : memref<10240x64xf32, #tpu.memory_space<hbm>> -> memref<10240x64xf32, #tpu.memory_space<hbm>>
        tpu.enqueue_indirect_dma source(%dma_start3A_104 : memref<10240x64xf32, #tpu.memory_space<hbm>>) target(%arg8 : memref<128x64xf32, #tpu.memory_space<vmem>>) offsets(%dma_start3A_101 : memref<128xi32, #tpu.memory_space<vmem>>) semaphore(%arg11 : memref<!tpu.dma_semaphore, #tpu.memory_space<semaphore_mem>>)
        %dma_wait3A_105 = arith.constant 0 : i32
        %dma_wait3A_106 = arith.constant 0 : i32
        %dma_wait3A_107 = tpu.memref_slice %arg2[%dma_wait3A_105, %dma_wait3A_106] : memref<10240x64xf32, #tpu.memory_space<hbm>> -> memref<128x64xf32, #tpu.memory_space<hbm>>
        %dma_wait3A_108 = arith.constant 0 : i32
        %dma_wait3A_109 = arith.constant 0 : i32
        %dma_wait3A_110 = tpu.memref_slice %arg2[%dma_wait3A_108, %dma_wait3A_109] : memref<10240x64xf32, #tpu.memory_space<hbm>> -> memref<128x64xf32, #tpu.memory_space<hbm>>
        tpu.wait_dma2 semaphore(%arg10 : memref<!tpu.dma_semaphore, #tpu.memory_space<semaphore_mem>>) src(%dma_wait3A_110 : memref<128x64xf32, #tpu.memory_space<hbm>>) dst(%arg7 : memref<128x64xf32, #tpu.memory_space<vmem>>)
        %run_scoped3A = arith.constant 29 : i32
        "tpu.region"() ({
          %run_scoped3A_118 = tpu.sem_alloc : memref<!tpu.dma_semaphore, #tpu.memory_space<semaphore_mem>>
          %dma_start3A_119 = arith.constant 0 : i32
          %dma_start3A_120 = tpu.memref_slice %arg5[%run_scoped3A, %dma_start3A_119] : memref<32x128xi32, #tpu.memory_space<vmem>> -> memref<1x128xi32, #tpu.memory_space<vmem>>
          %dma_start3A_121 = tpu.memref_squeeze %dma_start3A_120 : memref<1x128xi32, #tpu.memory_space<vmem>> -> memref<128xi32, #tpu.memory_space<vmem>>
          %dma_start3A_122 = arith.constant 0 : i32
          %dma_start3A_123 = arith.constant 0 : i32
          %dma_start3A_124 = tpu.memref_slice %arg9[%dma_start3A_122, %dma_start3A_123] : memref<10240x64xf32, #tpu.memory_space<vmem_shared>> -> memref<10240x64xf32, #tpu.memory_space<vmem_shared>>
          tpu.enqueue_indirect_dma source(%arg7 : memref<128x64xf32, #tpu.memory_space<vmem>>) target(%dma_start3A_124 : memref<10240x64xf32, #tpu.memory_space<vmem_shared>>) offsets(%dma_start3A_121 : memref<128xi32, #tpu.memory_space<vmem>>) semaphore(%run_scoped3A_118 : memref<!tpu.dma_semaphore, #tpu.memory_space<semaphore_mem>>) {add = true}
          %dma_wait3A_125 = arith.constant 0 : i32
          %dma_wait3A_126 = tpu.memref_slice %arg5[%run_scoped3A, %dma_wait3A_125] : memref<32x128xi32, #tpu.memory_space<vmem>> -> memref<1x128xi32, #tpu.memory_space<vmem>>
          %dma_wait3A_127 = tpu.memref_squeeze %dma_wait3A_126 : memref<1x128xi32, #tpu.memory_space<vmem>> -> memref<128xi32, #tpu.memory_space<vmem>>
          %dma_wait3A_128 = arith.constant 0 : i32
          %dma_wait3A_129 = arith.constant 0 : i32
          %dma_wait3A_130 = tpu.memref_slice %arg9[%dma_wait3A_128, %dma_wait3A_129] : memref<10240x64xf32, #tpu.memory_space<vmem_shared>> -> memref<10240x64xf32, #tpu.memory_space<vmem_shared>>
          tpu.wait_indirect_dma semaphore(%run_scoped3A_118 : memref<!tpu.dma_semaphore, #tpu.memory_space<semaphore_mem>>) src(%arg7 : memref<128x64xf32, #tpu.memory_space<vmem>>) dst(%dma_wait3A_130 : memref<10240x64xf32, #tpu.memory_space<vmem_shared>>)
          tpu.yield
        }) : () -> ()
        %dma_wait3A_111 = arith.constant 0 : i32
        %dma_wait3A_112 = arith.constant 0 : i32
        %dma_wait3A_113 = tpu.memref_slice %arg2[%dma_wait3A_111, %dma_wait3A_112] : memref<10240x64xf32, #tpu.memory_space<hbm>> -> memref<128x64xf32, #tpu.memory_space<hbm>>
        %dma_wait3A_114 = arith.constant 0 : i32
        %dma_wait3A_115 = arith.constant 0 : i32
        %dma_wait3A_116 = tpu.memref_slice %arg2[%dma_wait3A_114, %dma_wait3A_115] : memref<10240x64xf32, #tpu.memory_space<hbm>> -> memref<128x64xf32, #tpu.memory_space<hbm>>
        tpu.wait_dma2 semaphore(%arg11 : memref<!tpu.dma_semaphore, #tpu.memory_space<semaphore_mem>>) src(%dma_wait3A_116 : memref<128x64xf32, #tpu.memory_space<hbm>>) dst(%arg8 : memref<128x64xf32, #tpu.memory_space<vmem>>)
        %run_scoped3A_117 = arith.constant 31 : i32
        "tpu.region"() ({
          %run_scoped3A_118 = tpu.sem_alloc : memref<!tpu.dma_semaphore, #tpu.memory_space<semaphore_mem>>
          %dma_start3A_119 = arith.constant 0 : i32
          %dma_start3A_120 = tpu.memref_slice %arg5[%run_scoped3A_117, %dma_start3A_119] : memref<32x128xi32, #tpu.memory_space<vmem>> -> memref<1x128xi32, #tpu.memory_space<vmem>>
          %dma_start3A_121 = tpu.memref_squeeze %dma_start3A_120 : memref<1x128xi32, #tpu.memory_space<vmem>> -> memref<128xi32, #tpu.memory_space<vmem>>
          %dma_start3A_122 = arith.constant 0 : i32
          %dma_start3A_123 = arith.constant 0 : i32
          %dma_start3A_124 = tpu.memref_slice %arg9[%dma_start3A_122, %dma_start3A_123] : memref<10240x64xf32, #tpu.memory_space<vmem_shared>> -> memref<10240x64xf32, #tpu.memory_space<vmem_shared>>
          tpu.enqueue_indirect_dma source(%arg8 : memref<128x64xf32, #tpu.memory_space<vmem>>) target(%dma_start3A_124 : memref<10240x64xf32, #tpu.memory_space<vmem_shared>>) offsets(%dma_start3A_121 : memref<128xi32, #tpu.memory_space<vmem>>) semaphore(%run_scoped3A_118 : memref<!tpu.dma_semaphore, #tpu.memory_space<semaphore_mem>>) {add = true}
          %dma_wait3A_125 = arith.constant 0 : i32
          %dma_wait3A_126 = tpu.memref_slice %arg5[%run_scoped3A_117, %dma_wait3A_125] : memref<32x128xi32, #tpu.memory_space<vmem>> -> memref<1x128xi32, #tpu.memory_space<vmem>>
          %dma_wait3A_127 = tpu.memref_squeeze %dma_wait3A_126 : memref<1x128xi32, #tpu.memory_space<vmem>> -> memref<128xi32, #tpu.memory_space<vmem>>
          %dma_wait3A_128 = arith.constant 0 : i32
          %dma_wait3A_129 = arith.constant 0 : i32
          %dma_wait3A_130 = tpu.memref_slice %arg9[%dma_wait3A_128, %dma_wait3A_129] : memref<10240x64xf32, #tpu.memory_space<vmem_shared>> -> memref<10240x64xf32, #tpu.memory_space<vmem_shared>>
          tpu.wait_indirect_dma semaphore(%run_scoped3A_118 : memref<!tpu.dma_semaphore, #tpu.memory_space<semaphore_mem>>) src(%arg8 : memref<128x64xf32, #tpu.memory_space<vmem>>) dst(%dma_wait3A_130 : memref<10240x64xf32, #tpu.memory_space<vmem_shared>>)
          tpu.yield
        }) : () -> ()
      } else {
      }
      %jit3A_54 = arith.constant 2 : i32
      %eq3A_55 = arith.constant 0 : i32
      %eq3A_56 = arith.cmpi eq, %jit3A_54, %eq3A_55 : i32
      %jit3A_57 = arith.constant 1 : i32
      %select_n3A_58 = arith.select %eq3A_56, %jit3A_57, %jit3A_54 : i32
      %rem3A_59 = arith.remsi %while3A_36, %select_n3A_58 : i32
      %ne3A_60 = arith.constant 0 : i32
      %ne3A_61 = arith.cmpi ne, %rem3A_59, %ne3A_60 : i32
      %lt3A_62 = arith.constant 0 : i32
      %lt3A_63 = arith.cmpi slt, %rem3A_59, %lt3A_62 : i32
      %lt3A_64 = arith.constant 0 : i32
      %lt3A_65 = arith.cmpi slt, %select_n3A_58, %lt3A_64 : i32
      %ne3A_66 = arith.xori %lt3A_63, %lt3A_65 : i1
      %and3A_67 = arith.andi %ne3A_66, %ne3A_61 : i1
      %add3A_68 = arith.addi %rem3A_59, %select_n3A_58 : i32
      %select_n3A_69 = arith.select %and3A_67, %add3A_68, %rem3A_59 : i32
      %eq3A_70 = arith.constant 1 : i32
      %eq3A_71 = arith.cmpi eq, %select_n3A_69, %eq3A_70 : i32
      %convert_element_type3A_72 = arith.extui %eq3A_71 : i1 to i32
      %cond3A_73 = arith.constant 0 : i32
      %cond3A_74 = arith.cmpi ne, %convert_element_type3A_72, %cond3A_73 : i32
      scf.if %cond3A_74 {
        %add3A_75 = arith.constant 1 : i32
        %add3A_76 = arith.addi %while3A_36, %add3A_75 : i32
        %lt3A_77 = arith.cmpi slt, %add3A_76, %select_n3A_8 : i32
        %convert_element_type3A_78 = arith.extui %lt3A_77 : i1 to i32
        %cond3A_79 = arith.constant 0 : i32
        %cond3A_80 = arith.cmpi ne, %convert_element_type3A_78, %cond3A_79 : i32
        scf.if %cond3A_80 {
          %add3A_118 = arith.constant 1 : i32
          %add3A_119 = arith.addi %while3A_36, %add3A_118 : i32
          %mul3A_120 = arith.constant 16 : i32
          %mul3A_121 = arith.muli %add3A_119, %mul3A_120 : i32
          %add3A_122 = arith.addi %select_n3A, %mul3A_121 : i32
          %mul3A_123 = arith.constant 2 : i32
          %mul3A_124 = arith.muli %mul3A_123, %add3A_122 : i32
          %dma_start3A_125 = arith.constant 0 : i32
          %dma_start3A_126 = tpu.memref_slice %arg3[%mul3A_124, %dma_start3A_125] : memref<5120x128xi32, #tpu.memory_space<hbm>> -> memref<32x128xi32, #tpu.memory_space<hbm>>
          %dma_start3A_127 = arith.constant 0 : i32
          %dma_start3A_128 = tpu.memref_slice %arg3[%mul3A_124, %dma_start3A_127] : memref<5120x128xi32, #tpu.memory_space<hbm>> -> memref<32x128xi32, #tpu.memory_space<hbm>>
          tpu.enqueue_dma source(%dma_start3A_128 : memref<32x128xi32, #tpu.memory_space<hbm>>) target(%arg5 : memref<32x128xi32, #tpu.memory_space<vmem>>) target_semaphore(%arg12 : memref<!tpu.dma_semaphore, #tpu.memory_space<semaphore_mem>>)
        } else {
        }
        %dma_wait3A = arith.constant 0 : i32
        %dma_wait3A_81 = arith.constant 0 : i32
        %dma_wait3A_82 = tpu.memref_slice %arg3[%dma_wait3A, %dma_wait3A_81] : memref<5120x128xi32, #tpu.memory_space<hbm>> -> memref<32x128xi32, #tpu.memory_space<hbm>>
        %dma_wait3A_83 = arith.constant 0 : i32
        %dma_wait3A_84 = arith.constant 0 : i32
        %dma_wait3A_85 = tpu.memref_slice %arg3[%dma_wait3A_83, %dma_wait3A_84] : memref<5120x128xi32, #tpu.memory_space<hbm>> -> memref<32x128xi32, #tpu.memory_space<hbm>>
        tpu.wait_dma2 semaphore(%arg13 : memref<!tpu.dma_semaphore, #tpu.memory_space<semaphore_mem>>) src(%dma_wait3A_85 : memref<32x128xi32, #tpu.memory_space<hbm>>) dst(%arg6 : memref<32x128xi32, #tpu.memory_space<vmem>>)
        %dma_start3A = arith.constant 0 : i32
        %dma_start3A_86 = arith.constant 0 : i32
        %dma_start3A_87 = tpu.memref_slice %arg6[%dma_start3A, %dma_start3A_86] : memref<32x128xi32, #tpu.memory_space<vmem>> -> memref<1x128xi32, #tpu.memory_space<vmem>>
        %dma_start3A_88 = tpu.memref_squeeze %dma_start3A_87 : memref<1x128xi32, #tpu.memory_space<vmem>> -> memref<128xi32, #tpu.memory_space<vmem>>
        %dma_start3A_89 = arith.constant 0 : i32
        %dma_start3A_90 = arith.constant 0 : i32
        %dma_start3A_91 = tpu.memref_slice %arg2[%dma_start3A_89, %dma_start3A_90] : memref<10240x64xf32, #tpu.memory_space<hbm>> -> memref<10240x64xf32, #tpu.memory_space<hbm>>
        tpu.enqueue_indirect_dma source(%dma_start3A_91 : memref<10240x64xf32, #tpu.memory_space<hbm>>) target(%arg7 : memref<128x64xf32, #tpu.memory_space<vmem>>) offsets(%dma_start3A_88 : memref<128xi32, #tpu.memory_space<vmem>>) semaphore(%arg10 : memref<!tpu.dma_semaphore, #tpu.memory_space<semaphore_mem>>)
        %scan3A_92 = arith.constant 0 : i32
        %scan3A_93 = arith.constant 0 : i32
        %scan3A_94 = arith.constant 7 : i32
        %scan3A_95 = arith.addi %scan3A_93, %scan3A_94 : i32
        %scan3A_96 = arith.constant 1 : i32
        scf.for %scan3A_118 = %scan3A_93 to %scan3A_95 step %scan3A_96  : i32 {
          %mul3A_119 = arith.constant 2 : i32
          %mul3A_120 = arith.muli %mul3A_119, %scan3A_118 : i32
          %add3A_121 = arith.constant 1 : i32
          %add3A_122 = arith.addi %mul3A_120, %add3A_121 : i32
          %mul3A_123 = arith.constant 2 : i32
          %mul3A_124 = arith.muli %mul3A_123, %add3A_122 : i32
          %dma_start3A_125 = arith.constant 0 : i32
          %dma_start3A_126 = tpu.memref_slice %arg6[%mul3A_124, %dma_start3A_125] : memref<32x128xi32, #tpu.memory_space<vmem>> -> memref<1x128xi32, #tpu.memory_space<vmem>>
          %dma_start3A_127 = tpu.memref_squeeze %dma_start3A_126 : memref<1x128xi32, #tpu.memory_space<vmem>> -> memref<128xi32, #tpu.memory_space<vmem>>
          %dma_start3A_128 = arith.constant 0 : i32
          %dma_start3A_129 = arith.constant 0 : i32
          %dma_start3A_130 = tpu.memref_slice %arg2[%dma_start3A_128, %dma_start3A_129] : memref<10240x64xf32, #tpu.memory_space<hbm>> -> memref<10240x64xf32, #tpu.memory_space<hbm>>
          tpu.enqueue_indirect_dma source(%dma_start3A_130 : memref<10240x64xf32, #tpu.memory_space<hbm>>) target(%arg8 : memref<128x64xf32, #tpu.memory_space<vmem>>) offsets(%dma_start3A_127 : memref<128xi32, #tpu.memory_space<vmem>>) semaphore(%arg11 : memref<!tpu.dma_semaphore, #tpu.memory_space<semaphore_mem>>)
          %dma_wait3A_131 = arith.constant 0 : i32
          %dma_wait3A_132 = arith.constant 0 : i32
          %dma_wait3A_133 = tpu.memref_slice %arg2[%dma_wait3A_131, %dma_wait3A_132] : memref<10240x64xf32, #tpu.memory_space<hbm>> -> memref<128x64xf32, #tpu.memory_space<hbm>>
          %dma_wait3A_134 = arith.constant 0 : i32
          %dma_wait3A_135 = arith.constant 0 : i32
          %dma_wait3A_136 = tpu.memref_slice %arg2[%dma_wait3A_134, %dma_wait3A_135] : memref<10240x64xf32, #tpu.memory_space<hbm>> -> memref<128x64xf32, #tpu.memory_space<hbm>>
          tpu.wait_dma2 semaphore(%arg10 : memref<!tpu.dma_semaphore, #tpu.memory_space<semaphore_mem>>) src(%dma_wait3A_136 : memref<128x64xf32, #tpu.memory_space<hbm>>) dst(%arg7 : memref<128x64xf32, #tpu.memory_space<vmem>>)
          %mul3A_137 = arith.constant 2 : i32
          %mul3A_138 = arith.muli %mul3A_137, %mul3A_120 : i32
          %add3A_139 = arith.constant 1 : i32
          %add3A_140 = arith.addi %mul3A_138, %add3A_139 : i32
          "tpu.region"() ({
            %run_scoped3A_163 = tpu.sem_alloc : memref<!tpu.dma_semaphore, #tpu.memory_space<semaphore_mem>>
            %dma_start3A_164 = arith.constant 0 : i32
            %dma_start3A_165 = tpu.memref_slice %arg6[%add3A_140, %dma_start3A_164] : memref<32x128xi32, #tpu.memory_space<vmem>> -> memref<1x128xi32, #tpu.memory_space<vmem>>
            %dma_start3A_166 = tpu.memref_squeeze %dma_start3A_165 : memref<1x128xi32, #tpu.memory_space<vmem>> -> memref<128xi32, #tpu.memory_space<vmem>>
            %dma_start3A_167 = arith.constant 0 : i32
            %dma_start3A_168 = arith.constant 0 : i32
            %dma_start3A_169 = tpu.memref_slice %arg9[%dma_start3A_167, %dma_start3A_168] : memref<10240x64xf32, #tpu.memory_space<vmem_shared>> -> memref<10240x64xf32, #tpu.memory_space<vmem_shared>>
            tpu.enqueue_indirect_dma source(%arg7 : memref<128x64xf32, #tpu.memory_space<vmem>>) target(%dma_start3A_169 : memref<10240x64xf32, #tpu.memory_space<vmem_shared>>) offsets(%dma_start3A_166 : memref<128xi32, #tpu.memory_space<vmem>>) semaphore(%run_scoped3A_163 : memref<!tpu.dma_semaphore, #tpu.memory_space<semaphore_mem>>) {add = true}
            %dma_wait3A_170 = arith.constant 0 : i32
            %dma_wait3A_171 = tpu.memref_slice %arg6[%add3A_140, %dma_wait3A_170] : memref<32x128xi32, #tpu.memory_space<vmem>> -> memref<1x128xi32, #tpu.memory_space<vmem>>
            %dma_wait3A_172 = tpu.memref_squeeze %dma_wait3A_171 : memref<1x128xi32, #tpu.memory_space<vmem>> -> memref<128xi32, #tpu.memory_space<vmem>>
            %dma_wait3A_173 = arith.constant 0 : i32
            %dma_wait3A_174 = arith.constant 0 : i32
            %dma_wait3A_175 = tpu.memref_slice %arg9[%dma_wait3A_173, %dma_wait3A_174] : memref<10240x64xf32, #tpu.memory_space<vmem_shared>> -> memref<10240x64xf32, #tpu.memory_space<vmem_shared>>
            tpu.wait_indirect_dma semaphore(%run_scoped3A_163 : memref<!tpu.dma_semaphore, #tpu.memory_space<semaphore_mem>>) src(%arg7 : memref<128x64xf32, #tpu.memory_space<vmem>>) dst(%dma_wait3A_175 : memref<10240x64xf32, #tpu.memory_space<vmem_shared>>)
            tpu.yield
          }) : () -> ()
          %add3A_141 = arith.constant 2 : i32
          %add3A_142 = arith.addi %mul3A_120, %add3A_141 : i32
          %mul3A_143 = arith.constant 2 : i32
          %mul3A_144 = arith.muli %mul3A_143, %add3A_142 : i32
          %dma_start3A_145 = arith.constant 0 : i32
          %dma_start3A_146 = tpu.memref_slice %arg6[%mul3A_144, %dma_start3A_145] : memref<32x128xi32, #tpu.memory_space<vmem>> -> memref<1x128xi32, #tpu.memory_space<vmem>>
          %dma_start3A_147 = tpu.memref_squeeze %dma_start3A_146 : memref<1x128xi32, #tpu.memory_space<vmem>> -> memref<128xi32, #tpu.memory_space<vmem>>
          %dma_start3A_148 = arith.constant 0 : i32
          %dma_start3A_149 = arith.constant 0 : i32
          %dma_start3A_150 = tpu.memref_slice %arg2[%dma_start3A_148, %dma_start3A_149] : memref<10240x64xf32, #tpu.memory_space<hbm>> -> memref<10240x64xf32, #tpu.memory_space<hbm>>
          tpu.enqueue_indirect_dma source(%dma_start3A_150 : memref<10240x64xf32, #tpu.memory_space<hbm>>) target(%arg7 : memref<128x64xf32, #tpu.memory_space<vmem>>) offsets(%dma_start3A_147 : memref<128xi32, #tpu.memory_space<vmem>>) semaphore(%arg10 : memref<!tpu.dma_semaphore, #tpu.memory_space<semaphore_mem>>)
          %dma_wait3A_151 = arith.constant 0 : i32
          %dma_wait3A_152 = arith.constant 0 : i32
          %dma_wait3A_153 = tpu.memref_slice %arg2[%dma_wait3A_151, %dma_wait3A_152] : memref<10240x64xf32, #tpu.memory_space<hbm>> -> memref<128x64xf32, #tpu.memory_space<hbm>>
          %dma_wait3A_154 = arith.constant 0 : i32
          %dma_wait3A_155 = arith.constant 0 : i32
          %dma_wait3A_156 = tpu.memref_slice %arg2[%dma_wait3A_154, %dma_wait3A_155] : memref<10240x64xf32, #tpu.memory_space<hbm>> -> memref<128x64xf32, #tpu.memory_space<hbm>>
          tpu.wait_dma2 semaphore(%arg11 : memref<!tpu.dma_semaphore, #tpu.memory_space<semaphore_mem>>) src(%dma_wait3A_156 : memref<128x64xf32, #tpu.memory_space<hbm>>) dst(%arg8 : memref<128x64xf32, #tpu.memory_space<vmem>>)
          %add3A_157 = arith.constant 1 : i32
          %add3A_158 = arith.addi %mul3A_120, %add3A_157 : i32
          %mul3A_159 = arith.constant 2 : i32
          %mul3A_160 = arith.muli %mul3A_159, %add3A_158 : i32
          %add3A_161 = arith.constant 1 : i32
          %add3A_162 = arith.addi %mul3A_160, %add3A_161 : i32
          "tpu.region"() ({
            %run_scoped3A_163 = tpu.sem_alloc : memref<!tpu.dma_semaphore, #tpu.memory_space<semaphore_mem>>
            %dma_start3A_164 = arith.constant 0 : i32
            %dma_start3A_165 = tpu.memref_slice %arg6[%add3A_162, %dma_start3A_164] : memref<32x128xi32, #tpu.memory_space<vmem>> -> memref<1x128xi32, #tpu.memory_space<vmem>>
            %dma_start3A_166 = tpu.memref_squeeze %dma_start3A_165 : memref<1x128xi32, #tpu.memory_space<vmem>> -> memref<128xi32, #tpu.memory_space<vmem>>
            %dma_start3A_167 = arith.constant 0 : i32
            %dma_start3A_168 = arith.constant 0 : i32
            %dma_start3A_169 = tpu.memref_slice %arg9[%dma_start3A_167, %dma_start3A_168] : memref<10240x64xf32, #tpu.memory_space<vmem_shared>> -> memref<10240x64xf32, #tpu.memory_space<vmem_shared>>
            tpu.enqueue_indirect_dma source(%arg8 : memref<128x64xf32, #tpu.memory_space<vmem>>) target(%dma_start3A_169 : memref<10240x64xf32, #tpu.memory_space<vmem_shared>>) offsets(%dma_start3A_166 : memref<128xi32, #tpu.memory_space<vmem>>) semaphore(%run_scoped3A_163 : memref<!tpu.dma_semaphore, #tpu.memory_space<semaphore_mem>>) {add = true}
            %dma_wait3A_170 = arith.constant 0 : i32
            %dma_wait3A_171 = tpu.memref_slice %arg6[%add3A_162, %dma_wait3A_170] : memref<32x128xi32, #tpu.memory_space<vmem>> -> memref<1x128xi32, #tpu.memory_space<vmem>>
            %dma_wait3A_172 = tpu.memref_squeeze %dma_wait3A_171 : memref<1x128xi32, #tpu.memory_space<vmem>> -> memref<128xi32, #tpu.memory_space<vmem>>
            %dma_wait3A_173 = arith.constant 0 : i32
            %dma_wait3A_174 = arith.constant 0 : i32
            %dma_wait3A_175 = tpu.memref_slice %arg9[%dma_wait3A_173, %dma_wait3A_174] : memref<10240x64xf32, #tpu.memory_space<vmem_shared>> -> memref<10240x64xf32, #tpu.memory_space<vmem_shared>>
            tpu.wait_indirect_dma semaphore(%run_scoped3A_163 : memref<!tpu.dma_semaphore, #tpu.memory_space<semaphore_mem>>) src(%arg8 : memref<128x64xf32, #tpu.memory_space<vmem>>) dst(%dma_wait3A_175 : memref<10240x64xf32, #tpu.memory_space<vmem_shared>>)
            tpu.yield
          }) : () -> ()
        }
        %scan3A_97 = arith.constant 7 : i32
        %dma_start3A_98 = arith.constant 30 : i32
        %dma_start3A_99 = arith.constant 0 : i32
        %dma_start3A_100 = tpu.memref_slice %arg6[%dma_start3A_98, %dma_start3A_99] : memref<32x128xi32, #tpu.memory_space<vmem>> -> memref<1x128xi32, #tpu.memory_space<vmem>>
        %dma_start3A_101 = tpu.memref_squeeze %dma_start3A_100 : memref<1x128xi32, #tpu.memory_space<vmem>> -> memref<128xi32, #tpu.memory_space<vmem>>
        %dma_start3A_102 = arith.constant 0 : i32
        %dma_start3A_103 = arith.constant 0 : i32
        %dma_start3A_104 = tpu.memref_slice %arg2[%dma_start3A_102, %dma_start3A_103] : memref<10240x64xf32, #tpu.memory_space<hbm>> -> memref<10240x64xf32, #tpu.memory_space<hbm>>
        tpu.enqueue_indirect_dma source(%dma_start3A_104 : memref<10240x64xf32, #tpu.memory_space<hbm>>) target(%arg8 : memref<128x64xf32, #tpu.memory_space<vmem>>) offsets(%dma_start3A_101 : memref<128xi32, #tpu.memory_space<vmem>>) semaphore(%arg11 : memref<!tpu.dma_semaphore, #tpu.memory_space<semaphore_mem>>)
        %dma_wait3A_105 = arith.constant 0 : i32
        %dma_wait3A_106 = arith.constant 0 : i32
        %dma_wait3A_107 = tpu.memref_slice %arg2[%dma_wait3A_105, %dma_wait3A_106] : memref<10240x64xf32, #tpu.memory_space<hbm>> -> memref<128x64xf32, #tpu.memory_space<hbm>>
        %dma_wait3A_108 = arith.constant 0 : i32
        %dma_wait3A_109 = arith.constant 0 : i32
        %dma_wait3A_110 = tpu.memref_slice %arg2[%dma_wait3A_108, %dma_wait3A_109] : memref<10240x64xf32, #tpu.memory_space<hbm>> -> memref<128x64xf32, #tpu.memory_space<hbm>>
        tpu.wait_dma2 semaphore(%arg10 : memref<!tpu.dma_semaphore, #tpu.memory_space<semaphore_mem>>) src(%dma_wait3A_110 : memref<128x64xf32, #tpu.memory_space<hbm>>) dst(%arg7 : memref<128x64xf32, #tpu.memory_space<vmem>>)
        %run_scoped3A = arith.constant 29 : i32
        "tpu.region"() ({
          %run_scoped3A_118 = tpu.sem_alloc : memref<!tpu.dma_semaphore, #tpu.memory_space<semaphore_mem>>
          %dma_start3A_119 = arith.constant 0 : i32
          %dma_start3A_120 = tpu.memref_slice %arg6[%run_scoped3A, %dma_start3A_119] : memref<32x128xi32, #tpu.memory_space<vmem>> -> memref<1x128xi32, #tpu.memory_space<vmem>>
          %dma_start3A_121 = tpu.memref_squeeze %dma_start3A_120 : memref<1x128xi32, #tpu.memory_space<vmem>> -> memref<128xi32, #tpu.memory_space<vmem>>
          %dma_start3A_122 = arith.constant 0 : i32
          %dma_start3A_123 = arith.constant 0 : i32
          %dma_start3A_124 = tpu.memref_slice %arg9[%dma_start3A_122, %dma_start3A_123] : memref<10240x64xf32, #tpu.memory_space<vmem_shared>> -> memref<10240x64xf32, #tpu.memory_space<vmem_shared>>
          tpu.enqueue_indirect_dma source(%arg7 : memref<128x64xf32, #tpu.memory_space<vmem>>) target(%dma_start3A_124 : memref<10240x64xf32, #tpu.memory_space<vmem_shared>>) offsets(%dma_start3A_121 : memref<128xi32, #tpu.memory_space<vmem>>) semaphore(%run_scoped3A_118 : memref<!tpu.dma_semaphore, #tpu.memory_space<semaphore_mem>>) {add = true}
          %dma_wait3A_125 = arith.constant 0 : i32
          %dma_wait3A_126 = tpu.memref_slice %arg6[%run_scoped3A, %dma_wait3A_125] : memref<32x128xi32, #tpu.memory_space<vmem>> -> memref<1x128xi32, #tpu.memory_space<vmem>>
          %dma_wait3A_127 = tpu.memref_squeeze %dma_wait3A_126 : memref<1x128xi32, #tpu.memory_space<vmem>> -> memref<128xi32, #tpu.memory_space<vmem>>
          %dma_wait3A_128 = arith.constant 0 : i32
          %dma_wait3A_129 = arith.constant 0 : i32
          %dma_wait3A_130 = tpu.memref_slice %arg9[%dma_wait3A_128, %dma_wait3A_129] : memref<10240x64xf32, #tpu.memory_space<vmem_shared>> -> memref<10240x64xf32, #tpu.memory_space<vmem_shared>>
          tpu.wait_indirect_dma semaphore(%run_scoped3A_118 : memref<!tpu.dma_semaphore, #tpu.memory_space<semaphore_mem>>) src(%arg7 : memref<128x64xf32, #tpu.memory_space<vmem>>) dst(%dma_wait3A_130 : memref<10240x64xf32, #tpu.memory_space<vmem_shared>>)
          tpu.yield
        }) : () -> ()
        %dma_wait3A_111 = arith.constant 0 : i32
        %dma_wait3A_112 = arith.constant 0 : i32
        %dma_wait3A_113 = tpu.memref_slice %arg2[%dma_wait3A_111, %dma_wait3A_112] : memref<10240x64xf32, #tpu.memory_space<hbm>> -> memref<128x64xf32, #tpu.memory_space<hbm>>
        %dma_wait3A_114 = arith.constant 0 : i32
        %dma_wait3A_115 = arith.constant 0 : i32
        %dma_wait3A_116 = tpu.memref_slice %arg2[%dma_wait3A_114, %dma_wait3A_115] : memref<10240x64xf32, #tpu.memory_space<hbm>> -> memref<128x64xf32, #tpu.memory_space<hbm>>
        tpu.wait_dma2 semaphore(%arg11 : memref<!tpu.dma_semaphore, #tpu.memory_space<semaphore_mem>>) src(%dma_wait3A_116 : memref<128x64xf32, #tpu.memory_space<hbm>>) dst(%arg8 : memref<128x64xf32, #tpu.memory_space<vmem>>)
        %run_scoped3A_117 = arith.constant 31 : i32
        "tpu.region"() ({
          %run_scoped3A_118 = tpu.sem_alloc : memref<!tpu.dma_semaphore, #tpu.memory_space<semaphore_mem>>
          %dma_start3A_119 = arith.constant 0 : i32
          %dma_start3A_120 = tpu.memref_slice %arg6[%run_scoped3A_117, %dma_start3A_119] : memref<32x128xi32, #tpu.memory_space<vmem>> -> memref<1x128xi32, #tpu.memory_space<vmem>>
          %dma_start3A_121 = tpu.memref_squeeze %dma_start3A_120 : memref<1x128xi32, #tpu.memory_space<vmem>> -> memref<128xi32, #tpu.memory_space<vmem>>
          %dma_start3A_122 = arith.constant 0 : i32
          %dma_start3A_123 = arith.constant 0 : i32
          %dma_start3A_124 = tpu.memref_slice %arg9[%dma_start3A_122, %dma_start3A_123] : memref<10240x64xf32, #tpu.memory_space<vmem_shared>> -> memref<10240x64xf32, #tpu.memory_space<vmem_shared>>
          tpu.enqueue_indirect_dma source(%arg8 : memref<128x64xf32, #tpu.memory_space<vmem>>) target(%dma_start3A_124 : memref<10240x64xf32, #tpu.memory_space<vmem_shared>>) offsets(%dma_start3A_121 : memref<128xi32, #tpu.memory_space<vmem>>) semaphore(%run_scoped3A_118 : memref<!tpu.dma_semaphore, #tpu.memory_space<semaphore_mem>>) {add = true}
          %dma_wait3A_125 = arith.constant 0 : i32
          %dma_wait3A_126 = tpu.memref_slice %arg6[%run_scoped3A_117, %dma_wait3A_125] : memref<32x128xi32, #tpu.memory_space<vmem>> -> memref<1x128xi32, #tpu.memory_space<vmem>>
          %dma_wait3A_127 = tpu.memref_squeeze %dma_wait3A_126 : memref<1x128xi32, #tpu.memory_space<vmem>> -> memref<128xi32, #tpu.memory_space<vmem>>
          %dma_wait3A_128 = arith.constant 0 : i32
          %dma_wait3A_129 = arith.constant 0 : i32
          %dma_wait3A_130 = tpu.memref_slice %arg9[%dma_wait3A_128, %dma_wait3A_129] : memref<10240x64xf32, #tpu.memory_space<vmem_shared>> -> memref<10240x64xf32, #tpu.memory_space<vmem_shared>>
          tpu.wait_indirect_dma semaphore(%run_scoped3A_118 : memref<!tpu.dma_semaphore, #tpu.memory_space<semaphore_mem>>) src(%arg8 : memref<128x64xf32, #tpu.memory_space<vmem>>) dst(%dma_wait3A_130 : memref<10240x64xf32, #tpu.memory_space<vmem_shared>>)
          tpu.yield
        }) : () -> ()
      } else {
      }
    }
    %while3A_30 = arith.constant 1 : i32
    scf.for %while3A_36 = %while3A_28 to %while3A_24 step %while3A_30  : i32 {
      %jit3A_37 = arith.constant 2 : i32
      %eq3A_38 = arith.constant 0 : i32
      %eq3A_39 = arith.cmpi eq, %jit3A_37, %eq3A_38 : i32
      %jit3A_40 = arith.constant 1 : i32
      %select_n3A_41 = arith.select %eq3A_39, %jit3A_40, %jit3A_37 : i32
      %rem3A = arith.remsi %while3A_36, %select_n3A_41 : i32
      %ne3A = arith.constant 0 : i32
      %ne3A_42 = arith.cmpi ne, %rem3A, %ne3A : i32
      %lt3A = arith.constant 0 : i32
      %lt3A_43 = arith.cmpi slt, %rem3A, %lt3A : i32
      %lt3A_44 = arith.constant 0 : i32
      %lt3A_45 = arith.cmpi slt, %select_n3A_41, %lt3A_44 : i32
      %ne3A_46 = arith.xori %lt3A_43, %lt3A_45 : i1
      %and3A = arith.andi %ne3A_46, %ne3A_42 : i1
      %add3A_47 = arith.addi %rem3A, %select_n3A_41 : i32
      %select_n3A_48 = arith.select %and3A, %add3A_47, %rem3A : i32
      %eq3A_49 = arith.constant 0 : i32
      %eq3A_50 = arith.cmpi eq, %select_n3A_48, %eq3A_49 : i32
      %convert_element_type3A_51 = arith.extui %eq3A_50 : i1 to i32
      %cond3A_52 = arith.constant 0 : i32
      %cond3A_53 = arith.cmpi ne, %convert_element_type3A_51, %cond3A_52 : i32
      scf.if %cond3A_53 {
        %add3A_75 = arith.constant 1 : i32
        %add3A_76 = arith.addi %while3A_36, %add3A_75 : i32
        %lt3A_77 = arith.cmpi slt, %add3A_76, %select_n3A_8 : i32
        %convert_element_type3A_78 = arith.extui %lt3A_77 : i1 to i32
        %cond3A_79 = arith.constant 0 : i32
        %cond3A_80 = arith.cmpi ne, %convert_element_type3A_78, %cond3A_79 : i32
        scf.if %cond3A_80 {
          %add3A_118 = arith.constant 1 : i32
          %add3A_119 = arith.addi %while3A_36, %add3A_118 : i32
          %mul3A_120 = arith.constant 16 : i32
          %mul3A_121 = arith.muli %add3A_119, %mul3A_120 : i32
          %add3A_122 = arith.addi %select_n3A, %mul3A_121 : i32
          %mul3A_123 = arith.constant 2 : i32
          %mul3A_124 = arith.muli %mul3A_123, %add3A_122 : i32
          %dma_start3A_125 = arith.constant 0 : i32
          %dma_start3A_126 = tpu.memref_slice %arg3[%mul3A_124, %dma_start3A_125] : memref<5120x128xi32, #tpu.memory_space<hbm>> -> memref<32x128xi32, #tpu.memory_space<hbm>>
          %dma_start3A_127 = arith.constant 0 : i32
          %dma_start3A_128 = tpu.memref_slice %arg3[%mul3A_124, %dma_start3A_127] : memref<5120x128xi32, #tpu.memory_space<hbm>> -> memref<32x128xi32, #tpu.memory_space<hbm>>
          tpu.enqueue_dma source(%dma_start3A_128 : memref<32x128xi32, #tpu.memory_space<hbm>>) target(%arg6 : memref<32x128xi32, #tpu.memory_space<vmem>>) target_semaphore(%arg13 : memref<!tpu.dma_semaphore, #tpu.memory_space<semaphore_mem>>)
        } else {
        }
        %dma_wait3A = arith.constant 0 : i32
        %dma_wait3A_81 = arith.constant 0 : i32
        %dma_wait3A_82 = tpu.memref_slice %arg3[%dma_wait3A, %dma_wait3A_81] : memref<5120x128xi32, #tpu.memory_space<hbm>> -> memref<32x128xi32, #tpu.memory_space<hbm>>
        %dma_wait3A_83 = arith.constant 0 : i32
        %dma_wait3A_84 = arith.constant 0 : i32
        %dma_wait3A_85 = tpu.memref_slice %arg3[%dma_wait3A_83, %dma_wait3A_84] : memref<5120x128xi32, #tpu.memory_space<hbm>> -> memref<32x128xi32, #tpu.memory_space<hbm>>
        tpu.wait_dma2 semaphore(%arg12 : memref<!tpu.dma_semaphore, #tpu.memory_space<semaphore_mem>>) src(%dma_wait3A_85 : memref<32x128xi32, #tpu.memory_space<hbm>>) dst(%arg5 : memref<32x128xi32, #tpu.memory_space<vmem>>)
        %dma_start3A = arith.constant 0 : i32
        %dma_start3A_86 = arith.constant 0 : i32
        %dma_start3A_87 = tpu.memref_slice %arg5[%dma_start3A, %dma_start3A_86] : memref<32x128xi32, #tpu.memory_space<vmem>> -> memref<1x128xi32, #tpu.memory_space<vmem>>
        %dma_start3A_88 = tpu.memref_squeeze %dma_start3A_87 : memref<1x128xi32, #tpu.memory_space<vmem>> -> memref<128xi32, #tpu.memory_space<vmem>>
        %dma_start3A_89 = arith.constant 0 : i32
        %dma_start3A_90 = arith.constant 0 : i32
        %dma_start3A_91 = tpu.memref_slice %arg2[%dma_start3A_89, %dma_start3A_90] : memref<10240x64xf32, #tpu.memory_space<hbm>> -> memref<10240x64xf32, #tpu.memory_space<hbm>>
        tpu.enqueue_indirect_dma source(%dma_start3A_91 : memref<10240x64xf32, #tpu.memory_space<hbm>>) target(%arg7 : memref<128x64xf32, #tpu.memory_space<vmem>>) offsets(%dma_start3A_88 : memref<128xi32, #tpu.memory_space<vmem>>) semaphore(%arg10 : memref<!tpu.dma_semaphore, #tpu.memory_space<semaphore_mem>>)
        %scan3A_92 = arith.constant 0 : i32
        %scan3A_93 = arith.constant 0 : i32
        %scan3A_94 = arith.constant 7 : i32
        %scan3A_95 = arith.addi %scan3A_93, %scan3A_94 : i32
        %scan3A_96 = arith.constant 1 : i32
        scf.for %scan3A_118 = %scan3A_93 to %scan3A_95 step %scan3A_96  : i32 {
          %mul3A_119 = arith.constant 2 : i32
          %mul3A_120 = arith.muli %mul3A_119, %scan3A_118 : i32
          %add3A_121 = arith.constant 1 : i32
          %add3A_122 = arith.addi %mul3A_120, %add3A_121 : i32
          %mul3A_123 = arith.constant 2 : i32
          %mul3A_124 = arith.muli %mul3A_123, %add3A_122 : i32
          %dma_start3A_125 = arith.constant 0 : i32
          %dma_start3A_126 = tpu.memref_slice %arg5[%mul3A_124, %dma_start3A_125] : memref<32x128xi32, #tpu.memory_space<vmem>> -> memref<1x128xi32, #tpu.memory_space<vmem>>
          %dma_start3A_127 = tpu.memref_squeeze %dma_start3A_126 : memref<1x128xi32, #tpu.memory_space<vmem>> -> memref<128xi32, #tpu.memory_space<vmem>>
          %dma_start3A_128 = arith.constant 0 : i32
          %dma_start3A_129 = arith.constant 0 : i32
          %dma_start3A_130 = tpu.memref_slice %arg2[%dma_start3A_128, %dma_start3A_129] : memref<10240x64xf32, #tpu.memory_space<hbm>> -> memref<10240x64xf32, #tpu.memory_space<hbm>>
          tpu.enqueue_indirect_dma source(%dma_start3A_130 : memref<10240x64xf32, #tpu.memory_space<hbm>>) target(%arg8 : memref<128x64xf32, #tpu.memory_space<vmem>>) offsets(%dma_start3A_127 : memref<128xi32, #tpu.memory_space<vmem>>) semaphore(%arg11 : memref<!tpu.dma_semaphore, #tpu.memory_space<semaphore_mem>>)
          %dma_wait3A_131 = arith.constant 0 : i32
          %dma_wait3A_132 = arith.constant 0 : i32
          %dma_wait3A_133 = tpu.memref_slice %arg2[%dma_wait3A_131, %dma_wait3A_132] : memref<10240x64xf32, #tpu.memory_space<hbm>> -> memref<128x64xf32, #tpu.memory_space<hbm>>
          %dma_wait3A_134 = arith.constant 0 : i32
          %dma_wait3A_135 = arith.constant 0 : i32
          %dma_wait3A_136 = tpu.memref_slice %arg2[%dma_wait3A_134, %dma_wait3A_135] : memref<10240x64xf32, #tpu.memory_space<hbm>> -> memref<128x64xf32, #tpu.memory_space<hbm>>
          tpu.wait_dma2 semaphore(%arg10 : memref<!tpu.dma_semaphore, #tpu.memory_space<semaphore_mem>>) src(%dma_wait3A_136 : memref<128x64xf32, #tpu.memory_space<hbm>>) dst(%arg7 : memref<128x64xf32, #tpu.memory_space<vmem>>)
          %mul3A_137 = arith.constant 2 : i32
          %mul3A_138 = arith.muli %mul3A_137, %mul3A_120 : i32
          %add3A_139 = arith.constant 1 : i32
          %add3A_140 = arith.addi %mul3A_138, %add3A_139 : i32
          "tpu.region"() ({
            %run_scoped3A_163 = tpu.sem_alloc : memref<!tpu.dma_semaphore, #tpu.memory_space<semaphore_mem>>
            %dma_start3A_164 = arith.constant 0 : i32
            %dma_start3A_165 = tpu.memref_slice %arg5[%add3A_140, %dma_start3A_164] : memref<32x128xi32, #tpu.memory_space<vmem>> -> memref<1x128xi32, #tpu.memory_space<vmem>>
            %dma_start3A_166 = tpu.memref_squeeze %dma_start3A_165 : memref<1x128xi32, #tpu.memory_space<vmem>> -> memref<128xi32, #tpu.memory_space<vmem>>
            %dma_start3A_167 = arith.constant 0 : i32
            %dma_start3A_168 = arith.constant 0 : i32
            %dma_start3A_169 = tpu.memref_slice %arg9[%dma_start3A_167, %dma_start3A_168] : memref<10240x64xf32, #tpu.memory_space<vmem_shared>> -> memref<10240x64xf32, #tpu.memory_space<vmem_shared>>
            tpu.enqueue_indirect_dma source(%arg7 : memref<128x64xf32, #tpu.memory_space<vmem>>) target(%dma_start3A_169 : memref<10240x64xf32, #tpu.memory_space<vmem_shared>>) offsets(%dma_start3A_166 : memref<128xi32, #tpu.memory_space<vmem>>) semaphore(%run_scoped3A_163 : memref<!tpu.dma_semaphore, #tpu.memory_space<semaphore_mem>>) {add = true}
            %dma_wait3A_170 = arith.constant 0 : i32
            %dma_wait3A_171 = tpu.memref_slice %arg5[%add3A_140, %dma_wait3A_170] : memref<32x128xi32, #tpu.memory_space<vmem>> -> memref<1x128xi32, #tpu.memory_space<vmem>>
            %dma_wait3A_172 = tpu.memref_squeeze %dma_wait3A_171 : memref<1x128xi32, #tpu.memory_space<vmem>> -> memref<128xi32, #tpu.memory_space<vmem>>
            %dma_wait3A_173 = arith.constant 0 : i32
            %dma_wait3A_174 = arith.constant 0 : i32
            %dma_wait3A_175 = tpu.memref_slice %arg9[%dma_wait3A_173, %dma_wait3A_174] : memref<10240x64xf32, #tpu.memory_space<vmem_shared>> -> memref<10240x64xf32, #tpu.memory_space<vmem_shared>>
            tpu.wait_indirect_dma semaphore(%run_scoped3A_163 : memref<!tpu.dma_semaphore, #tpu.memory_space<semaphore_mem>>) src(%arg7 : memref<128x64xf32, #tpu.memory_space<vmem>>) dst(%dma_wait3A_175 : memref<10240x64xf32, #tpu.memory_space<vmem_shared>>)
            tpu.yield
          }) : () -> ()
          %add3A_141 = arith.constant 2 : i32
          %add3A_142 = arith.addi %mul3A_120, %add3A_141 : i32
          %mul3A_143 = arith.constant 2 : i32
          %mul3A_144 = arith.muli %mul3A_143, %add3A_142 : i32
          %dma_start3A_145 = arith.constant 0 : i32
          %dma_start3A_146 = tpu.memref_slice %arg5[%mul3A_144, %dma_start3A_145] : memref<32x128xi32, #tpu.memory_space<vmem>> -> memref<1x128xi32, #tpu.memory_space<vmem>>
          %dma_start3A_147 = tpu.memref_squeeze %dma_start3A_146 : memref<1x128xi32, #tpu.memory_space<vmem>> -> memref<128xi32, #tpu.memory_space<vmem>>
          %dma_start3A_148 = arith.constant 0 : i32
          %dma_start3A_149 = arith.constant 0 : i32
          %dma_start3A_150 = tpu.memref_slice %arg2[%dma_start3A_148, %dma_start3A_149] : memref<10240x64xf32, #tpu.memory_space<hbm>> -> memref<10240x64xf32, #tpu.memory_space<hbm>>
          tpu.enqueue_indirect_dma source(%dma_start3A_150 : memref<10240x64xf32, #tpu.memory_space<hbm>>) target(%arg7 : memref<128x64xf32, #tpu.memory_space<vmem>>) offsets(%dma_start3A_147 : memref<128xi32, #tpu.memory_space<vmem>>) semaphore(%arg10 : memref<!tpu.dma_semaphore, #tpu.memory_space<semaphore_mem>>)
          %dma_wait3A_151 = arith.constant 0 : i32
          %dma_wait3A_152 = arith.constant 0 : i32
          %dma_wait3A_153 = tpu.memref_slice %arg2[%dma_wait3A_151, %dma_wait3A_152] : memref<10240x64xf32, #tpu.memory_space<hbm>> -> memref<128x64xf32, #tpu.memory_space<hbm>>
          %dma_wait3A_154 = arith.constant 0 : i32
          %dma_wait3A_155 = arith.constant 0 : i32
          %dma_wait3A_156 = tpu.memref_slice %arg2[%dma_wait3A_154, %dma_wait3A_155] : memref<10240x64xf32, #tpu.memory_space<hbm>> -> memref<128x64xf32, #tpu.memory_space<hbm>>
          tpu.wait_dma2 semaphore(%arg11 : memref<!tpu.dma_semaphore, #tpu.memory_space<semaphore_mem>>) src(%dma_wait3A_156 : memref<128x64xf32, #tpu.memory_space<hbm>>) dst(%arg8 : memref<128x64xf32, #tpu.memory_space<vmem>>)
          %add3A_157 = arith.constant 1 : i32
          %add3A_158 = arith.addi %mul3A_120, %add3A_157 : i32
          %mul3A_159 = arith.constant 2 : i32
          %mul3A_160 = arith.muli %mul3A_159, %add3A_158 : i32
          %add3A_161 = arith.constant 1 : i32
          %add3A_162 = arith.addi %mul3A_160, %add3A_161 : i32
          "tpu.region"() ({
            %run_scoped3A_163 = tpu.sem_alloc : memref<!tpu.dma_semaphore, #tpu.memory_space<semaphore_mem>>
            %dma_start3A_164 = arith.constant 0 : i32
            %dma_start3A_165 = tpu.memref_slice %arg5[%add3A_162, %dma_start3A_164] : memref<32x128xi32, #tpu.memory_space<vmem>> -> memref<1x128xi32, #tpu.memory_space<vmem>>
            %dma_start3A_166 = tpu.memref_squeeze %dma_start3A_165 : memref<1x128xi32, #tpu.memory_space<vmem>> -> memref<128xi32, #tpu.memory_space<vmem>>
            %dma_start3A_167 = arith.constant 0 : i32
            %dma_start3A_168 = arith.constant 0 : i32
            %dma_start3A_169 = tpu.memref_slice %arg9[%dma_start3A_167, %dma_start3A_168] : memref<10240x64xf32, #tpu.memory_space<vmem_shared>> -> memref<10240x64xf32, #tpu.memory_space<vmem_shared>>
            tpu.enqueue_indirect_dma source(%arg8 : memref<128x64xf32, #tpu.memory_space<vmem>>) target(%dma_start3A_169 : memref<10240x64xf32, #tpu.memory_space<vmem_shared>>) offsets(%dma_start3A_166 : memref<128xi32, #tpu.memory_space<vmem>>) semaphore(%run_scoped3A_163 : memref<!tpu.dma_semaphore, #tpu.memory_space<semaphore_mem>>) {add = true}
            %dma_wait3A_170 = arith.constant 0 : i32
            %dma_wait3A_171 = tpu.memref_slice %arg5[%add3A_162, %dma_wait3A_170] : memref<32x128xi32, #tpu.memory_space<vmem>> -> memref<1x128xi32, #tpu.memory_space<vmem>>
            %dma_wait3A_172 = tpu.memref_squeeze %dma_wait3A_171 : memref<1x128xi32, #tpu.memory_space<vmem>> -> memref<128xi32, #tpu.memory_space<vmem>>
            %dma_wait3A_173 = arith.constant 0 : i32
            %dma_wait3A_174 = arith.constant 0 : i32
            %dma_wait3A_175 = tpu.memref_slice %arg9[%dma_wait3A_173, %dma_wait3A_174] : memref<10240x64xf32, #tpu.memory_space<vmem_shared>> -> memref<10240x64xf32, #tpu.memory_space<vmem_shared>>
            tpu.wait_indirect_dma semaphore(%run_scoped3A_163 : memref<!tpu.dma_semaphore, #tpu.memory_space<semaphore_mem>>) src(%arg8 : memref<128x64xf32, #tpu.memory_space<vmem>>) dst(%dma_wait3A_175 : memref<10240x64xf32, #tpu.memory_space<vmem_shared>>)
            tpu.yield
          }) : () -> ()
        }
        %scan3A_97 = arith.constant 7 : i32
        %dma_start3A_98 = arith.constant 30 : i32
        %dma_start3A_99 = arith.constant 0 : i32
        %dma_start3A_100 = tpu.memref_slice %arg5[%dma_start3A_98, %dma_start3A_99] : memref<32x128xi32, #tpu.memory_space<vmem>> -> memref<1x128xi32, #tpu.memory_space<vmem>>
        %dma_start3A_101 = tpu.memref_squeeze %dma_start3A_100 : memref<1x128xi32, #tpu.memory_space<vmem>> -> memref<128xi32, #tpu.memory_space<vmem>>
        %dma_start3A_102 = arith.constant 0 : i32
        %dma_start3A_103 = arith.constant 0 : i32
        %dma_start3A_104 = tpu.memref_slice %arg2[%dma_start3A_102, %dma_start3A_103] : memref<10240x64xf32, #tpu.memory_space<hbm>> -> memref<10240x64xf32, #tpu.memory_space<hbm>>
        tpu.enqueue_indirect_dma source(%dma_start3A_104 : memref<10240x64xf32, #tpu.memory_space<hbm>>) target(%arg8 : memref<128x64xf32, #tpu.memory_space<vmem>>) offsets(%dma_start3A_101 : memref<128xi32, #tpu.memory_space<vmem>>) semaphore(%arg11 : memref<!tpu.dma_semaphore, #tpu.memory_space<semaphore_mem>>)
        %dma_wait3A_105 = arith.constant 0 : i32
        %dma_wait3A_106 = arith.constant 0 : i32
        %dma_wait3A_107 = tpu.memref_slice %arg2[%dma_wait3A_105, %dma_wait3A_106] : memref<10240x64xf32, #tpu.memory_space<hbm>> -> memref<128x64xf32, #tpu.memory_space<hbm>>
        %dma_wait3A_108 = arith.constant 0 : i32
        %dma_wait3A_109 = arith.constant 0 : i32
        %dma_wait3A_110 = tpu.memref_slice %arg2[%dma_wait3A_108, %dma_wait3A_109] : memref<10240x64xf32, #tpu.memory_space<hbm>> -> memref<128x64xf32, #tpu.memory_space<hbm>>
        tpu.wait_dma2 semaphore(%arg10 : memref<!tpu.dma_semaphore, #tpu.memory_space<semaphore_mem>>) src(%dma_wait3A_110 : memref<128x64xf32, #tpu.memory_space<hbm>>) dst(%arg7 : memref<128x64xf32, #tpu.memory_space<vmem>>)
        %run_scoped3A = arith.constant 29 : i32
        "tpu.region"() ({
          %run_scoped3A_118 = tpu.sem_alloc : memref<!tpu.dma_semaphore, #tpu.memory_space<semaphore_mem>>
          %dma_start3A_119 = arith.constant 0 : i32
          %dma_start3A_120 = tpu.memref_slice %arg5[%run_scoped3A, %dma_start3A_119] : memref<32x128xi32, #tpu.memory_space<vmem>> -> memref<1x128xi32, #tpu.memory_space<vmem>>
          %dma_start3A_121 = tpu.memref_squeeze %dma_start3A_120 : memref<1x128xi32, #tpu.memory_space<vmem>> -> memref<128xi32, #tpu.memory_space<vmem>>
          %dma_start3A_122 = arith.constant 0 : i32
          %dma_start3A_123 = arith.constant 0 : i32
          %dma_start3A_124 = tpu.memref_slice %arg9[%dma_start3A_122, %dma_start3A_123] : memref<10240x64xf32, #tpu.memory_space<vmem_shared>> -> memref<10240x64xf32, #tpu.memory_space<vmem_shared>>
          tpu.enqueue_indirect_dma source(%arg7 : memref<128x64xf32, #tpu.memory_space<vmem>>) target(%dma_start3A_124 : memref<10240x64xf32, #tpu.memory_space<vmem_shared>>) offsets(%dma_start3A_121 : memref<128xi32, #tpu.memory_space<vmem>>) semaphore(%run_scoped3A_118 : memref<!tpu.dma_semaphore, #tpu.memory_space<semaphore_mem>>) {add = true}
          %dma_wait3A_125 = arith.constant 0 : i32
          %dma_wait3A_126 = tpu.memref_slice %arg5[%run_scoped3A, %dma_wait3A_125] : memref<32x128xi32, #tpu.memory_space<vmem>> -> memref<1x128xi32, #tpu.memory_space<vmem>>
          %dma_wait3A_127 = tpu.memref_squeeze %dma_wait3A_126 : memref<1x128xi32, #tpu.memory_space<vmem>> -> memref<128xi32, #tpu.memory_space<vmem>>
          %dma_wait3A_128 = arith.constant 0 : i32
          %dma_wait3A_129 = arith.constant 0 : i32
          %dma_wait3A_130 = tpu.memref_slice %arg9[%dma_wait3A_128, %dma_wait3A_129] : memref<10240x64xf32, #tpu.memory_space<vmem_shared>> -> memref<10240x64xf32, #tpu.memory_space<vmem_shared>>
          tpu.wait_indirect_dma semaphore(%run_scoped3A_118 : memref<!tpu.dma_semaphore, #tpu.memory_space<semaphore_mem>>) src(%arg7 : memref<128x64xf32, #tpu.memory_space<vmem>>) dst(%dma_wait3A_130 : memref<10240x64xf32, #tpu.memory_space<vmem_shared>>)
          tpu.yield
        }) : () -> ()
        %dma_wait3A_111 = arith.constant 0 : i32
        %dma_wait3A_112 = arith.constant 0 : i32
        %dma_wait3A_113 = tpu.memref_slice %arg2[%dma_wait3A_111, %dma_wait3A_112] : memref<10240x64xf32, #tpu.memory_space<hbm>> -> memref<128x64xf32, #tpu.memory_space<hbm>>
        %dma_wait3A_114 = arith.constant 0 : i32
        %dma_wait3A_115 = arith.constant 0 : i32
        %dma_wait3A_116 = tpu.memref_slice %arg2[%dma_wait3A_114, %dma_wait3A_115] : memref<10240x64xf32, #tpu.memory_space<hbm>> -> memref<128x64xf32, #tpu.memory_space<hbm>>
        tpu.wait_dma2 semaphore(%arg11 : memref<!tpu.dma_semaphore, #tpu.memory_space<semaphore_mem>>) src(%dma_wait3A_116 : memref<128x64xf32, #tpu.memory_space<hbm>>) dst(%arg8 : memref<128x64xf32, #tpu.memory_space<vmem>>)
        %run_scoped3A_117 = arith.constant 31 : i32
        "tpu.region"() ({
          %run_scoped3A_118 = tpu.sem_alloc : memref<!tpu.dma_semaphore, #tpu.memory_space<semaphore_mem>>
          %dma_start3A_119 = arith.constant 0 : i32
          %dma_start3A_120 = tpu.memref_slice %arg5[%run_scoped3A_117, %dma_start3A_119] : memref<32x128xi32, #tpu.memory_space<vmem>> -> memref<1x128xi32, #tpu.memory_space<vmem>>
          %dma_start3A_121 = tpu.memref_squeeze %dma_start3A_120 : memref<1x128xi32, #tpu.memory_space<vmem>> -> memref<128xi32, #tpu.memory_space<vmem>>
          %dma_start3A_122 = arith.constant 0 : i32
          %dma_start3A_123 = arith.constant 0 : i32
          %dma_start3A_124 = tpu.memref_slice %arg9[%dma_start3A_122, %dma_start3A_123] : memref<10240x64xf32, #tpu.memory_space<vmem_shared>> -> memref<10240x64xf32, #tpu.memory_space<vmem_shared>>
          tpu.enqueue_indirect_dma source(%arg8 : memref<128x64xf32, #tpu.memory_space<vmem>>) target(%dma_start3A_124 : memref<10240x64xf32, #tpu.memory_space<vmem_shared>>) offsets(%dma_start3A_121 : memref<128xi32, #tpu.memory_space<vmem>>) semaphore(%run_scoped3A_118 : memref<!tpu.dma_semaphore, #tpu.memory_space<semaphore_mem>>) {add = true}
          %dma_wait3A_125 = arith.constant 0 : i32
          %dma_wait3A_126 = tpu.memref_slice %arg5[%run_scoped3A_117, %dma_wait3A_125] : memref<32x128xi32, #tpu.memory_space<vmem>> -> memref<1x128xi32, #tpu.memory_space<vmem>>
          %dma_wait3A_127 = tpu.memref_squeeze %dma_wait3A_126 : memref<1x128xi32, #tpu.memory_space<vmem>> -> memref<128xi32, #tpu.memory_space<vmem>>
          %dma_wait3A_128 = arith.constant 0 : i32
          %dma_wait3A_129 = arith.constant 0 : i32
          %dma_wait3A_130 = tpu.memref_slice %arg9[%dma_wait3A_128, %dma_wait3A_129] : memref<10240x64xf32, #tpu.memory_space<vmem_shared>> -> memref<10240x64xf32, #tpu.memory_space<vmem_shared>>
          tpu.wait_indirect_dma semaphore(%run_scoped3A_118 : memref<!tpu.dma_semaphore, #tpu.memory_space<semaphore_mem>>) src(%arg8 : memref<128x64xf32, #tpu.memory_space<vmem>>) dst(%dma_wait3A_130 : memref<10240x64xf32, #tpu.memory_space<vmem_shared>>)
          tpu.yield
        }) : () -> ()
      } else {
      }
      %jit3A_54 = arith.constant 2 : i32
      %eq3A_55 = arith.constant 0 : i32
      %eq3A_56 = arith.cmpi eq, %jit3A_54, %eq3A_55 : i32
      %jit3A_57 = arith.constant 1 : i32
      %select_n3A_58 = arith.select %eq3A_56, %jit3A_57, %jit3A_54 : i32
      %rem3A_59 = arith.remsi %while3A_36, %select_n3A_58 : i32
      %ne3A_60 = arith.constant 0 : i32
      %ne3A_61 = arith.cmpi ne, %rem3A_59, %ne3A_60 : i32
      %lt3A_62 = arith.constant 0 : i32
      %lt3A_63 = arith.cmpi slt, %rem3A_59, %lt3A_62 : i32
      %lt3A_64 = arith.constant 0 : i32
      %lt3A_65 = arith.cmpi slt, %select_n3A_58, %lt3A_64 : i32
      %ne3A_66 = arith.xori %lt3A_63, %lt3A_65 : i1
      %and3A_67 = arith.andi %ne3A_66, %ne3A_61 : i1
      %add3A_68 = arith.addi %rem3A_59, %select_n3A_58 : i32
      %select_n3A_69 = arith.select %and3A_67, %add3A_68, %rem3A_59 : i32
      %eq3A_70 = arith.constant 1 : i32
      %eq3A_71 = arith.cmpi eq, %select_n3A_69, %eq3A_70 : i32
      %convert_element_type3A_72 = arith.extui %eq3A_71 : i1 to i32
      %cond3A_73 = arith.constant 0 : i32
      %cond3A_74 = arith.cmpi ne, %convert_element_type3A_72, %cond3A_73 : i32
      scf.if %cond3A_74 {
        %add3A_75 = arith.constant 1 : i32
        %add3A_76 = arith.addi %while3A_36, %add3A_75 : i32
        %lt3A_77 = arith.cmpi slt, %add3A_76, %select_n3A_8 : i32
        %convert_element_type3A_78 = arith.extui %lt3A_77 : i1 to i32
        %cond3A_79 = arith.constant 0 : i32
        %cond3A_80 = arith.cmpi ne, %convert_element_type3A_78, %cond3A_79 : i32
        scf.if %cond3A_80 {
          %add3A_118 = arith.constant 1 : i32
          %add3A_119 = arith.addi %while3A_36, %add3A_118 : i32
          %mul3A_120 = arith.constant 16 : i32
          %mul3A_121 = arith.muli %add3A_119, %mul3A_120 : i32
          %add3A_122 = arith.addi %select_n3A, %mul3A_121 : i32
          %mul3A_123 = arith.constant 2 : i32
          %mul3A_124 = arith.muli %mul3A_123, %add3A_122 : i32
          %dma_start3A_125 = arith.constant 0 : i32
          %dma_start3A_126 = tpu.memref_slice %arg3[%mul3A_124, %dma_start3A_125] : memref<5120x128xi32, #tpu.memory_space<hbm>> -> memref<32x128xi32, #tpu.memory_space<hbm>>
          %dma_start3A_127 = arith.constant 0 : i32
          %dma_start3A_128 = tpu.memref_slice %arg3[%mul3A_124, %dma_start3A_127] : memref<5120x128xi32, #tpu.memory_space<hbm>> -> memref<32x128xi32, #tpu.memory_space<hbm>>
          tpu.enqueue_dma source(%dma_start3A_128 : memref<32x128xi32, #tpu.memory_space<hbm>>) target(%arg5 : memref<32x128xi32, #tpu.memory_space<vmem>>) target_semaphore(%arg12 : memref<!tpu.dma_semaphore, #tpu.memory_space<semaphore_mem>>)
        } else {
        }
        %dma_wait3A = arith.constant 0 : i32
        %dma_wait3A_81 = arith.constant 0 : i32
        %dma_wait3A_82 = tpu.memref_slice %arg3[%dma_wait3A, %dma_wait3A_81] : memref<5120x128xi32, #tpu.memory_space<hbm>> -> memref<32x128xi32, #tpu.memory_space<hbm>>
        %dma_wait3A_83 = arith.constant 0 : i32
        %dma_wait3A_84 = arith.constant 0 : i32
        %dma_wait3A_85 = tpu.memref_slice %arg3[%dma_wait3A_83, %dma_wait3A_84] : memref<5120x128xi32, #tpu.memory_space<hbm>> -> memref<32x128xi32, #tpu.memory_space<hbm>>
        tpu.wait_dma2 semaphore(%arg13 : memref<!tpu.dma_semaphore, #tpu.memory_space<semaphore_mem>>) src(%dma_wait3A_85 : memref<32x128xi32, #tpu.memory_space<hbm>>) dst(%arg6 : memref<32x128xi32, #tpu.memory_space<vmem>>)
        %dma_start3A = arith.constant 0 : i32
        %dma_start3A_86 = arith.constant 0 : i32
        %dma_start3A_87 = tpu.memref_slice %arg6[%dma_start3A, %dma_start3A_86] : memref<32x128xi32, #tpu.memory_space<vmem>> -> memref<1x128xi32, #tpu.memory_space<vmem>>
        %dma_start3A_88 = tpu.memref_squeeze %dma_start3A_87 : memref<1x128xi32, #tpu.memory_space<vmem>> -> memref<128xi32, #tpu.memory_space<vmem>>
        %dma_start3A_89 = arith.constant 0 : i32
        %dma_start3A_90 = arith.constant 0 : i32
        %dma_start3A_91 = tpu.memref_slice %arg2[%dma_start3A_89, %dma_start3A_90] : memref<10240x64xf32, #tpu.memory_space<hbm>> -> memref<10240x64xf32, #tpu.memory_space<hbm>>
        tpu.enqueue_indirect_dma source(%dma_start3A_91 : memref<10240x64xf32, #tpu.memory_space<hbm>>) target(%arg7 : memref<128x64xf32, #tpu.memory_space<vmem>>) offsets(%dma_start3A_88 : memref<128xi32, #tpu.memory_space<vmem>>) semaphore(%arg10 : memref<!tpu.dma_semaphore, #tpu.memory_space<semaphore_mem>>)
        %scan3A_92 = arith.constant 0 : i32
        %scan3A_93 = arith.constant 0 : i32
        %scan3A_94 = arith.constant 7 : i32
        %scan3A_95 = arith.addi %scan3A_93, %scan3A_94 : i32
        %scan3A_96 = arith.constant 1 : i32
        scf.for %scan3A_118 = %scan3A_93 to %scan3A_95 step %scan3A_96  : i32 {
          %mul3A_119 = arith.constant 2 : i32
          %mul3A_120 = arith.muli %mul3A_119, %scan3A_118 : i32
          %add3A_121 = arith.constant 1 : i32
          %add3A_122 = arith.addi %mul3A_120, %add3A_121 : i32
          %mul3A_123 = arith.constant 2 : i32
          %mul3A_124 = arith.muli %mul3A_123, %add3A_122 : i32
          %dma_start3A_125 = arith.constant 0 : i32
          %dma_start3A_126 = tpu.memref_slice %arg6[%mul3A_124, %dma_start3A_125] : memref<32x128xi32, #tpu.memory_space<vmem>> -> memref<1x128xi32, #tpu.memory_space<vmem>>
          %dma_start3A_127 = tpu.memref_squeeze %dma_start3A_126 : memref<1x128xi32, #tpu.memory_space<vmem>> -> memref<128xi32, #tpu.memory_space<vmem>>
          %dma_start3A_128 = arith.constant 0 : i32
          %dma_start3A_129 = arith.constant 0 : i32
          %dma_start3A_130 = tpu.memref_slice %arg2[%dma_start3A_128, %dma_start3A_129] : memref<10240x64xf32, #tpu.memory_space<hbm>> -> memref<10240x64xf32, #tpu.memory_space<hbm>>
          tpu.enqueue_indirect_dma source(%dma_start3A_130 : memref<10240x64xf32, #tpu.memory_space<hbm>>) target(%arg8 : memref<128x64xf32, #tpu.memory_space<vmem>>) offsets(%dma_start3A_127 : memref<128xi32, #tpu.memory_space<vmem>>) semaphore(%arg11 : memref<!tpu.dma_semaphore, #tpu.memory_space<semaphore_mem>>)
          %dma_wait3A_131 = arith.constant 0 : i32
          %dma_wait3A_132 = arith.constant 0 : i32
          %dma_wait3A_133 = tpu.memref_slice %arg2[%dma_wait3A_131, %dma_wait3A_132] : memref<10240x64xf32, #tpu.memory_space<hbm>> -> memref<128x64xf32, #tpu.memory_space<hbm>>
          %dma_wait3A_134 = arith.constant 0 : i32
          %dma_wait3A_135 = arith.constant 0 : i32
          %dma_wait3A_136 = tpu.memref_slice %arg2[%dma_wait3A_134, %dma_wait3A_135] : memref<10240x64xf32, #tpu.memory_space<hbm>> -> memref<128x64xf32, #tpu.memory_space<hbm>>
          tpu.wait_dma2 semaphore(%arg10 : memref<!tpu.dma_semaphore, #tpu.memory_space<semaphore_mem>>) src(%dma_wait3A_136 : memref<128x64xf32, #tpu.memory_space<hbm>>) dst(%arg7 : memref<128x64xf32, #tpu.memory_space<vmem>>)
          %mul3A_137 = arith.constant 2 : i32
          %mul3A_138 = arith.muli %mul3A_137, %mul3A_120 : i32
          %add3A_139 = arith.constant 1 : i32
          %add3A_140 = arith.addi %mul3A_138, %add3A_139 : i32
          "tpu.region"() ({
            %run_scoped3A_163 = tpu.sem_alloc : memref<!tpu.dma_semaphore, #tpu.memory_space<semaphore_mem>>
            %dma_start3A_164 = arith.constant 0 : i32
            %dma_start3A_165 = tpu.memref_slice %arg6[%add3A_140, %dma_start3A_164] : memref<32x128xi32, #tpu.memory_space<vmem>> -> memref<1x128xi32, #tpu.memory_space<vmem>>
            %dma_start3A_166 = tpu.memref_squeeze %dma_start3A_165 : memref<1x128xi32, #tpu.memory_space<vmem>> -> memref<128xi32, #tpu.memory_space<vmem>>
            %dma_start3A_167 = arith.constant 0 : i32
            %dma_start3A_168 = arith.constant 0 : i32
            %dma_start3A_169 = tpu.memref_slice %arg9[%dma_start3A_167, %dma_start3A_168] : memref<10240x64xf32, #tpu.memory_space<vmem_shared>> -> memref<10240x64xf32, #tpu.memory_space<vmem_shared>>
            tpu.enqueue_indirect_dma source(%arg7 : memref<128x64xf32, #tpu.memory_space<vmem>>) target(%dma_start3A_169 : memref<10240x64xf32, #tpu.memory_space<vmem_shared>>) offsets(%dma_start3A_166 : memref<128xi32, #tpu.memory_space<vmem>>) semaphore(%run_scoped3A_163 : memref<!tpu.dma_semaphore, #tpu.memory_space<semaphore_mem>>) {add = true}
            %dma_wait3A_170 = arith.constant 0 : i32
            %dma_wait3A_171 = tpu.memref_slice %arg6[%add3A_140, %dma_wait3A_170] : memref<32x128xi32, #tpu.memory_space<vmem>> -> memref<1x128xi32, #tpu.memory_space<vmem>>
            %dma_wait3A_172 = tpu.memref_squeeze %dma_wait3A_171 : memref<1x128xi32, #tpu.memory_space<vmem>> -> memref<128xi32, #tpu.memory_space<vmem>>
            %dma_wait3A_173 = arith.constant 0 : i32
            %dma_wait3A_174 = arith.constant 0 : i32
            %dma_wait3A_175 = tpu.memref_slice %arg9[%dma_wait3A_173, %dma_wait3A_174] : memref<10240x64xf32, #tpu.memory_space<vmem_shared>> -> memref<10240x64xf32, #tpu.memory_space<vmem_shared>>
            tpu.wait_indirect_dma semaphore(%run_scoped3A_163 : memref<!tpu.dma_semaphore, #tpu.memory_space<semaphore_mem>>) src(%arg7 : memref<128x64xf32, #tpu.memory_space<vmem>>) dst(%dma_wait3A_175 : memref<10240x64xf32, #tpu.memory_space<vmem_shared>>)
            tpu.yield
          }) : () -> ()
          %add3A_141 = arith.constant 2 : i32
          %add3A_142 = arith.addi %mul3A_120, %add3A_141 : i32
          %mul3A_143 = arith.constant 2 : i32
          %mul3A_144 = arith.muli %mul3A_143, %add3A_142 : i32
          %dma_start3A_145 = arith.constant 0 : i32
          %dma_start3A_146 = tpu.memref_slice %arg6[%mul3A_144, %dma_start3A_145] : memref<32x128xi32, #tpu.memory_space<vmem>> -> memref<1x128xi32, #tpu.memory_space<vmem>>
          %dma_start3A_147 = tpu.memref_squeeze %dma_start3A_146 : memref<1x128xi32, #tpu.memory_space<vmem>> -> memref<128xi32, #tpu.memory_space<vmem>>
          %dma_start3A_148 = arith.constant 0 : i32
          %dma_start3A_149 = arith.constant 0 : i32
          %dma_start3A_150 = tpu.memref_slice %arg2[%dma_start3A_148, %dma_start3A_149] : memref<10240x64xf32, #tpu.memory_space<hbm>> -> memref<10240x64xf32, #tpu.memory_space<hbm>>
          tpu.enqueue_indirect_dma source(%dma_start3A_150 : memref<10240x64xf32, #tpu.memory_space<hbm>>) target(%arg7 : memref<128x64xf32, #tpu.memory_space<vmem>>) offsets(%dma_start3A_147 : memref<128xi32, #tpu.memory_space<vmem>>) semaphore(%arg10 : memref<!tpu.dma_semaphore, #tpu.memory_space<semaphore_mem>>)
          %dma_wait3A_151 = arith.constant 0 : i32
          %dma_wait3A_152 = arith.constant 0 : i32
          %dma_wait3A_153 = tpu.memref_slice %arg2[%dma_wait3A_151, %dma_wait3A_152] : memref<10240x64xf32, #tpu.memory_space<hbm>> -> memref<128x64xf32, #tpu.memory_space<hbm>>
          %dma_wait3A_154 = arith.constant 0 : i32
          %dma_wait3A_155 = arith.constant 0 : i32
          %dma_wait3A_156 = tpu.memref_slice %arg2[%dma_wait3A_154, %dma_wait3A_155] : memref<10240x64xf32, #tpu.memory_space<hbm>> -> memref<128x64xf32, #tpu.memory_space<hbm>>
          tpu.wait_dma2 semaphore(%arg11 : memref<!tpu.dma_semaphore, #tpu.memory_space<semaphore_mem>>) src(%dma_wait3A_156 : memref<128x64xf32, #tpu.memory_space<hbm>>) dst(%arg8 : memref<128x64xf32, #tpu.memory_space<vmem>>)
          %add3A_157 = arith.constant 1 : i32
          %add3A_158 = arith.addi %mul3A_120, %add3A_157 : i32
          %mul3A_159 = arith.constant 2 : i32
          %mul3A_160 = arith.muli %mul3A_159, %add3A_158 : i32
          %add3A_161 = arith.constant 1 : i32
          %add3A_162 = arith.addi %mul3A_160, %add3A_161 : i32
          "tpu.region"() ({
            %run_scoped3A_163 = tpu.sem_alloc : memref<!tpu.dma_semaphore, #tpu.memory_space<semaphore_mem>>
            %dma_start3A_164 = arith.constant 0 : i32
            %dma_start3A_165 = tpu.memref_slice %arg6[%add3A_162, %dma_start3A_164] : memref<32x128xi32, #tpu.memory_space<vmem>> -> memref<1x128xi32, #tpu.memory_space<vmem>>
            %dma_start3A_166 = tpu.memref_squeeze %dma_start3A_165 : memref<1x128xi32, #tpu.memory_space<vmem>> -> memref<128xi32, #tpu.memory_space<vmem>>
            %dma_start3A_167 = arith.constant 0 : i32
            %dma_start3A_168 = arith.constant 0 : i32
            %dma_start3A_169 = tpu.memref_slice %arg9[%dma_start3A_167, %dma_start3A_168] : memref<10240x64xf32, #tpu.memory_space<vmem_shared>> -> memref<10240x64xf32, #tpu.memory_space<vmem_shared>>
            tpu.enqueue_indirect_dma source(%arg8 : memref<128x64xf32, #tpu.memory_space<vmem>>) target(%dma_start3A_169 : memref<10240x64xf32, #tpu.memory_space<vmem_shared>>) offsets(%dma_start3A_166 : memref<128xi32, #tpu.memory_space<vmem>>) semaphore(%run_scoped3A_163 : memref<!tpu.dma_semaphore, #tpu.memory_space<semaphore_mem>>) {add = true}
            %dma_wait3A_170 = arith.constant 0 : i32
            %dma_wait3A_171 = tpu.memref_slice %arg6[%add3A_162, %dma_wait3A_170] : memref<32x128xi32, #tpu.memory_space<vmem>> -> memref<1x128xi32, #tpu.memory_space<vmem>>
            %dma_wait3A_172 = tpu.memref_squeeze %dma_wait3A_171 : memref<1x128xi32, #tpu.memory_space<vmem>> -> memref<128xi32, #tpu.memory_space<vmem>>
            %dma_wait3A_173 = arith.constant 0 : i32
            %dma_wait3A_174 = arith.constant 0 : i32
            %dma_wait3A_175 = tpu.memref_slice %arg9[%dma_wait3A_173, %dma_wait3A_174] : memref<10240x64xf32, #tpu.memory_space<vmem_shared>> -> memref<10240x64xf32, #tpu.memory_space<vmem_shared>>
            tpu.wait_indirect_dma semaphore(%run_scoped3A_163 : memref<!tpu.dma_semaphore, #tpu.memory_space<semaphore_mem>>) src(%arg8 : memref<128x64xf32, #tpu.memory_space<vmem>>) dst(%dma_wait3A_175 : memref<10240x64xf32, #tpu.memory_space<vmem_shared>>)
            tpu.yield
          }) : () -> ()
        }
        %scan3A_97 = arith.constant 7 : i32
        %dma_start3A_98 = arith.constant 30 : i32
        %dma_start3A_99 = arith.constant 0 : i32
        %dma_start3A_100 = tpu.memref_slice %arg6[%dma_start3A_98, %dma_start3A_99] : memref<32x128xi32, #tpu.memory_space<vmem>> -> memref<1x128xi32, #tpu.memory_space<vmem>>
        %dma_start3A_101 = tpu.memref_squeeze %dma_start3A_100 : memref<1x128xi32, #tpu.memory_space<vmem>> -> memref<128xi32, #tpu.memory_space<vmem>>
        %dma_start3A_102 = arith.constant 0 : i32
        %dma_start3A_103 = arith.constant 0 : i32
        %dma_start3A_104 = tpu.memref_slice %arg2[%dma_start3A_102, %dma_start3A_103] : memref<10240x64xf32, #tpu.memory_space<hbm>> -> memref<10240x64xf32, #tpu.memory_space<hbm>>
        tpu.enqueue_indirect_dma source(%dma_start3A_104 : memref<10240x64xf32, #tpu.memory_space<hbm>>) target(%arg8 : memref<128x64xf32, #tpu.memory_space<vmem>>) offsets(%dma_start3A_101 : memref<128xi32, #tpu.memory_space<vmem>>) semaphore(%arg11 : memref<!tpu.dma_semaphore, #tpu.memory_space<semaphore_mem>>)
        %dma_wait3A_105 = arith.constant 0 : i32
        %dma_wait3A_106 = arith.constant 0 : i32
        %dma_wait3A_107 = tpu.memref_slice %arg2[%dma_wait3A_105, %dma_wait3A_106] : memref<10240x64xf32, #tpu.memory_space<hbm>> -> memref<128x64xf32, #tpu.memory_space<hbm>>
        %dma_wait3A_108 = arith.constant 0 : i32
        %dma_wait3A_109 = arith.constant 0 : i32
        %dma_wait3A_110 = tpu.memref_slice %arg2[%dma_wait3A_108, %dma_wait3A_109] : memref<10240x64xf32, #tpu.memory_space<hbm>> -> memref<128x64xf32, #tpu.memory_space<hbm>>
        tpu.wait_dma2 semaphore(%arg10 : memref<!tpu.dma_semaphore, #tpu.memory_space<semaphore_mem>>) src(%dma_wait3A_110 : memref<128x64xf32, #tpu.memory_space<hbm>>) dst(%arg7 : memref<128x64xf32, #tpu.memory_space<vmem>>)
        %run_scoped3A = arith.constant 29 : i32
        "tpu.region"() ({
          %run_scoped3A_118 = tpu.sem_alloc : memref<!tpu.dma_semaphore, #tpu.memory_space<semaphore_mem>>
          %dma_start3A_119 = arith.constant 0 : i32
          %dma_start3A_120 = tpu.memref_slice %arg6[%run_scoped3A, %dma_start3A_119] : memref<32x128xi32, #tpu.memory_space<vmem>> -> memref<1x128xi32, #tpu.memory_space<vmem>>
          %dma_start3A_121 = tpu.memref_squeeze %dma_start3A_120 : memref<1x128xi32, #tpu.memory_space<vmem>> -> memref<128xi32, #tpu.memory_space<vmem>>
          %dma_start3A_122 = arith.constant 0 : i32
          %dma_start3A_123 = arith.constant 0 : i32
          %dma_start3A_124 = tpu.memref_slice %arg9[%dma_start3A_122, %dma_start3A_123] : memref<10240x64xf32, #tpu.memory_space<vmem_shared>> -> memref<10240x64xf32, #tpu.memory_space<vmem_shared>>
          tpu.enqueue_indirect_dma source(%arg7 : memref<128x64xf32, #tpu.memory_space<vmem>>) target(%dma_start3A_124 : memref<10240x64xf32, #tpu.memory_space<vmem_shared>>) offsets(%dma_start3A_121 : memref<128xi32, #tpu.memory_space<vmem>>) semaphore(%run_scoped3A_118 : memref<!tpu.dma_semaphore, #tpu.memory_space<semaphore_mem>>) {add = true}
          %dma_wait3A_125 = arith.constant 0 : i32
          %dma_wait3A_126 = tpu.memref_slice %arg6[%run_scoped3A, %dma_wait3A_125] : memref<32x128xi32, #tpu.memory_space<vmem>> -> memref<1x128xi32, #tpu.memory_space<vmem>>
          %dma_wait3A_127 = tpu.memref_squeeze %dma_wait3A_126 : memref<1x128xi32, #tpu.memory_space<vmem>> -> memref<128xi32, #tpu.memory_space<vmem>>
          %dma_wait3A_128 = arith.constant 0 : i32
          %dma_wait3A_129 = arith.constant 0 : i32
          %dma_wait3A_130 = tpu.memref_slice %arg9[%dma_wait3A_128, %dma_wait3A_129] : memref<10240x64xf32, #tpu.memory_space<vmem_shared>> -> memref<10240x64xf32, #tpu.memory_space<vmem_shared>>
          tpu.wait_indirect_dma semaphore(%run_scoped3A_118 : memref<!tpu.dma_semaphore, #tpu.memory_space<semaphore_mem>>) src(%arg7 : memref<128x64xf32, #tpu.memory_space<vmem>>) dst(%dma_wait3A_130 : memref<10240x64xf32, #tpu.memory_space<vmem_shared>>)
          tpu.yield
        }) : () -> ()
        %dma_wait3A_111 = arith.constant 0 : i32
        %dma_wait3A_112 = arith.constant 0 : i32
        %dma_wait3A_113 = tpu.memref_slice %arg2[%dma_wait3A_111, %dma_wait3A_112] : memref<10240x64xf32, #tpu.memory_space<hbm>> -> memref<128x64xf32, #tpu.memory_space<hbm>>
        %dma_wait3A_114 = arith.constant 0 : i32
        %dma_wait3A_115 = arith.constant 0 : i32
        %dma_wait3A_116 = tpu.memref_slice %arg2[%dma_wait3A_114, %dma_wait3A_115] : memref<10240x64xf32, #tpu.memory_space<hbm>> -> memref<128x64xf32, #tpu.memory_space<hbm>>
        tpu.wait_dma2 semaphore(%arg11 : memref<!tpu.dma_semaphore, #tpu.memory_space<semaphore_mem>>) src(%dma_wait3A_116 : memref<128x64xf32, #tpu.memory_space<hbm>>) dst(%arg8 : memref<128x64xf32, #tpu.memory_space<vmem>>)
        %run_scoped3A_117 = arith.constant 31 : i32
        "tpu.region"() ({
          %run_scoped3A_118 = tpu.sem_alloc : memref<!tpu.dma_semaphore, #tpu.memory_space<semaphore_mem>>
          %dma_start3A_119 = arith.constant 0 : i32
          %dma_start3A_120 = tpu.memref_slice %arg6[%run_scoped3A_117, %dma_start3A_119] : memref<32x128xi32, #tpu.memory_space<vmem>> -> memref<1x128xi32, #tpu.memory_space<vmem>>
          %dma_start3A_121 = tpu.memref_squeeze %dma_start3A_120 : memref<1x128xi32, #tpu.memory_space<vmem>> -> memref<128xi32, #tpu.memory_space<vmem>>
          %dma_start3A_122 = arith.constant 0 : i32
          %dma_start3A_123 = arith.constant 0 : i32
          %dma_start3A_124 = tpu.memref_slice %arg9[%dma_start3A_122, %dma_start3A_123] : memref<10240x64xf32, #tpu.memory_space<vmem_shared>> -> memref<10240x64xf32, #tpu.memory_space<vmem_shared>>
          tpu.enqueue_indirect_dma source(%arg8 : memref<128x64xf32, #tpu.memory_space<vmem>>) target(%dma_start3A_124 : memref<10240x64xf32, #tpu.memory_space<vmem_shared>>) offsets(%dma_start3A_121 : memref<128xi32, #tpu.memory_space<vmem>>) semaphore(%run_scoped3A_118 : memref<!tpu.dma_semaphore, #tpu.memory_space<semaphore_mem>>) {add = true}
          %dma_wait3A_125 = arith.constant 0 : i32
          %dma_wait3A_126 = tpu.memref_slice %arg6[%run_scoped3A_117, %dma_wait3A_125] : memref<32x128xi32, #tpu.memory_space<vmem>> -> memref<1x128xi32, #tpu.memory_space<vmem>>
          %dma_wait3A_127 = tpu.memref_squeeze %dma_wait3A_126 : memref<1x128xi32, #tpu.memory_space<vmem>> -> memref<128xi32, #tpu.memory_space<vmem>>
          %dma_wait3A_128 = arith.constant 0 : i32
          %dma_wait3A_129 = arith.constant 0 : i32
          %dma_wait3A_130 = tpu.memref_slice %arg9[%dma_wait3A_128, %dma_wait3A_129] : memref<10240x64xf32, #tpu.memory_space<vmem_shared>> -> memref<10240x64xf32, #tpu.memory_space<vmem_shared>>
          tpu.wait_indirect_dma semaphore(%run_scoped3A_118 : memref<!tpu.dma_semaphore, #tpu.memory_space<semaphore_mem>>) src(%arg8 : memref<128x64xf32, #tpu.memory_space<vmem>>) dst(%dma_wait3A_130 : memref<10240x64xf32, #tpu.memory_space<vmem_shared>>)
          tpu.yield
        }) : () -> ()
      } else {
      }
    }
    %barrier3A_31 = arith.constant 0 : index
    tpu.barrier barrier_id(%barrier3A_31)
    %mul3A_32 = arith.constant 640 : i32
    %mul3A_33 = arith.muli %arg1, %mul3A_32 : i32
    %mul3A_34 = arith.constant 640 : i32
    %mul3A_35 = arith.muli %arg1, %mul3A_34 : i32
    "tpu.region"() ({
      %run_scoped3A = tpu.sem_alloc : memref<!tpu.dma_semaphore, #tpu.memory_space<semaphore_mem>>
      %dma_start3A = arith.constant 0 : i32
      %dma_start3A_36 = tpu.memref_slice %arg4[%arg0, %mul3A_35, %dma_start3A] : memref<2x10240x64xf32, #tpu.memory_space<hbm>> -> memref<1x640x64xf32, #tpu.memory_space<hbm>>
      %dma_start3A_37 = tpu.memref_squeeze %dma_start3A_36 : memref<1x640x64xf32, #tpu.memory_space<hbm>> -> memref<640x64xf32, #tpu.memory_space<hbm>>
      %dma_start3A_38 = arith.constant 0 : i32
      %dma_start3A_39 = tpu.memref_slice %arg9[%mul3A_33, %dma_start3A_38] : memref<10240x64xf32, #tpu.memory_space<vmem_shared>> -> memref<640x64xf32, #tpu.memory_space<vmem_shared>>
      tpu.enqueue_dma source(%dma_start3A_39 : memref<640x64xf32, #tpu.memory_space<vmem_shared>>) target(%dma_start3A_37 : memref<640x64xf32, #tpu.memory_space<hbm>>) target_semaphore(%run_scoped3A : memref<!tpu.dma_semaphore, #tpu.memory_space<semaphore_mem>>)
      %dma_wait3A = arith.constant 0 : i32
      %dma_wait3A_40 = tpu.memref_slice %arg4[%arg0, %mul3A_35, %dma_wait3A] : memref<2x10240x64xf32, #tpu.memory_space<hbm>> -> memref<1x640x64xf32, #tpu.memory_space<hbm>>
      %dma_wait3A_41 = tpu.memref_squeeze %dma_wait3A_40 : memref<1x640x64xf32, #tpu.memory_space<hbm>> -> memref<640x64xf32, #tpu.memory_space<hbm>>
      %dma_wait3A_42 = arith.constant 0 : i32
      %dma_wait3A_43 = tpu.memref_slice %arg9[%mul3A_33, %dma_wait3A_42] : memref<10240x64xf32, #tpu.memory_space<vmem_shared>> -> memref<640x64xf32, #tpu.memory_space<vmem_shared>>
      tpu.wait_dma2 semaphore(%run_scoped3A : memref<!tpu.dma_semaphore, #tpu.memory_space<semaphore_mem>>) src(%dma_wait3A_43 : memref<640x64xf32, #tpu.memory_space<vmem_shared>>) dst(%dma_wait3A_41 : memref<640x64xf32, #tpu.memory_space<hbm>>)
      tpu.yield
    }) : () -> ()
    return
  }
}

module attributes {stable_mosaic.version = 14 : i64} {
  func.func @body(%arg0: i32, %arg1: memref<2x1024x16xf32, #tpu.memory_space<vmem>>, %arg2: memref<1024x128xf32, #tpu.memory_space<vmem>>, %arg3: memref<1024x1xf32, #tpu.memory_space<vmem>>, %arg4: memref<1024x128xf32, #tpu.memory_space<vmem>>) attributes {dimension_semantics = [#tpu.dimension_semantics<arbitrary>], iteration_bounds = array<i64: 10>, scalar_prefetch = 0 : i64, scratch_operands = 0 : i64, tpu.core_type = #tpu.core_type<tc>, window_params = [{transform_indices = @transform_0, window_bounds = array<i64: 2, 1024, 16>}, {transform_indices = @transform_1, window_bounds = array<i64: 1024, 128>}, {transform_indices = @transform_2, window_bounds = array<i64: 1024, 1>}, {transform_indices = @transform_3, window_bounds = array<i64: 1024, 128>}]} {
    %get3A = arith.constant 0 : index
    %get3A_0 = arith.constant 0 : index
    %get3A_1 = arith.constant 0 : index
    %get3A_2 = vector.load %arg1[%get3A, %get3A_0, %get3A_1] : memref<2x1024x16xf32, #tpu.memory_space<vmem>>, vector<1x1024x1xf32>
    %get3A_3 = vector.shape_cast %get3A_2 : vector<1x1024x1xf32> to vector<1024x1xf32>
    %get3A_4 = arith.constant 1 : index
    %get3A_5 = arith.constant 0 : index
    %get3A_6 = arith.constant 0 : index
    %get3A_7 = vector.load %arg1[%get3A_4, %get3A_5, %get3A_6] : memref<2x1024x16xf32, #tpu.memory_space<vmem>>, vector<1x1024x1xf32>
    %get3A_8 = vector.shape_cast %get3A_7 : vector<1x1024x1xf32> to vector<1024x1xf32>
    %add3A = arith.addf %get3A_3, %get3A_8 : vector<1024x1xf32>
    %add3A_9 = arith.constant 1.000000e+00 : f32
    %add3A_10 = vector.broadcast %add3A_9 : f32 to vector<1024x1xf32>
    %add3A_11 = arith.addf %add3A, %add3A_10 : vector<1024x1xf32>
    %rsqrt3A = math.rsqrt %add3A_11 : vector<1024x1xf32>
    %swap3A = arith.constant 0 : index
    %swap3A_12 = arith.constant 0 : index
    %swap3A_13 = vector.load %arg3[%swap3A, %swap3A_12] : memref<1024x1xf32, #tpu.memory_space<vmem>>, vector<1024x1xf32>
    tpu.vector_store %arg3[%swap3A, %swap3A_12], %rsqrt3A {strides = array<i32>} : memref<1024x1xf32, #tpu.memory_space<vmem>>, vector<1024x1xf32>,
    %get3A_14 = arith.constant 0 : index
    %get3A_15 = arith.constant 0 : index
    %get3A_16 = vector.load %arg2[%get3A_14, %get3A_15] : memref<1024x128xf32, #tpu.memory_space<vmem>>, vector<1024x128xf32>
    %mul3A = vector.broadcast %rsqrt3A : vector<1024x1xf32> to vector<1024x128xf32>
    %mul3A_17 = arith.mulf %get3A_16, %mul3A : vector<1024x128xf32>
    %swap3A_18 = arith.constant 0 : index
    %swap3A_19 = arith.constant 0 : index
    %swap3A_20 = vector.load %arg4[%swap3A_18, %swap3A_19] : memref<1024x128xf32, #tpu.memory_space<vmem>>, vector<1024x128xf32>
    tpu.vector_store %arg4[%swap3A_18, %swap3A_19], %mul3A_17 {strides = array<i32>} : memref<1024x128xf32, #tpu.memory_space<vmem>>, vector<1024x128xf32>,
    return
  }
  func.func @transform_0(%arg0: i32) -> (i32, i32, i32) {
    %c0_i32 = arith.constant 0 : i32
    %c0_i32_0 = arith.constant 0 : i32
    %c0_i32_1 = arith.constant 0 : i32
    return %c0_i32, %arg0, %c0_i32_0 : i32, i32, i32
  }
  func.func @transform_1(%arg0: i32) -> (i32, i32) {
    %c0_i32 = arith.constant 0 : i32
    %c0_i32_0 = arith.constant 0 : i32
    return %arg0, %c0_i32 : i32, i32
  }
  func.func @transform_2(%arg0: i32) -> (i32, i32) {
    %c0_i32 = arith.constant 0 : i32
    %c0_i32_0 = arith.constant 0 : i32
    return %arg0, %c0_i32 : i32, i32
  }
  func.func @transform_3(%arg0: i32) -> (i32, i32) {
    %c0_i32 = arith.constant 0 : i32
    %c0_i32_0 = arith.constant 0 : i32
    return %arg0, %c0_i32 : i32, i32
  }
}

module attributes {stable_mosaic.version = 14 : i64} {
  func.func @body(%arg0: i32, %arg1: memref<2x512x128xf32, #tpu.memory_space<vmem>>, %arg2: memref<512x128xf32, #tpu.memory_space<vmem>>, %arg3: memref<512x1xf32, #tpu.memory_space<vmem>>, %arg4: memref<128x256xf32, #tpu.memory_space<vmem>>, %arg5: memref<1x256xf32, #tpu.memory_space<vmem>>, %arg6: memref<256x64xf32, #tpu.memory_space<vmem>>, %arg7: memref<512x64xf32, #tpu.memory_space<vmem>>) attributes {dimension_semantics = [#tpu.dimension_semantics<arbitrary>], iteration_bounds = array<i64: 20>, scalar_prefetch = 0 : i64, scratch_operands = 0 : i64, tpu.core_type = #tpu.core_type<tc>, window_params = [{transform_indices = @transform_0, window_bounds = array<i64: 2, 512, 128>}, {transform_indices = @transform_1, window_bounds = array<i64: 512, 128>}, {transform_indices = @transform_2, window_bounds = array<i64: 512, 1>}, {pipeline_mode = #tpu.pipeline_mode<synchronous>, transform_indices = @transform_3, window_bounds = array<i64: 128, 256>}, {pipeline_mode = #tpu.pipeline_mode<synchronous>, transform_indices = @transform_4, window_bounds = array<i64: 1, 256>}, {pipeline_mode = #tpu.pipeline_mode<synchronous>, transform_indices = @transform_5, window_bounds = array<i64: 256, 64>}, {transform_indices = @transform_6, window_bounds = array<i64: 512, 64>}]} {
    %get3A = arith.constant 0 : index
    %get3A_0 = arith.constant 0 : index
    %get3A_1 = arith.constant 0 : index
    %get3A_2 = vector.load %arg1[%get3A, %get3A_0, %get3A_1] : memref<2x512x128xf32, #tpu.memory_space<vmem>>, vector<1x512x128xf32>
    %get3A_3 = vector.shape_cast %get3A_2 : vector<1x512x128xf32> to vector<512x128xf32>
    %get3A_4 = arith.constant 1 : index
    %get3A_5 = arith.constant 0 : index
    %get3A_6 = arith.constant 0 : index
    %get3A_7 = vector.load %arg1[%get3A_4, %get3A_5, %get3A_6] : memref<2x512x128xf32, #tpu.memory_space<vmem>>, vector<1x512x128xf32>
    %get3A_8 = vector.shape_cast %get3A_7 : vector<1x512x128xf32> to vector<512x128xf32>
    %add3A = arith.addf %get3A_3, %get3A_8 : vector<512x128xf32>
    %get3A_9 = arith.constant 0 : index
    %get3A_10 = arith.constant 0 : index
    %get3A_11 = vector.load %arg2[%get3A_9, %get3A_10] : memref<512x128xf32, #tpu.memory_space<vmem>>, vector<512x128xf32>
    %add3A_12 = arith.addf %add3A, %get3A_11 : vector<512x128xf32>
    %get3A_13 = arith.constant 0 : index
    %get3A_14 = arith.constant 0 : index
    %get3A_15 = vector.load %arg3[%get3A_13, %get3A_14] : memref<512x1xf32, #tpu.memory_space<vmem>>, vector<512x1xf32>
    %mul3A = vector.broadcast %get3A_15 : vector<512x1xf32> to vector<512x128xf32>
    %mul3A_16 = arith.mulf %add3A_12, %mul3A : vector<512x128xf32>
    %get3A_17 = arith.constant 0 : index
    %get3A_18 = arith.constant 0 : index
    %get3A_19 = vector.load %arg4[%get3A_17, %get3A_18] : memref<128x256xf32, #tpu.memory_space<vmem>>, vector<128x256xf32>
    %dot_general3A = arith.constant dense<0.000000e+00> : vector<512x256xf32>
    %dot_general3A_20 = tpu.matmul %mul3A_16, %get3A_19, %dot_general3A {dimension_numbers = #tpu.dot_dimension_numbers<[1], [0], [0], [1], [0, 0, 1, 1], [], []>, transpose_lhs_hint = false} : vector<512x128xf32>, vector<128x256xf32>, vector<512x256xf32> -> vector<512x256xf32>
    %get3A_21 = arith.constant 0 : index
    %get3A_22 = arith.constant 0 : index
    %get3A_23 = vector.load %arg5[%get3A_21, %get3A_22] : memref<1x256xf32, #tpu.memory_space<vmem>>, vector<1x256xf32>
    %add3A_24 = vector.broadcast %get3A_23 : vector<1x256xf32> to vector<512x256xf32>
    %add3A_25 = arith.addf %dot_general3A_20, %add3A_24 : vector<512x256xf32>
    %max3A = arith.constant 0.000000e+00 : f32
    %max3A_26 = vector.broadcast %max3A : f32 to vector<512x256xf32>
    %max3A_27 = arith.maximumf %add3A_25, %max3A_26 : vector<512x256xf32>
    %get3A_28 = arith.constant 0 : index
    %get3A_29 = arith.constant 0 : index
    %get3A_30 = vector.load %arg6[%get3A_28, %get3A_29] : memref<256x64xf32, #tpu.memory_space<vmem>>, vector<256x64xf32>
    %dot_general3A_31 = arith.constant dense<0.000000e+00> : vector<512x64xf32>
    %dot_general3A_32 = tpu.matmul %max3A_27, %get3A_30, %dot_general3A_31 {dimension_numbers = #tpu.dot_dimension_numbers<[1], [0], [0], [1], [0, 0, 1, 1], [], []>, transpose_lhs_hint = false} : vector<512x256xf32>, vector<256x64xf32>, vector<512x64xf32> -> vector<512x64xf32>
    %get3A_33 = arith.constant 0 : index
    %get3A_34 = arith.constant 0 : index
    %get3A_35 = vector.load %arg3[%get3A_33, %get3A_34] : memref<512x1xf32, #tpu.memory_space<vmem>>, vector<512x1xf32>
    %mul3A_36 = vector.broadcast %get3A_35 : vector<512x1xf32> to vector<512x64xf32>
    %mul3A_37 = arith.mulf %dot_general3A_32, %mul3A_36 : vector<512x64xf32>
    %swap3A = arith.constant 0 : index
    %swap3A_38 = arith.constant 0 : index
    %swap3A_39 = vector.load %arg7[%swap3A, %swap3A_38] : memref<512x64xf32, #tpu.memory_space<vmem>>, vector<512x64xf32>
    tpu.vector_store %arg7[%swap3A, %swap3A_38], %mul3A_37 {strides = array<i32>} : memref<512x64xf32, #tpu.memory_space<vmem>>, vector<512x64xf32>,
    return
  }
  func.func @transform_0(%arg0: i32) -> (i32, i32, i32) {
    %c0_i32 = arith.constant 0 : i32
    %c0_i32_0 = arith.constant 0 : i32
    %c0_i32_1 = arith.constant 0 : i32
    return %c0_i32, %arg0, %c0_i32_0 : i32, i32, i32
  }
  func.func @transform_1(%arg0: i32) -> (i32, i32) {
    %c0_i32 = arith.constant 0 : i32
    %c0_i32_0 = arith.constant 0 : i32
    return %arg0, %c0_i32 : i32, i32
  }
  func.func @transform_2(%arg0: i32) -> (i32, i32) {
    %c0_i32 = arith.constant 0 : i32
    %c0_i32_0 = arith.constant 0 : i32
    return %arg0, %c0_i32 : i32, i32
  }
  func.func @transform_3(%arg0: i32) -> (i32, i32) {
    %c0_i32 = arith.constant 0 : i32
    %c0_i32_0 = arith.constant 0 : i32
    %c0_i32_1 = arith.constant 0 : i32
    return %c0_i32, %c0_i32_0 : i32, i32
  }
  func.func @transform_4(%arg0: i32) -> (i32, i32) {
    %c0_i32 = arith.constant 0 : i32
    %c0_i32_0 = arith.constant 0 : i32
    %c0_i32_1 = arith.constant 0 : i32
    return %c0_i32, %c0_i32_0 : i32, i32
  }
  func.func @transform_5(%arg0: i32) -> (i32, i32) {
    %c0_i32 = arith.constant 0 : i32
    %c0_i32_0 = arith.constant 0 : i32
    %c0_i32_1 = arith.constant 0 : i32
    return %c0_i32, %c0_i32_0 : i32, i32
  }
  func.func @transform_6(%arg0: i32) -> (i32, i32) {
    %c0_i32 = arith.constant 0 : i32
    %c0_i32_0 = arith.constant 0 : i32
    return %arg0, %c0_i32 : i32, i32
  }
}

module attributes {stable_mosaic.version = 14 : i64} {
  func.func @body(%arg0: i32, %arg1: memref<2x1024x64xf32, #tpu.memory_space<vmem>>, %arg2: memref<1024x64xf32, #tpu.memory_space<vmem>>, %arg3: memref<1024x1xf32, #tpu.memory_space<vmem>>, %arg4: memref<1x64xf32, #tpu.memory_space<vmem>>, %arg5: memref<1024x64xf32, #tpu.memory_space<vmem>>) attributes {dimension_semantics = [#tpu.dimension_semantics<arbitrary>], iteration_bounds = array<i64: 10>, scalar_prefetch = 0 : i64, scratch_operands = 0 : i64, tpu.core_type = #tpu.core_type<tc>, window_params = [{transform_indices = @transform_0, window_bounds = array<i64: 2, 1024, 64>}, {transform_indices = @transform_1, window_bounds = array<i64: 1024, 64>}, {transform_indices = @transform_2, window_bounds = array<i64: 1024, 1>}, {pipeline_mode = #tpu.pipeline_mode<synchronous>, transform_indices = @transform_3, window_bounds = array<i64: 1, 64>}, {transform_indices = @transform_4, window_bounds = array<i64: 1024, 64>}]} {
    %get3A = arith.constant 0 : index
    %get3A_0 = arith.constant 0 : index
    %get3A_1 = arith.constant 0 : index
    %get3A_2 = vector.load %arg1[%get3A, %get3A_0, %get3A_1] : memref<2x1024x64xf32, #tpu.memory_space<vmem>>, vector<1x1024x64xf32>
    %get3A_3 = vector.shape_cast %get3A_2 : vector<1x1024x64xf32> to vector<1024x64xf32>
    %get3A_4 = arith.constant 1 : index
    %get3A_5 = arith.constant 0 : index
    %get3A_6 = arith.constant 0 : index
    %get3A_7 = vector.load %arg1[%get3A_4, %get3A_5, %get3A_6] : memref<2x1024x64xf32, #tpu.memory_space<vmem>>, vector<1x1024x64xf32>
    %get3A_8 = vector.shape_cast %get3A_7 : vector<1x1024x64xf32> to vector<1024x64xf32>
    %add3A = arith.addf %get3A_3, %get3A_8 : vector<1024x64xf32>
    %get3A_9 = arith.constant 0 : index
    %get3A_10 = arith.constant 0 : index
    %get3A_11 = vector.load %arg2[%get3A_9, %get3A_10] : memref<1024x64xf32, #tpu.memory_space<vmem>>, vector<1024x64xf32>
    %add3A_12 = arith.addf %add3A, %get3A_11 : vector<1024x64xf32>
    %get3A_13 = arith.constant 0 : index
    %get3A_14 = arith.constant 0 : index
    %get3A_15 = vector.load %arg3[%get3A_13, %get3A_14] : memref<1024x1xf32, #tpu.memory_space<vmem>>, vector<1024x1xf32>
    %mul3A = vector.broadcast %get3A_15 : vector<1024x1xf32> to vector<1024x64xf32>
    %mul3A_16 = arith.mulf %add3A_12, %mul3A : vector<1024x64xf32>
    %get3A_17 = arith.constant 0 : index
    %get3A_18 = arith.constant 0 : index
    %get3A_19 = vector.load %arg4[%get3A_17, %get3A_18] : memref<1x64xf32, #tpu.memory_space<vmem>>, vector<1x64xf32>
    %add3A_20 = vector.broadcast %get3A_19 : vector<1x64xf32> to vector<1024x64xf32>
    %add3A_21 = arith.addf %mul3A_16, %add3A_20 : vector<1024x64xf32>
    %iota3A = tpu.iota {dimensions = array<i32: 1>} : vector<1024x64xi32>
    %lt3A = arith.constant 40 : i32
    %lt3A_22 = vector.broadcast %lt3A : i32 to vector<1024x64xi32>
    %lt3A_23 = arith.cmpi slt, %iota3A, %lt3A_22 : vector<1024x64xi32>
    %jit3A = arith.constant 0xFF800000 : f32
    %broadcast_in_dim3A = vector.broadcast %jit3A : f32 to vector<1024x64xf32>
    %select_n3A = arith.select %lt3A_23, %add3A_21, %broadcast_in_dim3A : vector<1024x64xi1>, vector<1024x64xf32>
    %reduce_max3A = arith.constant dense<0xFF800000> : vector<1024xf32>
    %reduce_max3A_24 = vector.multi_reduction <maximumf>, %select_n3A, %reduce_max3A [1] : vector<1024x64xf32> to vector<1024xf32>
    %broadcast_in_dim3A_25 = vector.shape_cast %reduce_max3A_24 : vector<1024xf32> to vector<1024x1xf32>
    %sub3A = vector.broadcast %broadcast_in_dim3A_25 : vector<1024x1xf32> to vector<1024x64xf32>
    %sub3A_26 = arith.subf %add3A_21, %sub3A : vector<1024x64xf32>
    %exp3A = math.exp %sub3A_26 : vector<1024x64xf32>
    %jit3A_27 = arith.constant 0.000000e+00 : f32
    %broadcast_in_dim3A_28 = vector.broadcast %jit3A_27 : f32 to vector<1024x64xf32>
    %select_n3A_29 = arith.select %lt3A_23, %exp3A, %broadcast_in_dim3A_28 : vector<1024x64xi1>, vector<1024x64xf32>
    %reduce_sum3A = arith.constant dense<0.000000e+00> : vector<1024xf32>
    %reduce_sum3A_30 = vector.multi_reduction <add>, %select_n3A_29, %reduce_sum3A [1] : vector<1024x64xf32> to vector<1024xf32>
    %broadcast_in_dim3A_31 = vector.shape_cast %reduce_sum3A_30 : vector<1024xf32> to vector<1024x1xf32>
    %log3A = math.log %broadcast_in_dim3A_31 : vector<1024x1xf32>
    %sub3A_32 = vector.broadcast %broadcast_in_dim3A_25 : vector<1024x1xf32> to vector<1024x64xf32>
    %sub3A_33 = arith.subf %add3A_21, %sub3A_32 : vector<1024x64xf32>
    %sub3A_34 = vector.broadcast %log3A : vector<1024x1xf32> to vector<1024x64xf32>
    %sub3A_35 = arith.subf %sub3A_33, %sub3A_34 : vector<1024x64xf32>
    %swap3A = arith.constant 0 : index
    %swap3A_36 = arith.constant 0 : index
    %swap3A_37 = vector.load %arg5[%swap3A, %swap3A_36] : memref<1024x64xf32, #tpu.memory_space<vmem>>, vector<1024x64xf32>
    tpu.vector_store %arg5[%swap3A, %swap3A_36], %sub3A_35 {strides = array<i32>} : memref<1024x64xf32, #tpu.memory_space<vmem>>, vector<1024x64xf32>,
    return
  }
  func.func @transform_0(%arg0: i32) -> (i32, i32, i32) {
    %c0_i32 = arith.constant 0 : i32
    %c0_i32_0 = arith.constant 0 : i32
    %c0_i32_1 = arith.constant 0 : i32
    return %c0_i32, %arg0, %c0_i32_0 : i32, i32, i32
  }
  func.func @transform_1(%arg0: i32) -> (i32, i32) {
    %c0_i32 = arith.constant 0 : i32
    %c0_i32_0 = arith.constant 0 : i32
    return %arg0, %c0_i32 : i32, i32
  }
  func.func @transform_2(%arg0: i32) -> (i32, i32) {
    %c0_i32 = arith.constant 0 : i32
    %c0_i32_0 = arith.constant 0 : i32
    return %arg0, %c0_i32 : i32, i32
  }
  func.func @transform_3(%arg0: i32) -> (i32, i32) {
    %c0_i32 = arith.constant 0 : i32
    %c0_i32_0 = arith.constant 0 : i32
    %c0_i32_1 = arith.constant 0 : i32
    return %c0_i32, %c0_i32_0 : i32, i32
  }
  func.func @transform_4(%arg0: i32) -> (i32, i32) {
    %c0_i32 = arith.constant 0 : i32
    %c0_i32_0 = arith.constant 0 : i32
    return %arg0, %c0_i32 : i32, i32
  }
}

</mosaic_0001>

<sc_bundles>
// kernel: kernel.11.cloned.1.call-start
scs
__scs_entry_jumppad:
0x0: {  	(pc) =	sbr.rel $0x88, $3  }
0x1: {  	(tag) =	ssettag $0x0;
	lr =	simm.s32 $0x1  }
0x2: {  	[smem:$0x3F9B] =	sst lr;
	_ =	strace $0xD0000000  }
0x3: {  	_ = 	snop  }
0x4: {  	_ = 	snop  }
0x5: {  	_ = 	snop  }
0x6: {  	_ = 	snop  }
0x7: {  	_ = 	snop  }
__scs_overlays_trampoline_lowered:
0x8: {  	[smem:$0x3FAA] =	sst s0  }
0x9: {  	[smem:$0x3FAB] =	sst s1  }
0xa: {  	[smem:$0x3FAC] =	sst s2  }
0xb: {  	[smem:$0x3FAD] =	sst s3  }
0xc: {  	[smem:$0x3FAE] =	sst s4  }
0xd: {  	[smem:$0x3FAF] =	sst s5  }
0xe: {  	[smem:$0x3FB0] =	sst s6  }
0xf: {  	[smem:$0x3FB1] =	sst s7  }
0x10: {  	[smem:$0x3FB2] =	sst s8  }
0x11: {  	[smem:$0x3FB3] =	sst s9;
	s0 =	simm.s32 @!p0 $0x0  }
0x12: {  	s1 =	sld [smem:$0x3F99];
	s0 =	simm.s32 @p0 $0x1  }
0x13: {  	[smem:$0x3FB4] =	sst s0;
	s0 =	simm.s32 @!p1 $0x0  }
0x14: {  	s2 =	sld [smem:$0x3F98];
	s0 =	simm.s32 @p1 $0x1  }
0x15: {  	[smem:$0x3FB5] =	sst s0;
	s0 =	simm.s32 @!p2 $0x0  }
0x16: {  	s3 =	sld [smem:$0x3FDB];
	s0 =	simm.s32 @p2 $0x1  }
0x17: {  	s4 =	simm.s32 $0x1BF5;
	[smem:$0x3FB7] =	sst s0  }
0x18: {  	s0 =	sld [smem:$0x3F9A];
	_ =	swait.ge [sflag:s4], $0x0  }
0x19: {  	s7 =	sld [smem:$0x3F9B]  }
0x1a: {  	s8 =	sadd.s32 $0xFFFFE003, lr  }
0x1b: {  	s9 =	sadd.s32 $0xFFFFFEF7, lr;
	s5 =	simm.s32 $0xFFFFFFFF;
	p2 =	slt.u32 s8, $0xFFFFF086  }
0x1c: {  	p1 =	slt.u32 s9, $0xF7A;
	s5 =	simm.s32 @!p2 $0x0  }
0x1d: {  	s5 =	simm.s32 @p1 $0x1;
	p0 =	seq.s32 s7, s2  }
0x1e: {  	s7 =	smul.u32 @!p0 $0xF7A, s2;
	p2 =	seq.s32 @!p0 s5, $0x0  }
0x1f: {  	s9 =	smul.u32 $0xF7A, s1;
	s8 =	simm.s32 @!p0 $0x1BF5;
	p2 =	por !p2, p0  }
0x20: {  	[sflag:s8] =	ssyncset.s32 @!p0 $0xFFFFF086;
	s6 =	sadd.s32 @!p0 s3, s7;
	s7 =	simm.s32 @!p0 $0x108  }
0x21: {  	s3 =	sadd.s32 s3, s9;
	s6 =	sadd.s32 @!p0 $0x88, s6;
	s7 =	simm.s32 @p2 $0x1082  }
0x22: {  	[simem:s7], [sflag:s8] =	dma.local @!p0 [hbm:s6], $0xF7A  }
0x23: {  	s9 =	sor.u32 $0xD0000000, s2;
	s6 =	simm.s32 $0x108;
	_ =	swait.ge @!p0 [sflag:s8], $0x0  }
0x24: {  	s3 =	sadd.s32 $0x88, s3;
	s6 =	simm.s32 @!p1 $0x1082;
	[sflag:s4] =	ssyncset.s32 $0xFFFFF086  }
0x25: {  	[simem:s6], [sflag:s4] =	dma.local [hbm:s3], $0xF7A  }
0x26: {  	[smem:$0x3F9B] =	sst s1;
	(tag) =	ssettag s2;
	_ =	strace s9  }
0x27: {  	s1 =	sld [smem:$0x3FAB]  }
0x28: {  	s2 =	sld [smem:$0x3FAC]  }
0x29: {  	s4 =	sld [smem:$0x3FAE]  }
0x2a: {  	p0 =	seq.s32 s5, $0x0;
	s5 =	sld [smem:$0x3FAF]  }
0x2b: {  	s6 =	sld [smem:$0x3FB0]  }
0x2c: {  	s7 =	sld [smem:$0x3FB1]  }
0x2d: {  	s3 =	simm.s32 $0x108;
	s8 =	sld [smem:$0x3FB2]  }
0x2e: {  	s3 =	simm.s32 @!p0 $0x1082;
	s9 =	sld [smem:$0x3FB3]  }
0x2f: {  	lr =	sadd.s32 s0, s3;
	s0 =	sld [smem:$0x3FAA]  }
0x30: {  	s3 =	sld [smem:$0x3FAD]  }
0x31: {  	[smem:$0x3FB6] =	sst s10  }
0x32: {  	s10 =	sld [smem:$0x3FB4];
	_ =	sdelay $0x3  }
0x33: {  	p0 =	seq.s32 s10, $0x1;
	s10 =	sld [smem:$0x3FB6];
	_ =	sdelay $0x3  }
0x34: {  	[smem:$0x3FB6] =	sst s10  }
0x35: {  	s10 =	sld [smem:$0x3FB5];
	_ =	sdelay $0x3  }
0x36: {  	p1 =	seq.s32 s10, $0x1;
	s10 =	sld [smem:$0x3FB6];
	_ =	sdelay $0x3  }
0x37: {  	[smem:$0x3FB6] =	sst s10  }
0x38: {  	s10 =	sld [smem:$0x3FB7]  }
0x39: {  	_ = 	snop;
	(pc) =	sbr.ind lr, $3  }
0x3a: {  	_ = 	snop  }
0x3b: {  	_ = 	snop  }
0x3c: {  	p2 =	seq.s32 s10, $0x1;
	s10 =	sld [smem:$0x3FB6]  }
0x3d: {  	_ =	shalt  }
0x3e: {  	_ =	shalt  }
0x3f: {  	_ =	shalt  }
0x40: {  	_ =	shalt  }
0x41: {  	_ =	shalt  }
0x42: {  	_ =	shalt  }
0x43: {  	_ =	shalt  }
0x44: {  	_ =	shalt  }
0x45: {  	_ =	shalt  }
0x46: {  	_ =	shalt  }
0x47: {  	_ =	shalt  }
0x48: {  	_ =	shalt  }
0x49: {  	_ =	shalt  }
0x4a: {  	_ =	shalt  }
0x4b: {  	_ =	shalt  }
0x4c: {  	_ =	shalt  }
0x4d: {  	_ =	shalt  }
0x4e: {  	_ =	shalt  }
0x4f: {  	_ =	shalt  }
0x50: {  	_ =	shalt  }
0x51: {  	_ =	shalt  }
0x52: {  	_ =	shalt  }
0x53: {  	_ =	shalt  }
0x54: {  	_ =	shalt  }
0x55: {  	_ =	shalt  }
0x56: {  	_ =	shalt  }
0x57: {  	_ =	shalt  }
0x58: {  	_ =	shalt  }
0x59: {  	_ =	shalt  }
0x5a: {  	_ =	shalt  }
0x5b: {  	_ =	shalt  }
0x5c: {  	_ =	shalt  }
0x5d: {  	_ =	shalt  }
0x5e: {  	_ =	shalt  }
0x5f: {  	_ =	shalt  }
0x60: {  	_ =	shalt  }
0x61: {  	_ =	shalt  }
0x62: {  	_ =	shalt  }
0x63: {  	_ =	shalt  }
0x64: {  	_ =	shalt  }
0x65: {  	_ =	shalt  }
0x66: {  	_ =	shalt  }
0x67: {  	_ =	shalt  }
0x68: {  	_ =	shalt  }
0x69: {  	_ =	shalt  }
0x6a: {  	_ =	shalt  }
0x6b: {  	_ =	shalt  }
0x6c: {  	_ =	shalt  }
0x6d: {  	_ =	shalt  }
0x6e: {  	_ =	shalt  }
0x6f: {  	_ =	shalt  }
0x70: {  	_ =	shalt  }
0x71: {  	_ =	shalt  }
0x72: {  	_ =	shalt  }
0x73: {  	_ =	shalt  }
0x74: {  	_ =	shalt  }
0x75: {  	_ =	shalt  }
0x76: {  	_ =	shalt  }
0x77: {  	_ =	shalt  }
0x78: {  	_ =	shalt  }
0x79: {  	_ =	shalt  }
0x7a: {  	_ =	shalt  }
0x7b: {  	_ =	shalt  }
0x7c: {  	_ =	shalt  }
0x7d: {  	_ =	shalt  }
0x7e: {  	_ =	shalt  }
0x7f: {  	_ =	shalt  }
0x80: {  	_ =	shalt  }
0x81: {  	_ =	shalt  }
0x82: {  	_ =	shalt  }
0x83: {  	_ =	shalt  }
0x84: {  	_ =	shalt  }
0x85: {  	_ =	shalt  }
0x86: {  	_ =	shalt  }
0x87: {  	_ =	shalt  }
.Lfunc_end0:
.L_simem_size_0:
called_computation.1_lowered:
.L_overlay_start_0:
0x88: {  	s2 =	sld [smem:$0x3FD9]  }
0x89: {  	s3 =	sld [smem:$0x3FFE];
	_ =	sdelay $0x1  }
0x8a: {  	s1 =	srdreg.scid  }
0x8b: {  	s0 =	sand.u32 $0x1, s1  }
0x8c: {  	s16 =	sshll.u32 s0, $0xA;
	s2 =	sadd.s32 s3, s2  }
0x8d: {  	s2 =	sadd.s32 s2, s16  }
0x8e: {  	[smem:$0x3FC2] =	sst s2  }
0x8f: {  	_ = 	snop  }
0x90: {  	(tm) =	ssettm $0x1  }
0x91: {  	s17 =	sld [smem:$0x3FFB];
	_ =	sdelay $0x3  }
0x92: {  	_ =	strace s17  }
0x93: {  	s2 =	sld [smem:$0x3FFC];
	_ =	sdelay $0x3  }
0x94: {  	_ =	strace s2  }
0x95: {  	s2 =	sld [smem:$0x3FFD];
	_ =	sdelay $0x3  }
0x96: {  	_ =	strace s2  }
0x97: {  	_ =	strace $0x8FFFFFFF  }
0x98: {  	s18 =	sld [smem:$0x3FDB];
	_ =	sdelay $0x1  }
0x99: {  	s19 =	simm.s32 $_scs_section_size  }
0x9a: {  	s4 =	simm.s32 $_size__tile_overlayer_lowered;
	s5 =	simm.s32 $_tile_overlayer_lowered  }
0x9b: {  	s22 =	simm.s32 $0x1BFF;
	s21 =	sshll.u32 s5, $0x1;
	s2 =	sadd.s32 s19, s18  }
0x9c: {  	s6 =	simm.s32 $0x0;
	s20 =	sshll.u32 s4, $0x1;
	s4 =	sadd.s32 s21, s2  }
0x9d: {  	[timem:s6], [sflag:s22] =	dma.local [hbm:s4], s20  }
0x9e: {  	_ =	swait.ge [sflag:s22], s20  }
0x9f: {  	s3 =	ssub.s32 $0x0, s20;
	[sflag:s22] =	ssyncset.done $0x0  }
0xa0: {  	[sflag:s22] =	ssyncadd.s32 s3;
	_ =	sdelay $0x1  }
0xa1: {  	s23 =	simm.s32 $0x1B8B  }
0xa2: {  	_ =	swait.ge [sflag:s23], $0x1  }
0xa3: {  	[sflag:s23] =	ssyncset.done $0x0  }
0xa4: {  	s25 =	simm.s32 $0x1B8E;
	s24 =	sld [smem:$0x3FFE];
	[sflag:s23] =	ssyncadd.s32 $0xFFFFFFFF  }
0xa5: {  	s26 =	simm.s32 $execute0_lowered;
	[smem:$0x3FD2] =	sst s25  }
0xa6: {  	s4 =	sshll.u32 s26, $0x1;
	_ =	strace $0x80000049;
	[dreg:$0x1] =	wrdreg $0xFFFFFFFF  }
0xa7: {  	s28 =	simm.s32 $_size_execute0_lowered;
	s2 =	sadd.s32 s2, s4;
	[dreg:$0x0] =	wrdreg $0x0  }
0xa8: {  	s4 =	sshll.u32 s28, $0x1;
	[dreg:$0x2] =	wrdreg s2  }
0xa9: {  	[dreg:$0x3] =	wrdreg s4  }
0xaa: {  	[dreg:$0x4] =	wrdreg $0xC0  }
0xab: {  	_ =	task [dreg:s6], $0x5FFFF  }
0xac: {  	[dreg:$0x1] =	wrdreg $0xFFFFFFFF  }
0xad: {  	[dreg:$0x0] =	wrdreg $0x60  }
0xae: {  	[dreg:$0x2] =	wrdreg s24  }
0xaf: {  	[dreg:$0x3] =	wrdreg $0xA0000  }
0xb0: {  	[dreg:$0x4] =	wrdreg $0x9  }
0xb1: {  	_ =	task.clear_ibuf [dreg:s6], $0x5FFFF;
	_ =	strace $0x90000049  }
0xb2: {  	s29 =	simm.s32 $0x9;
	_ =	strace $0x8000004B  }
0xb3: {  	_ =	swait.ge [sflag:s29], $0x1  }
0xb4: {  	[sflag:s29] =	ssyncadd.s32 $0xFFFFFFFF  }
0xb5: {  	_ =	strace $0x9000004B  }
0xb6: {  	_ =	sfence  }
0xb7: {  	s30 =	sld [smem:$0x0];
	_ =	sdelay $0x2  }
0xb8: {  	s31 =	sshll.u32 s1, $0xD;
	s1 =	sshrl.u32 s1, $0x2  }
0xb9: {  	s3 =	sand.u32 $0x4000, s31;
	s1 =	sadd.s32 s1, s30  }
0xba: {  	s0 =	sor.u32 s3, s0;
	s1 =	sshll.u32 s1, $0x11  }
0xbb: {  	s0 =	sor.u32 s1, s0  }
0xbc: {  	s0 =	sadd.s32 $0x8F2B, s0  }
0xbd: {  	[sflag:s0] =	ssyncadd.remote.s32 $0x1  }
0xbe: {  	_ =	sfence.sel $0xFFFF  }
0xbf: {  	[dreg:$0x0] =	wrdreg $0xFFFFFFFF;
	(pc) =	sbr.abs _section_cstart, $3  }
0xc0: {  	[dreg:$0x1] =	wrdreg $0xFFFFFFFF  }
0xc1: {  	_ =	task.clear_ibuf [dreg:s6], $0x2FFFF;
	_ =	strace $0x9FFFFFFF  }
0xc2: {  	(tm) =	ssettm $0x7FFFFFFF  }
0xc3: {  	_ =	shalt  }
tec
execute0_lowered:
.L_overlay_start_1:
0x0: {  	(tag) =	ssettag $0x1  }
0x1: {  	s0 =	rddreg [dreg:$0x0]  }
0x2: {  	s2 =	rddreg [dreg:$0x1];
	s1 =	srdreg.scid  }
0x3: {  	s9 =	stileid.u32;
	s3 =	simm.s32 $0x0;
	s14 =	simm.s32 $0x2000  }
0x4: {  	s22 =	simm.s32 $0x2;
	s29 =	simm.s32 $0x1780;
	s30 =	simm.s32 $0x1900  }
0x5: {  	s31 =	simm.s32 $0x1880;
	s10 =	simm.s32 $0x1C00;
	s11 =	simm.s32 $0x1B80  }
0x6: {  	s12 =	simm.s32 $0x1D00;
	s13 =	simm.s32 $0x1C80;
	s5 =	smul.u32 $0xA00, s9  }
0x7: {  	s15 =	simm.s32 $0x1E80;
	s1 =	sand.u32 $0x1, s1;
	s7 =	smul.u32 $0x14000, s9  }
0x8: {  	[smem:$0x7FF] =	sst s3;
	s4 =	sadd.s32 $0x20400, s0;
	s17 =	smul.u32 $0x50000, s9  }
0x9: {  	s9 =	simm.s32 $0x1A80;
	s6 =	smul.u32 $0x140000, s1;
	_ =	strace $0x8000004A  }
0xa: {  	p0 =	seq.s32 s1, $0x0;
	s1 =	ssub.s32 $0x2, s1;
	s8 =	sadd.s32 $0xA000, s5  }
0xb: {  	s18 =	sshrl.u32 s1, $0x1;
	s21 =	sadd.s32 s7, s2;
	s8 =	smov.u32 @p0 s5  }
0xc: {  	s16 =	sadd.s32 s7, s6;
	s6 =	sshrl.u32 s17, $0x2;
	s1 =	ssub.s32 s1, s18  }
0xd: {  	s17 =	simm.s32 $0x80;
	s7 =	simm.s32 $0x1B00;
	s18 =	simm.s32 $0x1F00  }
0xe: {  	s8 =	sadd.s32 s8, s0;
	s5 =	sshrl.u32 s16, $0x3;
	s1 =	smax.u32 s1, $0x1  }
0xf: {  	s20 =	sadd.s32 s6, s2;
	s16 =	simm.s32 $0x3;
	[dreg:$0x6] =	wrdreg s1  }
0x10: {  	s6 =	simm.s32 $0x1D80;
	s19 =	sadd.s32 $0xC400, s8;
	[dreg:$0x4] =	wrdreg s20  }
0x11: {  	s0 =	sadd.s32 s5, s0;
	s23 =	sadd.s32 $0x4000, s20;
	[dreg:$0x3] =	wrdreg s19  }
0x12: {  	s24 =	sadd.s32 $0x8000, s20;
	s25 =	sadd.s32 $0xC000, s20;
	[dreg:$0x7] =	wrdreg s23  }
0x13: {  	s26 =	sadd.s32 $0x10000, s20;
	s28 =	sadd.s32 $0xC600, s8;
	[dreg:$0x8] =	wrdreg s24  }
0x14: {  	s20 =	simm.s32 $0x1;
	s8 =	simm.s32 $0x6;
	[dreg:$0x9] =	wrdreg s25  }
.Ltmp0:
0x15: {  	s1 =	simm.s32 $0x1A00;
	[dreg:$0xa] =	wrdreg s26;
	(pc) =	sbr.rel .LBB2_1-.Ltmp0, $4  }
0x16: {  	s5 =	simm.s32 $0x1980;
	s0 =	sadd.s32 $0x48400, s0;
	[dreg:$0xb] =	wrdreg s28  }
0x17: {  	s26 =	simm.s32 $0x5;
	s19 =	simm.s32 $0x6000;
	s25 =	simm.s32 $0x1E00  }
0x18: {  	s24 =	simm.s32 $0x0;
	[dreg:$0x5] =	wrdreg s0;
	s0 =	sshrl.u32 s21, $0x3  }
0x19: {  	v0 =	vimm.f32 $0.0e+00;
	s21 =	simm.s32 $0x1F80;
	[dreg:$0xc] =	wrdreg s0;
	s0 =	simm.s32 $0x4  }
.LBB2_8:
0x1a: {  	s23 =	stileid.u32;
	[bflag:$0x0] =	sbarrier.arrive $0xFFFF  }
0x1b: {  	s23 =	sshll.u32 s23, $0x6;
	s24 =	rddreg [dreg:$0x5]  }
0x1c: {  	s26 =	rddreg [dreg:$0xc];
	s23 =	sor.u32 $0x1C05, s23  }
0x1d: {  	[hbm:s24], [sflag:s23] =	dma.local [spmem:s26], $0x2800  }
0x1e: {  	s26 =	simm.s32 $0x5  }
0x1f: {  	_ =	swait.ge [sflag:s26], $0x2800  }
0x20: {  	s23 =	rddreg [dreg:$0xd]  }
0x21: {  	s28 =	rddreg [dreg:$0x6];
	s24 =	sadd.s32 $0x1, s23  }
0x22: {  	p0 =	sne.s32 s24, s28  }
.Ltmp1:
0x23: {  	_ = 	snop;
	(pc) =	sbr.rel @!p0 .LBB2_9-.Ltmp1, $3  }
0x24: {  	_ =	sdelay $0x1  }
0x25: {  	[sflag:s26] =	ssyncset.done $0x0  }
0x26: {  	[sflag:s26] =	ssyncadd.s32 $0xFFFFD800  }
.LBB2_1:
0x27: {  	s23 =	rddreg [dreg:$0x3]  }
0x28: {  	[tilespmem:s3], [sflag:$0x3] =	stream.linear.gather [hbm4b:s23+s3], $0x1000, $0x38;
	[tilespmem:$0x1E000] =	vst v63  }
0x29: {  	[dreg:$0xd] =	wrdreg s24;
	s24 =	simm.s32 $0x200;
	s23 =	simm.s32 $0x0  }
.LBB2_2:
0x2a: {  	p0 =	sne.s32 s24, $0xFE00;
	[tilespmem:s23+$0x2070] =	vst v0  }
0x2b: {  	[tilespmem:s23+$0x2000] =	vst v0  }
0x2c: {  	[tilespmem:s23+$0x2010] =	vst v0  }
.Ltmp2:
0x2d: {  	[tilespmem:s23+$0x2020] =	vst v0;
	(pc) =	sbr.rel @p0 .LBB2_2-.Ltmp2, $4  }
0x2e: {  	[tilespmem:s23+$0x2030] =	vst v0  }
0x2f: {  	[tilespmem:s23+$0x2040] =	vst v0  }
0x30: {  	[tilespmem:s23+$0x2050] =	vst v0  }
0x31: {  	[tilespmem:s23+$0x2060] =	vst v0;
	s23 =	sshra.s32 s24, $0x2;
	s24 =	sadd.s32 $0x200, s24  }
0x32: {  	[tilespmem:s23+$0x2070] =	vst v0  }
0x33: {  	[tilespmem:s23+$0x2000] =	vst v0  }
0x34: {  	[tilespmem:s23+$0x2010] =	vst v0  }
0x35: {  	[tilespmem:s23+$0x2020] =	vst v0  }
0x36: {  	[tilespmem:s23+$0x2030] =	vst v0  }
0x37: {  	[tilespmem:s23+$0x2040] =	vst v0  }
0x38: {  	[tilespmem:s23+$0x2050] =	vst v0  }
0x39: {  	[tilespmem:s23+$0x2060] =	vst v0;
	s28 =	rddreg [dreg:$0x4]  }
0x3a: {  	[spmem:s28] =	stream.linear.scatter [tilespmem:s14], [sflag:$0x5], $0x4000, $0x38;
	[tilespmem:$0x1E000] =	vst v63  }
0x3b: {  	_ =	swait.ge [sflag:s26], $0x4000  }
0x3c: {  	[sflag:s26] =	ssyncset.done $0x0  }
0x3d: {  	s24 =	rddreg [dreg:$0x7];
	[sflag:s26] =	ssyncadd.s32 $0xFFFFC000  }
0x3e: {  	[spmem:s24] =	stream.linear.scatter [tilespmem:s14], [sflag:$0x5], $0x4000, $0x38;
	[tilespmem:$0x1E000] =	vst v63  }
0x3f: {  	_ =	swait.ge [sflag:s26], $0x4000  }
0x40: {  	[sflag:s26] =	ssyncset.done $0x0  }
0x41: {  	s28 =	rddreg [dreg:$0x8];
	[sflag:s26] =	ssyncadd.s32 $0xFFFFC000  }
0x42: {  	[spmem:s28] =	stream.linear.scatter [tilespmem:s14], [sflag:$0x5], $0x4000, $0x38;
	[tilespmem:$0x1E000] =	vst v63  }
0x43: {  	_ =	swait.ge [sflag:s26], $0x4000  }
0x44: {  	[sflag:s26] =	ssyncset.done $0x0  }
0x45: {  	s24 =	rddreg [dreg:$0x9];
	[sflag:s26] =	ssyncadd.s32 $0xFFFFC000  }
0x46: {  	[spmem:s24] =	stream.linear.scatter [tilespmem:s14], [sflag:$0x5], $0x4000, $0x38;
	[tilespmem:$0x1E000] =	vst v63  }
0x47: {  	_ =	swait.ge [sflag:s26], $0x4000  }
0x48: {  	[sflag:s26] =	ssyncset.done $0x0  }
0x49: {  	s28 =	rddreg [dreg:$0xa];
	[sflag:s26] =	ssyncadd.s32 $0xFFFFC000  }
0x4a: {  	[spmem:s28] =	stream.linear.scatter [tilespmem:s14], [sflag:$0x5], $0x4000, $0x38;
	[tilespmem:$0x1E000] =	vst v63  }
.Ltmp3:
0x4b: {  	_ =	swait.ge [sflag:s26], $0x4000;
	(pc) =	sbr.rel .LBB2_4-.Ltmp3, $4  }
0x4c: {  	[sflag:s26] =	ssyncset.done $0x0  }
0x4d: {  	[sflag:s26] =	ssyncadd.s32 $0xFFFFC000  }
0x4e: {  	[bflag:$0x0] =	sbarrier.arrive $0xFFFF  }
0x4f: {  	s23 =	simm.s32 $0x1;
	s24 =	rddreg [dreg:$0xb]  }
.LBB2_6:
0x50: {  	p0 =	sgt.u32 s23, $0x4  }
0x51: {  	s26 =	simm.s32 @!p0 $0x0;
	s28 =	simm.s32 @!p0 $0x1000  }
0x52: {  	[tilespmem:s28], [sflag:$0x4] =	stream.linear.gather @!p0 [hbm4b:s24+s26], $0x1000, $0x38;
	[tilespmem:$0x1E000] =	vst v63  }
0x53: {  	_ =	swait.ge [sflag:s16], $0x1000  }
0x54: {  	[sflag:s16] =	ssyncset.done $0x0  }
0x55: {  	[sflag:s16] =	ssyncadd.s32 $0xFFFFF000  }
0x56: {  	[tilespmem:s14], [sflag:$0x1] =	stream.indirect.gather [hbm4b:s4+s17], $0x80, s3, s17, $0xb8;
	[tilespmem:$0x1E000] =	vst v63  }
0x57: {  	s28 =	simm.s32 $0x100  }
0x58: {  	[tilespmem:s19], [sflag:$0x2] =	stream.indirect.gather [hbm4b:s4+s17], $0x80, s28, s17, $0xb8;
	[tilespmem:$0x1E000] =	vst v63  }
0x59: {  	_ =	swait.ge [sflag:s20], $0x4000  }
0x5a: {  	[sflag:s20] =	ssyncset.done $0x0  }
0x5b: {  	s26 =	simm.s32 $0x6;
	[sflag:s20] =	ssyncadd.s32 $0xFFFFC000  }
0x5c: {  	[spmem:s2] =	stream.indirect.scatter.add.f32 [tilespmem:s14], [sflag:$0x6], $0x80, s17, s17, $0xb8;
	[tilespmem:$0x1E000] =	vst v63  }
0x5d: {  	_ =	swait.ge [sflag:s26], $0x4000  }
0x5e: {  	[sflag:s26] =	ssyncset.done $0x0  }
0x5f: {  	s28 =	simm.s32 $0x200;
	[sflag:s26] =	ssyncadd.s32 $0xFFFFC000  }
0x60: {  	[tilespmem:s14], [sflag:$0x1] =	stream.indirect.gather [hbm4b:s4+s17], $0x80, s28, s17, $0xb8;
	[tilespmem:$0x1E000] =	vst v63  }
0x61: {  	_ =	swait.ge [sflag:s22], $0x4000  }
0x62: {  	[sflag:s22] =	ssyncset.done $0x0  }
0x63: {  	s28 =	simm.s32 $0x180;
	[sflag:s22] =	ssyncadd.s32 $0xFFFFC000  }
0x64: {  	[spmem:s2] =	stream.indirect.scatter.add.f32 [tilespmem:s19], [sflag:$0x6], $0x80, s28, s17, $0xb8;
	[tilespmem:$0x1E000] =	vst v63  }
0x65: {  	_ =	swait.ge [sflag:s26], $0x4000  }
0x66: {  	[sflag:s26] =	ssyncset.done $0x0  }
0x67: {  	s28 =	simm.s32 $0x300;
	[sflag:s26] =	ssyncadd.s32 $0xFFFFC000  }
0x68: {  	[tilespmem:s19], [sflag:$0x2] =	stream.indirect.gather [hbm4b:s4+s17], $0x80, s28, s17, $0xb8;
	[tilespmem:$0x1E000] =	vst v63  }
0x69: {  	_ =	swait.ge [sflag:s20], $0x4000  }
0x6a: {  	[sflag:s20] =	ssyncset.done $0x0  }
0x6b: {  	s28 =	simm.s32 $0x280;
	[sflag:s20] =	ssyncadd.s32 $0xFFFFC000  }
0x6c: {  	[spmem:s2] =	stream.indirect.scatter.add.f32 [tilespmem:s14], [sflag:$0x6], $0x80, s28, s17, $0xb8;
	[tilespmem:$0x1E000] =	vst v63  }
0x6d: {  	_ =	swait.ge [sflag:s26], $0x4000  }
0x6e: {  	[sflag:s26] =	ssyncset.done $0x0  }
0x6f: {  	s28 =	simm.s32 $0x400;
	[sflag:s26] =	ssyncadd.s32 $0xFFFFC000  }
0x70: {  	[tilespmem:s14], [sflag:$0x1] =	stream.indirect.gather [hbm4b:s4+s17], $0x80, s28, s17, $0xb8;
	[tilespmem:$0x1E000] =	vst v63  }
0x71: {  	_ =	swait.ge [sflag:s22], $0x4000  }
0x72: {  	[sflag:s22] =	ssyncset.done $0x0  }
0x73: {  	s28 =	simm.s32 $0x380;
	[sflag:s22] =	ssyncadd.s32 $0xFFFFC000  }
0x74: {  	[spmem:s2] =	stream.indirect.scatter.add.f32 [tilespmem:s19], [sflag:$0x6], $0x80, s28, s17, $0xb8;
	[tilespmem:$0x1E000] =	vst v63  }
0x75: {  	_ =	swait.ge [sflag:s26], $0x4000  }
0x76: {  	[sflag:s26] =	ssyncset.done $0x0  }
0x77: {  	s28 =	simm.s32 $0x500;
	[sflag:s26] =	ssyncadd.s32 $0xFFFFC000  }
0x78: {  	[tilespmem:s19], [sflag:$0x2] =	stream.indirect.gather [hbm4b:s4+s17], $0x80, s28, s17, $0xb8;
	[tilespmem:$0x1E000] =	vst v63  }
0x79: {  	_ =	swait.ge [sflag:s20], $0x4000  }
0x7a: {  	[sflag:s20] =	ssyncset.done $0x0  }
0x7b: {  	s28 =	simm.s32 $0x480;
	[sflag:s20] =	ssyncadd.s32 $0xFFFFC000  }
0x7c: {  	[spmem:s2] =	stream.indirect.scatter.add.f32 [tilespmem:s14], [sflag:$0x6], $0x80, s28, s17, $0xb8;
	[tilespmem:$0x1E000] =	vst v63  }
0x7d: {  	_ =	swait.ge [sflag:s26], $0x4000  }
0x7e: {  	[sflag:s26] =	ssyncset.done $0x0  }
0x7f: {  	s28 =	simm.s32 $0x600;
	[sflag:s26] =	ssyncadd.s32 $0xFFFFC000  }
0x80: {  	[tilespmem:s14], [sflag:$0x1] =	stream.indirect.gather [hbm4b:s4+s17], $0x80, s28, s17, $0xb8;
	[tilespmem:$0x1E000] =	vst v63  }
0x81: {  	_ =	swait.ge [sflag:s22], $0x4000  }
0x82: {  	[sflag:s22] =	ssyncset.done $0x0  }
0x83: {  	s28 =	simm.s32 $0x580;
	[sflag:s22] =	ssyncadd.s32 $0xFFFFC000  }
0x84: {  	[spmem:s2] =	stream.indirect.scatter.add.f32 [tilespmem:s19], [sflag:$0x6], $0x80, s28, s17, $0xb8;
	[tilespmem:$0x1E000] =	vst v63  }
0x85: {  	_ =	swait.ge [sflag:s26], $0x4000  }
0x86: {  	[sflag:s26] =	ssyncset.done $0x0  }
0x87: {  	s28 =	simm.s32 $0x700;
	[sflag:s26] =	ssyncadd.s32 $0xFFFFC000  }
0x88: {  	[tilespmem:s19], [sflag:$0x2] =	stream.indirect.gather [hbm4b:s4+s17], $0x80, s28, s17, $0xb8;
	[tilespmem:$0x1E000] =	vst v63  }
0x89: {  	_ =	swait.ge [sflag:s20], $0x4000  }
0x8a: {  	[sflag:s20] =	ssyncset.done $0x0  }
0x8b: {  	s28 =	simm.s32 $0x680;
	[sflag:s20] =	ssyncadd.s32 $0xFFFFC000  }
0x8c: {  	[spmem:s2] =	stream.indirect.scatter.add.f32 [tilespmem:s14], [sflag:$0x6], $0x80, s28, s17, $0xb8;
	[tilespmem:$0x1E000] =	vst v63  }
0x8d: {  	_ =	swait.ge [sflag:s26], $0x4000  }
0x8e: {  	[sflag:s26] =	ssyncset.done $0x0  }
0x8f: {  	s28 =	simm.s32 $0x800;
	[sflag:s26] =	ssyncadd.s32 $0xFFFFC000  }
0x90: {  	[tilespmem:s14], [sflag:$0x1] =	stream.indirect.gather [hbm4b:s4+s17], $0x80, s28, s17, $0xb8;
	[tilespmem:$0x1E000] =	vst v63  }
0x91: {  	_ =	swait.ge [sflag:s22], $0x4000  }
0x92: {  	[sflag:s22] =	ssyncset.done $0x0  }
0x93: {  	s28 =	simm.s32 $0x780;
	[sflag:s22] =	ssyncadd.s32 $0xFFFFC000  }
0x94: {  	[spmem:s2] =	stream.indirect.scatter.add.f32 [tilespmem:s19], [sflag:$0x6], $0x80, s28, s17, $0xb8;
	[tilespmem:$0x1E000] =	vst v63  }
0x95: {  	_ =	swait.ge [sflag:s26], $0x4000  }
0x96: {  	[sflag:s26] =	ssyncset.done $0x0  }
0x97: {  	s28 =	simm.s32 $0x900;
	[sflag:s26] =	ssyncadd.s32 $0xFFFFC000  }
0x98: {  	[tilespmem:s19], [sflag:$0x2] =	stream.indirect.gather [hbm4b:s4+s17], $0x80, s28, s17, $0xb8;
	[tilespmem:$0x1E000] =	vst v63  }
0x99: {  	_ =	swait.ge [sflag:s20], $0x4000  }
0x9a: {  	[sflag:s20] =	ssyncset.done $0x0  }
0x9b: {  	s28 =	simm.s32 $0x880;
	[sflag:s20] =	ssyncadd.s32 $0xFFFFC000  }
0x9c: {  	[spmem:s2] =	stream.indirect.scatter.add.f32 [tilespmem:s14], [sflag:$0x6], $0x80, s28, s17, $0xb8;
	[tilespmem:$0x1E000] =	vst v63  }
0x9d: {  	_ =	swait.ge [sflag:s26], $0x4000  }
0x9e: {  	[sflag:s26] =	ssyncset.done $0x0  }
0x9f: {  	s28 =	simm.s32 $0xA00;
	[sflag:s26] =	ssyncadd.s32 $0xFFFFC000  }
0xa0: {  	[tilespmem:s14], [sflag:$0x1] =	stream.indirect.gather [hbm4b:s4+s17], $0x80, s28, s17, $0xb8;
	[tilespmem:$0x1E000] =	vst v63  }
0xa1: {  	_ =	swait.ge [sflag:s22], $0x4000  }
0xa2: {  	[sflag:s22] =	ssyncset.done $0x0  }
0xa3: {  	s28 =	simm.s32 $0x980;
	[sflag:s22] =	ssyncadd.s32 $0xFFFFC000  }
0xa4: {  	[spmem:s2] =	stream.indirect.scatter.add.f32 [tilespmem:s19], [sflag:$0x6], $0x80, s28, s17, $0xb8;
	[tilespmem:$0x1E000] =	vst v63  }
0xa5: {  	_ =	swait.ge [sflag:s26], $0x4000  }
0xa6: {  	[sflag:s26] =	ssyncset.done $0x0  }
0xa7: {  	s28 =	simm.s32 $0xB00;
	[sflag:s26] =	ssyncadd.s32 $0xFFFFC000  }
0xa8: {  	[tilespmem:s19], [sflag:$0x2] =	stream.indirect.gather [hbm4b:s4+s17], $0x80, s28, s17, $0xb8;
	[tilespmem:$0x1E000] =	vst v63  }
0xa9: {  	_ =	swait.ge [sflag:s20], $0x4000  }
0xaa: {  	[sflag:s20] =	ssyncset.done $0x0  }
0xab: {  	s28 =	simm.s32 $0xA80;
	[sflag:s20] =	ssyncadd.s32 $0xFFFFC000  }
0xac: {  	[spmem:s2] =	stream.indirect.scatter.add.f32 [tilespmem:s14], [sflag:$0x6], $0x80, s28, s17, $0xb8;
	[tilespmem:$0x1E000] =	vst v63  }
0xad: {  	_ =	swait.ge [sflag:s26], $0x4000  }
0xae: {  	[sflag:s26] =	ssyncset.done $0x0  }
0xaf: {  	s28 =	simm.s32 $0xC00;
	[sflag:s26] =	ssyncadd.s32 $0xFFFFC000  }
0xb0: {  	[tilespmem:s14], [sflag:$0x1] =	stream.indirect.gather [hbm4b:s4+s17], $0x80, s28, s17, $0xb8;
	[tilespmem:$0x1E000] =	vst v63  }
0xb1: {  	_ =	swait.ge [sflag:s22], $0x4000  }
0xb2: {  	[sflag:s22] =	ssyncset.done $0x0  }
0xb3: {  	s28 =	simm.s32 $0xB80;
	[sflag:s22] =	ssyncadd.s32 $0xFFFFC000  }
0xb4: {  	[spmem:s2] =	stream.indirect.scatter.add.f32 [tilespmem:s19], [sflag:$0x6], $0x80, s28, s17, $0xb8;
	[tilespmem:$0x1E000] =	vst v63  }
0xb5: {  	_ =	swait.ge [sflag:s26], $0x4000  }
0xb6: {  	[sflag:s26] =	ssyncset.done $0x0  }
0xb7: {  	s28 =	simm.s32 $0xD00;
	[sflag:s26] =	ssyncadd.s32 $0xFFFFC000  }
0xb8: {  	[tilespmem:s19], [sflag:$0x2] =	stream.indirect.gather [hbm4b:s4+s17], $0x80, s28, s17, $0xb8;
	[tilespmem:$0x1E000] =	vst v63  }
0xb9: {  	_ =	swait.ge [sflag:s20], $0x4000  }
0xba: {  	[sflag:s20] =	ssyncset.done $0x0  }
0xbb: {  	s28 =	simm.s32 $0xC80;
	[sflag:s20] =	ssyncadd.s32 $0xFFFFC000  }
0xbc: {  	[spmem:s2] =	stream.indirect.scatter.add.f32 [tilespmem:s14], [sflag:$0x6], $0x80, s28, s17, $0xb8;
	[tilespmem:$0x1E000] =	vst v63  }
0xbd: {  	_ =	swait.ge [sflag:s26], $0x4000  }
0xbe: {  	[sflag:s26] =	ssyncset.done $0x0  }
0xbf: {  	s28 =	simm.s32 $0xE00;
	[sflag:s26] =	ssyncadd.s32 $0xFFFFC000  }
0xc0: {  	[tilespmem:s14], [sflag:$0x1] =	stream.indirect.gather [hbm4b:s4+s17], $0x80, s28, s17, $0xb8;
	[tilespmem:$0x1E000] =	vst v63  }
0xc1: {  	_ =	swait.ge [sflag:s22], $0x4000  }
0xc2: {  	[sflag:s22] =	ssyncset.done $0x0  }
0xc3: {  	s28 =	simm.s32 $0xD80;
	[sflag:s22] =	ssyncadd.s32 $0xFFFFC000  }
0xc4: {  	[spmem:s2] =	stream.indirect.scatter.add.f32 [tilespmem:s19], [sflag:$0x6], $0x80, s28, s17, $0xb8;
	[tilespmem:$0x1E000] =	vst v63  }
0xc5: {  	_ =	swait.ge [sflag:s26], $0x4000  }
0xc6: {  	[sflag:s26] =	ssyncset.done $0x0  }
0xc7: {  	s28 =	simm.s32 $0xF00;
	[sflag:s26] =	ssyncadd.s32 $0xFFFFC000  }
0xc8: {  	[tilespmem:s19], [sflag:$0x2] =	stream.indirect.gather [hbm4b:s4+s17], $0x80, s28, s17, $0xb8;
	[tilespmem:$0x1E000] =	vst v63  }
0xc9: {  	_ =	swait.ge [sflag:s20], $0x4000  }
0xca: {  	[sflag:s20] =	ssyncset.done $0x0  }
0xcb: {  	s28 =	simm.s32 $0xE80;
	[sflag:s20] =	ssyncadd.s32 $0xFFFFC000  }
0xcc: {  	[spmem:s2] =	stream.indirect.scatter.add.f32 [tilespmem:s14], [sflag:$0x6], $0x80, s28, s17, $0xb8;
	[tilespmem:$0x1E000] =	vst v63  }
0xcd: {  	_ =	swait.ge [sflag:s26], $0x4000  }
0xce: {  	[sflag:s26] =	ssyncset.done $0x0  }
0xcf: {  	[sflag:s26] =	ssyncadd.s32 $0xFFFFC000  }
0xd0: {  	_ =	swait.ge [sflag:s22], $0x4000  }
0xd1: {  	[sflag:s22] =	ssyncset.done $0x0  }
0xd2: {  	s28 =	simm.s32 $0xF80;
	[sflag:s22] =	ssyncadd.s32 $0xFFFFC000  }
0xd3: {  	[spmem:s2] =	stream.indirect.scatter.add.f32 [tilespmem:s19], [sflag:$0x6], $0x80, s28, s17, $0xb8;
	[tilespmem:$0x1E000] =	vst v63  }
.LBB2_7:
0xd4: {  	s23 =	sadd.s32 $0x1, s23  }
0xd5: {  	p0 =	sne.s32 s23, $0x6  }
.Ltmp4:
0xd6: {  	_ = 	snop;
	(pc) =	sbr.rel @!p0 .LBB2_8-.Ltmp4, $4  }
0xd7: {  	_ = 	snop  }
0xd8: {  	_ =	swait.ge [sflag:s26], $0x4000  }
0xd9: {  	[sflag:s26] =	ssyncset.done $0x0  }
0xda: {  	s24 =	sadd.s32 $0x200, s24;
	[sflag:s26] =	ssyncadd.s32 $0xFFFFC000  }
.LBB2_4:
0xdb: {  	s26 =	sand.u32 $0x1, s23  }
0xdc: {  	p0 =	seq.s32 s26, $0x1  }
.Ltmp5:
0xdd: {  	_ = 	snop;
	(pc) =	sbr.rel @p0 .LBB2_6-.Ltmp5, $1  }
0xde: {  	_ =	sdelay $0x3  }
0xdf: {  	[tilespmem:s3], [sflag:$0x3] =	stream.linear.gather [hbm4b:s24+s3], $0x1000, $0x38;
	[tilespmem:$0x1E000] =	vst v63  }
0xe0: {  	_ =	swait.ge [sflag:s0], $0x1000  }
0xe1: {  	[sflag:s0] =	ssyncset.done $0x0  }
0xe2: {  	s26 =	simm.s32 $0x1000;
	[sflag:s0] =	ssyncadd.s32 $0xFFFFF000  }
0xe3: {  	[tilespmem:s14], [sflag:$0x1] =	stream.indirect.gather [hbm4b:s4+s17], $0x80, s26, s17, $0xb8;
	[tilespmem:$0x1E000] =	vst v63  }
0xe4: {  	s28 =	simm.s32 $0x1100  }
0xe5: {  	[tilespmem:s19], [sflag:$0x2] =	stream.indirect.gather [hbm4b:s4+s17], $0x80, s28, s17, $0xb8;
	[tilespmem:$0x1E000] =	vst v63  }
0xe6: {  	_ =	swait.ge [sflag:s20], $0x4000  }
0xe7: {  	[sflag:s20] =	ssyncset.done $0x0  }
0xe8: {  	s28 =	simm.s32 $0x1080;
	[sflag:s20] =	ssyncadd.s32 $0xFFFFC000  }
0xe9: {  	[spmem:s2] =	stream.indirect.scatter.add.f32 [tilespmem:s14], [sflag:$0x6], $0x80, s28, s17, $0xb8;
	[tilespmem:$0x1E000] =	vst v63  }
0xea: {  	_ =	swait.ge [sflag:s8], $0x4000  }
0xeb: {  	[sflag:s8] =	ssyncset.done $0x0  }
0xec: {  	s28 =	simm.s32 $0x1200;
	[sflag:s8] =	ssyncadd.s32 $0xFFFFC000  }
0xed: {  	[tilespmem:s14], [sflag:$0x1] =	stream.indirect.gather [hbm4b:s4+s17], $0x80, s28, s17, $0xb8;
	[tilespmem:$0x1E000] =	vst v63  }
0xee: {  	_ =	swait.ge [sflag:s22], $0x4000  }
0xef: {  	[sflag:s22] =	ssyncset.done $0x0  }
0xf0: {  	s28 =	simm.s32 $0x1180;
	[sflag:s22] =	ssyncadd.s32 $0xFFFFC000  }
0xf1: {  	[spmem:s2] =	stream.indirect.scatter.add.f32 [tilespmem:s19], [sflag:$0x6], $0x80, s28, s17, $0xb8;
	[tilespmem:$0x1E000] =	vst v63  }
0xf2: {  	_ =	swait.ge [sflag:s8], $0x4000  }
0xf3: {  	[sflag:s8] =	ssyncset.done $0x0  }
0xf4: {  	s28 =	simm.s32 $0x1300;
	[sflag:s8] =	ssyncadd.s32 $0xFFFFC000  }
0xf5: {  	[tilespmem:s19], [sflag:$0x2] =	stream.indirect.gather [hbm4b:s4+s17], $0x80, s28, s17, $0xb8;
	[tilespmem:$0x1E000] =	vst v63  }
0xf6: {  	_ =	swait.ge [sflag:s20], $0x4000  }
0xf7: {  	[sflag:s20] =	ssyncset.done $0x0  }
0xf8: {  	s28 =	simm.s32 $0x1280;
	[sflag:s20] =	ssyncadd.s32 $0xFFFFC000  }
0xf9: {  	[spmem:s2] =	stream.indirect.scatter.add.f32 [tilespmem:s14], [sflag:$0x6], $0x80, s28, s17, $0xb8;
	[tilespmem:$0x1E000] =	vst v63  }
0xfa: {  	_ =	swait.ge [sflag:s8], $0x4000  }
0xfb: {  	[sflag:s8] =	ssyncset.done $0x0  }
0xfc: {  	s28 =	simm.s32 $0x1400;
	[sflag:s8] =	ssyncadd.s32 $0xFFFFC000  }
0xfd: {  	[tilespmem:s14], [sflag:$0x1] =	stream.indirect.gather [hbm4b:s4+s17], $0x80, s28, s17, $0xb8;
	[tilespmem:$0x1E000] =	vst v63  }
0xfe: {  	_ =	swait.ge [sflag:s22], $0x4000  }
0xff: {  	[sflag:s22] =	ssyncset.done $0x0  }
0x100: {  	s28 =	simm.s32 $0x1380;
	[sflag:s22] =	ssyncadd.s32 $0xFFFFC000  }
0x101: {  	[spmem:s2] =	stream.indirect.scatter.add.f32 [tilespmem:s19], [sflag:$0x6], $0x80, s28, s17, $0xb8;
	[tilespmem:$0x1E000] =	vst v63  }
0x102: {  	_ =	swait.ge [sflag:s8], $0x4000  }
0x103: {  	[sflag:s8] =	ssyncset.done $0x0  }
0x104: {  	s28 =	simm.s32 $0x1500;
	[sflag:s8] =	ssyncadd.s32 $0xFFFFC000  }
0x105: {  	[tilespmem:s19], [sflag:$0x2] =	stream.indirect.gather [hbm4b:s4+s17], $0x80, s28, s17, $0xb8;
	[tilespmem:$0x1E000] =	vst v63  }
0x106: {  	_ =	swait.ge [sflag:s20], $0x4000  }
0x107: {  	[sflag:s20] =	ssyncset.done $0x0  }
0x108: {  	s28 =	simm.s32 $0x1480;
	[sflag:s20] =	ssyncadd.s32 $0xFFFFC000  }
0x109: {  	[spmem:s2] =	stream.indirect.scatter.add.f32 [tilespmem:s14], [sflag:$0x6], $0x80, s28, s17, $0xb8;
	[tilespmem:$0x1E000] =	vst v63  }
0x10a: {  	_ =	swait.ge [sflag:s8], $0x4000  }
0x10b: {  	[sflag:s8] =	ssyncset.done $0x0  }
0x10c: {  	s28 =	simm.s32 $0x1600;
	[sflag:s8] =	ssyncadd.s32 $0xFFFFC000  }
0x10d: {  	[tilespmem:s14], [sflag:$0x1] =	stream.indirect.gather [hbm4b:s4+s17], $0x80, s28, s17, $0xb8;
	[tilespmem:$0x1E000] =	vst v63  }
0x10e: {  	_ =	swait.ge [sflag:s22], $0x4000  }
0x10f: {  	[sflag:s22] =	ssyncset.done $0x0  }
0x110: {  	s28 =	simm.s32 $0x1580;
	[sflag:s22] =	ssyncadd.s32 $0xFFFFC000  }
0x111: {  	[spmem:s2] =	stream.indirect.scatter.add.f32 [tilespmem:s19], [sflag:$0x6], $0x80, s28, s17, $0xb8;
	[tilespmem:$0x1E000] =	vst v63  }
0x112: {  	_ =	swait.ge [sflag:s8], $0x4000  }
0x113: {  	[sflag:s8] =	ssyncset.done $0x0  }
0x114: {  	s28 =	simm.s32 $0x1700;
	[sflag:s8] =	ssyncadd.s32 $0xFFFFC000  }
0x115: {  	[tilespmem:s19], [sflag:$0x2] =	stream.indirect.gather [hbm4b:s4+s17], $0x80, s28, s17, $0xb8;
	[tilespmem:$0x1E000] =	vst v63  }
0x116: {  	_ =	swait.ge [sflag:s20], $0x4000  }
0x117: {  	[sflag:s20] =	ssyncset.done $0x0  }
0x118: {  	s28 =	simm.s32 $0x1680;
	[sflag:s20] =	ssyncadd.s32 $0xFFFFC000  }
0x119: {  	[spmem:s2] =	stream.indirect.scatter.add.f32 [tilespmem:s14], [sflag:$0x6], $0x80, s28, s17, $0xb8;
	[tilespmem:$0x1E000] =	vst v63  }
0x11a: {  	_ =	swait.ge [sflag:s8], $0x4000  }
0x11b: {  	[sflag:s8] =	ssyncset.done $0x0  }
0x11c: {  	s28 =	simm.s32 $0x1800;
	[sflag:s8] =	ssyncadd.s32 $0xFFFFC000  }
0x11d: {  	[tilespmem:s14], [sflag:$0x1] =	stream.indirect.gather [hbm4b:s4+s17], $0x80, s28, s17, $0xb8;
	[tilespmem:$0x1E000] =	vst v63  }
0x11e: {  	_ =	swait.ge [sflag:s22], $0x4000  }
0x11f: {  	[sflag:s22] =	ssyncset.done $0x0  }
0x120: {  	[sflag:s22] =	ssyncadd.s32 $0xFFFFC000  }
0x121: {  	[spmem:s2] =	stream.indirect.scatter.add.f32 [tilespmem:s19], [sflag:$0x6], $0x80, s29, s17, $0xb8;
	[tilespmem:$0x1E000] =	vst v63  }
0x122: {  	_ =	swait.ge [sflag:s8], $0x4000  }
0x123: {  	[sflag:s8] =	ssyncset.done $0x0  }
0x124: {  	[sflag:s8] =	ssyncadd.s32 $0xFFFFC000  }
0x125: {  	[tilespmem:s19], [sflag:$0x2] =	stream.indirect.gather [hbm4b:s4+s17], $0x80, s30, s17, $0xb8;
	[tilespmem:$0x1E000] =	vst v63  }
0x126: {  	_ =	swait.ge [sflag:s20], $0x4000  }
0x127: {  	[sflag:s20] =	ssyncset.done $0x0  }
0x128: {  	[sflag:s20] =	ssyncadd.s32 $0xFFFFC000  }
0x129: {  	[spmem:s2] =	stream.indirect.scatter.add.f32 [tilespmem:s14], [sflag:$0x6], $0x80, s31, s17, $0xb8;
	[tilespmem:$0x1E000] =	vst v63  }
0x12a: {  	_ =	swait.ge [sflag:s8], $0x4000  }
0x12b: {  	[sflag:s8] =	ssyncset.done $0x0  }
0x12c: {  	[sflag:s8] =	ssyncadd.s32 $0xFFFFC000  }
0x12d: {  	[tilespmem:s14], [sflag:$0x1] =	stream.indirect.gather [hbm4b:s4+s17], $0x80, s1, s17, $0xb8;
	[tilespmem:$0x1E000] =	vst v63  }
0x12e: {  	_ =	swait.ge [sflag:s22], $0x4000  }
0x12f: {  	[sflag:s22] =	ssyncset.done $0x0  }
0x130: {  	[sflag:s22] =	ssyncadd.s32 $0xFFFFC000  }
0x131: {  	[spmem:s2] =	stream.indirect.scatter.add.f32 [tilespmem:s19], [sflag:$0x6], $0x80, s5, s17, $0xb8;
	[tilespmem:$0x1E000] =	vst v63  }
0x132: {  	_ =	swait.ge [sflag:s8], $0x4000  }
0x133: {  	[sflag:s8] =	ssyncset.done $0x0  }
0x134: {  	[sflag:s8] =	ssyncadd.s32 $0xFFFFC000  }
0x135: {  	[tilespmem:s19], [sflag:$0x2] =	stream.indirect.gather [hbm4b:s4+s17], $0x80, s7, s17, $0xb8;
	[tilespmem:$0x1E000] =	vst v63  }
0x136: {  	_ =	swait.ge [sflag:s20], $0x4000  }
0x137: {  	[sflag:s20] =	ssyncset.done $0x0  }
0x138: {  	[sflag:s20] =	ssyncadd.s32 $0xFFFFC000  }
0x139: {  	[spmem:s2] =	stream.indirect.scatter.add.f32 [tilespmem:s14], [sflag:$0x6], $0x80, s9, s17, $0xb8;
	[tilespmem:$0x1E000] =	vst v63  }
0x13a: {  	_ =	swait.ge [sflag:s8], $0x4000  }
0x13b: {  	[sflag:s8] =	ssyncset.done $0x0  }
0x13c: {  	[sflag:s8] =	ssyncadd.s32 $0xFFFFC000  }
0x13d: {  	[tilespmem:s14], [sflag:$0x1] =	stream.indirect.gather [hbm4b:s4+s17], $0x80, s10, s17, $0xb8;
	[tilespmem:$0x1E000] =	vst v63  }
0x13e: {  	_ =	swait.ge [sflag:s22], $0x4000  }
0x13f: {  	[sflag:s22] =	ssyncset.done $0x0  }
0x140: {  	[sflag:s22] =	ssyncadd.s32 $0xFFFFC000  }
0x141: {  	[spmem:s2] =	stream.indirect.scatter.add.f32 [tilespmem:s19], [sflag:$0x6], $0x80, s11, s17, $0xb8;
	[tilespmem:$0x1E000] =	vst v63  }
0x142: {  	_ =	swait.ge [sflag:s8], $0x4000  }
0x143: {  	[sflag:s8] =	ssyncset.done $0x0  }
0x144: {  	[sflag:s8] =	ssyncadd.s32 $0xFFFFC000  }
0x145: {  	[tilespmem:s19], [sflag:$0x2] =	stream.indirect.gather [hbm4b:s4+s17], $0x80, s12, s17, $0xb8;
	[tilespmem:$0x1E000] =	vst v63  }
0x146: {  	_ =	swait.ge [sflag:s20], $0x4000  }
0x147: {  	[sflag:s20] =	ssyncset.done $0x0  }
0x148: {  	[sflag:s20] =	ssyncadd.s32 $0xFFFFC000  }
0x149: {  	[spmem:s2] =	stream.indirect.scatter.add.f32 [tilespmem:s14], [sflag:$0x6], $0x80, s13, s17, $0xb8;
	[tilespmem:$0x1E000] =	vst v63  }
0x14a: {  	_ =	swait.ge [sflag:s8], $0x4000  }
0x14b: {  	[sflag:s8] =	ssyncset.done $0x0  }
0x14c: {  	[sflag:s8] =	ssyncadd.s32 $0xFFFFC000  }
0x14d: {  	[tilespmem:s14], [sflag:$0x1] =	stream.indirect.gather [hbm4b:s4+s17], $0x80, s25, s17, $0xb8;
	[tilespmem:$0x1E000] =	vst v63  }
0x14e: {  	_ =	swait.ge [sflag:s22], $0x4000  }
0x14f: {  	[sflag:s22] =	ssyncset.done $0x0  }
0x150: {  	[sflag:s22] =	ssyncadd.s32 $0xFFFFC000  }
0x151: {  	[spmem:s2] =	stream.indirect.scatter.add.f32 [tilespmem:s19], [sflag:$0x6], $0x80, s6, s17, $0xb8;
	[tilespmem:$0x1E000] =	vst v63  }
0x152: {  	_ =	swait.ge [sflag:s8], $0x4000  }
0x153: {  	[sflag:s8] =	ssyncset.done $0x0  }
0x154: {  	[sflag:s8] =	ssyncadd.s32 $0xFFFFC000  }
0x155: {  	[tilespmem:s19], [sflag:$0x2] =	stream.indirect.gather [hbm4b:s4+s17], $0x80, s18, s17, $0xb8;
	[tilespmem:$0x1E000] =	vst v63  }
0x156: {  	_ =	swait.ge [sflag:s20], $0x4000  }
0x157: {  	[sflag:s20] =	ssyncset.done $0x0  }
0x158: {  	[sflag:s20] =	ssyncadd.s32 $0xFFFFC000  }
0x159: {  	[spmem:s2] =	stream.indirect.scatter.add.f32 [tilespmem:s14], [sflag:$0x6], $0x80, s15, s17, $0xb8;
	[tilespmem:$0x1E000] =	vst v63  }
0x15a: {  	_ =	swait.ge [sflag:s8], $0x4000  }
0x15b: {  	[sflag:s8] =	ssyncset.done $0x0  }
.Ltmp6:
0x15c: {  	[sflag:s8] =	ssyncadd.s32 $0xFFFFC000;
	(pc) =	sbr.rel .LBB2_7-.Ltmp6, $4  }
0x15d: {  	_ =	swait.ge [sflag:s22], $0x4000  }
0x15e: {  	[sflag:s22] =	ssyncset.done $0x0  }
0x15f: {  	s26 =	simm.s32 $0x5;
	[sflag:s22] =	ssyncadd.s32 $0xFFFFC000  }
0x160: {  	[spmem:s2] =	stream.indirect.scatter.add.f32 [tilespmem:s19], [sflag:$0x5], $0x80, s21, s17, $0xb8;
	[tilespmem:$0x1E000] =	vst v63  }
.LBB2_9:
0x161: {  	_ =	sfence.sel $0x180000  }
0x162: {  	[bflag:$0x0] =	sbarrier.arrive $0xFFFF  }
0x163: {  	_ =	strace $0x9000004A  }
0x164: {  	s0 =	stileid.u32;
	[bflag:$0x2] =	sbarrier.arrive $0xFFFF  }
0x165: {  	p0 =	sne.s32 s0, $0x0;
	s0 =	rddreg [dreg:$0x2]  }
0x166: {  	s0 =	sadd.s32 @!p0 $0x100000, s0  }
0x167: {  	[sflag:s0] =	ssyncadd.tile.s32 @!p0 $0x1;
	_ =	shalt  }
.Lfunc_end2:
_tile_overlayer_lowered:
.L_overlay_start_2:
0x168: {  	(tag) =	ssettag $0x2  }
0x169: {  	s0 =	rddreg [dreg:$0x0];
	s2 =	stileid.u32  }
0x16a: {  	s1 =	rddreg [dreg:$0x1];
	p0 =	sne.s32 s2, $0x0  }
0x16b: {  	s3 =	rddreg [dreg:$0x2];
	[bflag:$0x3] =	sbarrier.arrive $0xFFFF;
	s2 =	simm.s32 @!p0 $0x1C05  }
0x16c: {  	[timem:s3], [sflag:s2] =	dma.local @!p0 [hbm:s0], s1  }
0x16d: {  	s0 =	simm.s32 @!p0 $0x5  }
0x16e: {  	_ =	swait.ge @!p0 [sflag:s0], s1  }
0x16f: {  	s1 =	ssub.s32 @!p0 $0x0, s1;
	[sflag:s0] =	ssyncset.done @!p0 $0x0  }
0x170: {  	[sflag:s0] =	ssyncadd.s32 @!p0 s1  }
0x171: {  	[bflag:$0x3] =	sbarrier.arrive $0xFFFF  }
0x172: {  	_ =	shalt  }

// kernel: kernel.14.cloned.1.call-start
scs
__scs_entry_jumppad:
0x0: {  	(pc) =	sbr.rel $0x88, $3  }
0x1: {  	(tag) =	ssettag $0x0;
	lr =	simm.s32 $0x1  }
0x2: {  	[smem:$0x3F9B] =	sst lr;
	_ =	strace $0xD0000000  }
0x3: {  	_ = 	snop  }
0x4: {  	_ = 	snop  }
0x5: {  	_ = 	snop  }
0x6: {  	_ = 	snop  }
0x7: {  	_ = 	snop  }
__scs_overlays_trampoline_lowered:
0x8: {  	[smem:$0x3FAA] =	sst s0  }
0x9: {  	[smem:$0x3FAB] =	sst s1  }
0xa: {  	[smem:$0x3FAC] =	sst s2  }
0xb: {  	[smem:$0x3FAD] =	sst s3  }
0xc: {  	[smem:$0x3FAE] =	sst s4  }
0xd: {  	[smem:$0x3FAF] =	sst s5  }
0xe: {  	[smem:$0x3FB0] =	sst s6  }
0xf: {  	[smem:$0x3FB1] =	sst s7  }
0x10: {  	[smem:$0x3FB2] =	sst s8  }
0x11: {  	[smem:$0x3FB3] =	sst s9;
	s0 =	simm.s32 @!p0 $0x0  }
0x12: {  	s1 =	sld [smem:$0x3F99];
	s0 =	simm.s32 @p0 $0x1  }
0x13: {  	[smem:$0x3FB4] =	sst s0;
	s0 =	simm.s32 @!p1 $0x0  }
0x14: {  	s2 =	sld [smem:$0x3F98];
	s0 =	simm.s32 @p1 $0x1  }
0x15: {  	[smem:$0x3FB5] =	sst s0;
	s0 =	simm.s32 @!p2 $0x0  }
0x16: {  	s3 =	sld [smem:$0x3FDB];
	s0 =	simm.s32 @p2 $0x1  }
0x17: {  	s4 =	simm.s32 $0x1BF5;
	[smem:$0x3FB7] =	sst s0  }
0x18: {  	s0 =	sld [smem:$0x3F9A];
	_ =	swait.ge [sflag:s4], $0x0  }
0x19: {  	s7 =	sld [smem:$0x3F9B]  }
0x1a: {  	s8 =	sadd.s32 $0xFFFFE003, lr  }
0x1b: {  	s9 =	sadd.s32 $0xFFFFFEF7, lr;
	s5 =	simm.s32 $0xFFFFFFFF;
	p2 =	slt.u32 s8, $0xFFFFF086  }
0x1c: {  	p1 =	slt.u32 s9, $0xF7A;
	s5 =	simm.s32 @!p2 $0x0  }
0x1d: {  	s5 =	simm.s32 @p1 $0x1;
	p0 =	seq.s32 s7, s2  }
0x1e: {  	s7 =	smul.u32 @!p0 $0xF7A, s2;
	p2 =	seq.s32 @!p0 s5, $0x0  }
0x1f: {  	s9 =	smul.u32 $0xF7A, s1;
	s8 =	simm.s32 @!p0 $0x1BF5;
	p2 =	por !p2, p0  }
0x20: {  	[sflag:s8] =	ssyncset.s32 @!p0 $0xFFFFF086;
	s6 =	sadd.s32 @!p0 s3, s7;
	s7 =	simm.s32 @!p0 $0x108  }
0x21: {  	s3 =	sadd.s32 s3, s9;
	s6 =	sadd.s32 @!p0 $0x88, s6;
	s7 =	simm.s32 @p2 $0x1082  }
0x22: {  	[simem:s7], [sflag:s8] =	dma.local @!p0 [hbm:s6], $0xF7A  }
0x23: {  	s9 =	sor.u32 $0xD0000000, s2;
	s6 =	simm.s32 $0x108;
	_ =	swait.ge @!p0 [sflag:s8], $0x0  }
0x24: {  	s3 =	sadd.s32 $0x88, s3;
	s6 =	simm.s32 @!p1 $0x1082;
	[sflag:s4] =	ssyncset.s32 $0xFFFFF086  }
0x25: {  	[simem:s6], [sflag:s4] =	dma.local [hbm:s3], $0xF7A  }
0x26: {  	[smem:$0x3F9B] =	sst s1;
	(tag) =	ssettag s2;
	_ =	strace s9  }
0x27: {  	s1 =	sld [smem:$0x3FAB]  }
0x28: {  	s2 =	sld [smem:$0x3FAC]  }
0x29: {  	s4 =	sld [smem:$0x3FAE]  }
0x2a: {  	p0 =	seq.s32 s5, $0x0;
	s5 =	sld [smem:$0x3FAF]  }
0x2b: {  	s6 =	sld [smem:$0x3FB0]  }
0x2c: {  	s7 =	sld [smem:$0x3FB1]  }
0x2d: {  	s3 =	simm.s32 $0x108;
	s8 =	sld [smem:$0x3FB2]  }
0x2e: {  	s3 =	simm.s32 @!p0 $0x1082;
	s9 =	sld [smem:$0x3FB3]  }
0x2f: {  	lr =	sadd.s32 s0, s3;
	s0 =	sld [smem:$0x3FAA]  }
0x30: {  	s3 =	sld [smem:$0x3FAD]  }
0x31: {  	[smem:$0x3FB6] =	sst s10  }
0x32: {  	s10 =	sld [smem:$0x3FB4];
	_ =	sdelay $0x3  }
0x33: {  	p0 =	seq.s32 s10, $0x1;
	s10 =	sld [smem:$0x3FB6];
	_ =	sdelay $0x3  }
0x34: {  	[smem:$0x3FB6] =	sst s10  }
0x35: {  	s10 =	sld [smem:$0x3FB5];
	_ =	sdelay $0x3  }
0x36: {  	p1 =	seq.s32 s10, $0x1;
	s10 =	sld [smem:$0x3FB6];
	_ =	sdelay $0x3  }
0x37: {  	[smem:$0x3FB6] =	sst s10  }
0x38: {  	s10 =	sld [smem:$0x3FB7]  }
0x39: {  	_ = 	snop;
	(pc) =	sbr.ind lr, $3  }
0x3a: {  	_ = 	snop  }
0x3b: {  	_ = 	snop  }
0x3c: {  	p2 =	seq.s32 s10, $0x1;
	s10 =	sld [smem:$0x3FB6]  }
0x3d: {  	_ =	shalt  }
0x3e: {  	_ =	shalt  }
0x3f: {  	_ =	shalt  }
0x40: {  	_ =	shalt  }
0x41: {  	_ =	shalt  }
0x42: {  	_ =	shalt  }
0x43: {  	_ =	shalt  }
0x44: {  	_ =	shalt  }
0x45: {  	_ =	shalt  }
0x46: {  	_ =	shalt  }
0x47: {  	_ =	shalt  }
0x48: {  	_ =	shalt  }
0x49: {  	_ =	shalt  }
0x4a: {  	_ =	shalt  }
0x4b: {  	_ =	shalt  }
0x4c: {  	_ =	shalt  }
0x4d: {  	_ =	shalt  }
0x4e: {  	_ =	shalt  }
0x4f: {  	_ =	shalt  }
0x50: {  	_ =	shalt  }
0x51: {  	_ =	shalt  }
0x52: {  	_ =	shalt  }
0x53: {  	_ =	shalt  }
0x54: {  	_ =	shalt  }
0x55: {  	_ =	shalt  }
0x56: {  	_ =	shalt  }
0x57: {  	_ =	shalt  }
0x58: {  	_ =	shalt  }
0x59: {  	_ =	shalt  }
0x5a: {  	_ =	shalt  }
0x5b: {  	_ =	shalt  }
0x5c: {  	_ =	shalt  }
0x5d: {  	_ =	shalt  }
0x5e: {  	_ =	shalt  }
0x5f: {  	_ =	shalt  }
0x60: {  	_ =	shalt  }
0x61: {  	_ =	shalt  }
0x62: {  	_ =	shalt  }
0x63: {  	_ =	shalt  }
0x64: {  	_ =	shalt  }
0x65: {  	_ =	shalt  }
0x66: {  	_ =	shalt  }
0x67: {  	_ =	shalt  }
0x68: {  	_ =	shalt  }
0x69: {  	_ =	shalt  }
0x6a: {  	_ =	shalt  }
0x6b: {  	_ =	shalt  }
0x6c: {  	_ =	shalt  }
0x6d: {  	_ =	shalt  }
0x6e: {  	_ =	shalt  }
0x6f: {  	_ =	shalt  }
0x70: {  	_ =	shalt  }
0x71: {  	_ =	shalt  }
0x72: {  	_ =	shalt  }
0x73: {  	_ =	shalt  }
0x74: {  	_ =	shalt  }
0x75: {  	_ =	shalt  }
0x76: {  	_ =	shalt  }
0x77: {  	_ =	shalt  }
0x78: {  	_ =	shalt  }
0x79: {  	_ =	shalt  }
0x7a: {  	_ =	shalt  }
0x7b: {  	_ =	shalt  }
0x7c: {  	_ =	shalt  }
0x7d: {  	_ =	shalt  }
0x7e: {  	_ =	shalt  }
0x7f: {  	_ =	shalt  }
0x80: {  	_ =	shalt  }
0x81: {  	_ =	shalt  }
0x82: {  	_ =	shalt  }
0x83: {  	_ =	shalt  }
0x84: {  	_ =	shalt  }
0x85: {  	_ =	shalt  }
0x86: {  	_ =	shalt  }
0x87: {  	_ =	shalt  }
.Lfunc_end0:
.L_simem_size_0:
called_computation.2_lowered:
.L_overlay_start_0:
0x88: {  	s2 =	sld [smem:$0x3FD9]  }
0x89: {  	s3 =	sld [smem:$0x3FFE];
	_ =	sdelay $0x1  }
0x8a: {  	s1 =	srdreg.scid  }
0x8b: {  	s0 =	sand.u32 $0x1, s1  }
0x8c: {  	s16 =	sshll.u32 s0, $0xA;
	s2 =	sadd.s32 s3, s2  }
0x8d: {  	s2 =	sadd.s32 s2, s16  }
0x8e: {  	[smem:$0x3FC2] =	sst s2  }
0x8f: {  	_ = 	snop  }
0x90: {  	(tm) =	ssettm $0x1  }
0x91: {  	s17 =	sld [smem:$0x3FFB];
	_ =	sdelay $0x3  }
0x92: {  	_ =	strace s17  }
0x93: {  	s2 =	sld [smem:$0x3FFC];
	_ =	sdelay $0x3  }
0x94: {  	_ =	strace s2  }
0x95: {  	s2 =	sld [smem:$0x3FFD];
	_ =	sdelay $0x3  }
0x96: {  	_ =	strace s2  }
0x97: {  	_ =	strace $0x8FFFFFFF  }
0x98: {  	s18 =	sld [smem:$0x3FDB];
	_ =	sdelay $0x1  }
0x99: {  	s19 =	simm.s32 $_scs_section_size  }
0x9a: {  	s4 =	simm.s32 $_size__tile_overlayer_lowered;
	s5 =	simm.s32 $_tile_overlayer_lowered  }
0x9b: {  	s22 =	simm.s32 $0x1BFF;
	s21 =	sshll.u32 s5, $0x1;
	s2 =	sadd.s32 s19, s18  }
0x9c: {  	s6 =	simm.s32 $0x0;
	s20 =	sshll.u32 s4, $0x1;
	s4 =	sadd.s32 s21, s2  }
0x9d: {  	[timem:s6], [sflag:s22] =	dma.local [hbm:s4], s20  }
0x9e: {  	_ =	swait.ge [sflag:s22], s20  }
0x9f: {  	s3 =	ssub.s32 $0x0, s20;
	[sflag:s22] =	ssyncset.done $0x0  }
0xa0: {  	[sflag:s22] =	ssyncadd.s32 s3;
	_ =	sdelay $0x1  }
0xa1: {  	s23 =	simm.s32 $0x1B8B  }
0xa2: {  	_ =	swait.ge [sflag:s23], $0x1  }
0xa3: {  	[sflag:s23] =	ssyncset.done $0x0  }
0xa4: {  	s25 =	simm.s32 $0x1B8E;
	s24 =	sld [smem:$0x3FFE];
	[sflag:s23] =	ssyncadd.s32 $0xFFFFFFFF  }
0xa5: {  	s26 =	simm.s32 $execute0_lowered;
	[smem:$0x3FD2] =	sst s25  }
0xa6: {  	s4 =	sshll.u32 s26, $0x1;
	_ =	strace $0x8000004C;
	[dreg:$0x1] =	wrdreg $0xFFFFFFFF  }
0xa7: {  	s28 =	simm.s32 $_size_execute0_lowered;
	s2 =	sadd.s32 s2, s4;
	[dreg:$0x0] =	wrdreg $0x0  }
0xa8: {  	s4 =	sshll.u32 s28, $0x1;
	[dreg:$0x2] =	wrdreg s2  }
0xa9: {  	[dreg:$0x3] =	wrdreg s4  }
0xaa: {  	[dreg:$0x4] =	wrdreg $0xC0  }
0xab: {  	_ =	task [dreg:s6], $0x5FFFF  }
0xac: {  	[dreg:$0x1] =	wrdreg $0xFFFFFFFF  }
0xad: {  	[dreg:$0x0] =	wrdreg $0x60  }
0xae: {  	[dreg:$0x2] =	wrdreg s24  }
0xaf: {  	[dreg:$0x3] =	wrdreg $0x60000  }
0xb0: {  	[dreg:$0x4] =	wrdreg $0x9  }
0xb1: {  	_ =	task.clear_ibuf [dreg:s6], $0x5FFFF;
	_ =	strace $0x9000004C  }
0xb2: {  	s29 =	simm.s32 $0x9;
	_ =	strace $0x8000004E  }
0xb3: {  	_ =	swait.ge [sflag:s29], $0x1  }
0xb4: {  	[sflag:s29] =	ssyncadd.s32 $0xFFFFFFFF  }
0xb5: {  	_ =	strace $0x9000004E  }
0xb6: {  	_ =	sfence  }
0xb7: {  	s30 =	sld [smem:$0x0];
	_ =	sdelay $0x2  }
0xb8: {  	s31 =	sshll.u32 s1, $0xD;
	s1 =	sshrl.u32 s1, $0x2  }
0xb9: {  	s3 =	sand.u32 $0x4000, s31;
	s1 =	sadd.s32 s1, s30  }
0xba: {  	s0 =	sor.u32 s3, s0;
	s1 =	sshll.u32 s1, $0x11  }
0xbb: {  	s0 =	sor.u32 s1, s0  }
0xbc: {  	s0 =	sadd.s32 $0x8F2B, s0  }
0xbd: {  	[sflag:s0] =	ssyncadd.remote.s32 $0x1  }
0xbe: {  	_ =	sfence.sel $0xFFFF  }
0xbf: {  	[dreg:$0x0] =	wrdreg $0xFFFFFFFF;
	(pc) =	sbr.abs _section_cstart, $3  }
0xc0: {  	[dreg:$0x1] =	wrdreg $0xFFFFFFFF  }
0xc1: {  	_ =	task.clear_ibuf [dreg:s6], $0x2FFFF;
	_ =	strace $0x9FFFFFFF  }
0xc2: {  	(tm) =	ssettm $0x7FFFFFFF  }
0xc3: {  	_ =	shalt  }
tec
execute0_lowered:
.L_overlay_start_1:
0x0: {  	(tag) =	ssettag $0x1  }
0x1: {  	s0 =	rddreg [dreg:$0x0]  }
0x2: {  	s2 =	rddreg [dreg:$0x1]  }
0x3: {  	s1 =	srdreg.scid;
	s9 =	stileid.u32;
	s3 =	simm.s32 $0x0  }
0x4: {  	s14 =	simm.s32 $0x2000;
	s22 =	simm.s32 $0x2;
	s29 =	simm.s32 $0x1780  }
0x5: {  	s30 =	simm.s32 $0x1900;
	s31 =	simm.s32 $0x1880;
	s10 =	simm.s32 $0x1C00  }
0x6: {  	s11 =	simm.s32 $0x1B80;
	s12 =	simm.s32 $0x1D00;
	s5 =	smul.u32 $0xA00, s9  }
0x7: {  	s13 =	simm.s32 $0x1C80;
	s15 =	simm.s32 $0x1F00;
	s7 =	smul.u32 $0xA000, s9  }
0x8: {  	s1 =	sand.u32 $0x1, s1;
	[smem:$0x7FF] =	sst s3;
	s17 =	smul.u32 $0x28000, s9  }
0x9: {  	s4 =	sadd.s32 $0x20400, s0;
	s9 =	simm.s32 $0x1A80;
	s6 =	smul.u32 $0xA0000, s1  }
0xa: {  	_ =	strace $0x8000004D;
	p0 =	seq.s32 s1, $0x0;
	s1 =	ssub.s32 $0x2, s1  }
0xb: {  	s8 =	sadd.s32 $0xA000, s5;
	s18 =	sshrl.u32 s1, $0x1;
	s21 =	sadd.s32 s7, s2  }
0xc: {  	s8 =	smov.u32 @p0 s5;
	s16 =	sadd.s32 s7, s6;
	s6 =	sshrl.u32 s17, $0x2  }
0xd: {  	s1 =	ssub.s32 s1, s18;
	s17 =	simm.s32 $0x80;
	s7 =	simm.s32 $0x1B00  }
0xe: {  	s18 =	simm.s32 $0x1E80;
	s8 =	sadd.s32 s8, s0;
	s5 =	sshrl.u32 s16, $0x3  }
0xf: {  	s20 =	sadd.s32 s6, s2;
	s1 =	smax.u32 s1, $0x1;
	s16 =	simm.s32 $0x3  }
0x10: {  	s6 =	simm.s32 $0x1D80;
	s0 =	sadd.s32 s5, s0;
	[dreg:$0x6] =	wrdreg s1  }
0x11: {  	s19 =	sadd.s32 $0xC400, s8;
	s23 =	sadd.s32 $0x2000, s20;
	[dreg:$0x4] =	wrdreg s20  }
0x12: {  	s24 =	sadd.s32 $0x4000, s20;
	s25 =	sadd.s32 $0x6000, s20;
	[dreg:$0x3] =	wrdreg s19  }
0x13: {  	s26 =	sadd.s32 $0x8000, s20;
	s28 =	sadd.s32 $0xC600, s8;
	[dreg:$0x7] =	wrdreg s23  }
0x14: {  	s20 =	simm.s32 $0x1;
	s8 =	simm.s32 $0x6;
	[dreg:$0x8] =	wrdreg s24  }
.Ltmp0:
0x15: {  	s1 =	simm.s32 $0x1A00;
	[dreg:$0x9] =	wrdreg s25;
	(pc) =	sbr.rel .LBB2_1-.Ltmp0, $4  }
0x16: {  	s5 =	simm.s32 $0x1980;
	s0 =	sadd.s32 $0x34400, s0;
	[dreg:$0xa] =	wrdreg s26  }
0x17: {  	[dreg:$0xb] =	wrdreg s28;
	s19 =	simm.s32 $0x4000;
	s25 =	simm.s32 $0x1E00  }
0x18: {  	s26 =	simm.s32 $0x0;
	[dreg:$0x5] =	wrdreg s0;
	s0 =	sshrl.u32 s21, $0x3  }
0x19: {  	v0 =	vimm.f32 $0.0e+00;
	s21 =	simm.s32 $0x1F80;
	[dreg:$0xc] =	wrdreg s0;
	s0 =	simm.s32 $0x4  }
.LBB2_8:
0x1a: {  	s23 =	stileid.u32;
	[bflag:$0x0] =	sbarrier.arrive $0xFFFF  }
0x1b: {  	s23 =	sshll.u32 s23, $0x6;
	s24 =	rddreg [dreg:$0x5]  }
0x1c: {  	s26 =	rddreg [dreg:$0xc];
	s23 =	sor.u32 $0x1C05, s23  }
0x1d: {  	[hbm:s24], [sflag:s23] =	dma.local [spmem:s26], $0x1400  }
0x1e: {  	s24 =	simm.s32 $0x5  }
0x1f: {  	_ =	swait.ge [sflag:s24], $0x1400  }
0x20: {  	s23 =	rddreg [dreg:$0xd]  }
0x21: {  	s28 =	rddreg [dreg:$0x6];
	s26 =	sadd.s32 $0x1, s23  }
0x22: {  	p0 =	sne.s32 s26, s28  }
.Ltmp1:
0x23: {  	_ = 	snop;
	(pc) =	sbr.rel @!p0 .LBB2_9-.Ltmp1, $3  }
0x24: {  	_ =	sdelay $0x1  }
0x25: {  	[sflag:s24] =	ssyncset.done $0x0  }
0x26: {  	[sflag:s24] =	ssyncadd.s32 $0xFFFFEC00  }
.LBB2_1:
0x27: {  	s23 =	rddreg [dreg:$0x3]  }
0x28: {  	[tilespmem:s3], [sflag:$0x3] =	stream.linear.gather [hbm4b:s23+s3], $0x1000, $0x38;
	[tilespmem:$0x10000] =	vst v63  }
0x29: {  	[dreg:$0xd] =	wrdreg s26;
	s24 =	simm.s32 $0x100;
	s23 =	simm.s32 $0x0  }
.LBB2_2:
0x2a: {  	p0 =	sne.s32 s24, $0x7F00;
	[tilespmem:s23+$0x2030] =	vst v0;
	s26 =	smov.u32 s24;
	s24 =	sadd.s32 $0x100, s24  }
.Ltmp2:
0x2b: {  	[tilespmem:s23+$0x2020] =	vst v0;
	(pc) =	sbr.rel @p0 .LBB2_2-.Ltmp2, $3  }
0x2c: {  	[tilespmem:s23+$0x2000] =	vst v0  }
0x2d: {  	[tilespmem:s23+$0x2010] =	vst v0;
	_ =	sdelay $0x1  }
0x2e: {  	s23 =	sshra.s32 s26, $0x2  }
0x2f: {  	[tilespmem:s23+$0x2030] =	vst v0  }
0x30: {  	[tilespmem:s23+$0x2020] =	vst v0  }
0x31: {  	[tilespmem:s23+$0x2000] =	vst v0  }
0x32: {  	[tilespmem:s23+$0x2010] =	vst v0;
	s24 =	rddreg [dreg:$0x4]  }
0x33: {  	[spmem:s24] =	stream.linear.scatter [tilespmem:s14], [sflag:$0x5], $0x2000, $0x38;
	[tilespmem:$0x10000] =	vst v63  }
0x34: {  	s24 =	simm.s32 $0x5  }
0x35: {  	_ =	swait.ge [sflag:s24], $0x2000  }
0x36: {  	[sflag:s24] =	ssyncset.done $0x0  }
0x37: {  	s26 =	rddreg [dreg:$0x7];
	[sflag:s24] =	ssyncadd.s32 $0xFFFFE000  }
0x38: {  	[spmem:s26] =	stream.linear.scatter [tilespmem:s14], [sflag:$0x5], $0x2000, $0x38;
	[tilespmem:$0x10000] =	vst v63  }
0x39: {  	_ =	swait.ge [sflag:s24], $0x2000  }
0x3a: {  	[sflag:s24] =	ssyncset.done $0x0  }
0x3b: {  	s28 =	rddreg [dreg:$0x8];
	[sflag:s24] =	ssyncadd.s32 $0xFFFFE000  }
0x3c: {  	[spmem:s28] =	stream.linear.scatter [tilespmem:s14], [sflag:$0x5], $0x2000, $0x38;
	[tilespmem:$0x10000] =	vst v63  }
0x3d: {  	_ =	swait.ge [sflag:s24], $0x2000  }
0x3e: {  	[sflag:s24] =	ssyncset.done $0x0  }
0x3f: {  	s26 =	rddreg [dreg:$0x9];
	[sflag:s24] =	ssyncadd.s32 $0xFFFFE000  }
0x40: {  	[spmem:s26] =	stream.linear.scatter [tilespmem:s14], [sflag:$0x5], $0x2000, $0x38;
	[tilespmem:$0x10000] =	vst v63  }
0x41: {  	_ =	swait.ge [sflag:s24], $0x2000  }
0x42: {  	[sflag:s24] =	ssyncset.done $0x0  }
0x43: {  	s28 =	rddreg [dreg:$0xa];
	[sflag:s24] =	ssyncadd.s32 $0xFFFFE000  }
0x44: {  	[spmem:s28] =	stream.linear.scatter [tilespmem:s14], [sflag:$0x5], $0x2000, $0x38;
	[tilespmem:$0x10000] =	vst v63  }
.Ltmp3:
0x45: {  	_ =	swait.ge [sflag:s24], $0x2000;
	(pc) =	sbr.rel .LBB2_4-.Ltmp3, $4  }
0x46: {  	[sflag:s24] =	ssyncset.done $0x0  }
0x47: {  	[sflag:s24] =	ssyncadd.s32 $0xFFFFE000  }
0x48: {  	[bflag:$0x0] =	sbarrier.arrive $0xFFFF  }
0x49: {  	s23 =	simm.s32 $0x1;
	s24 =	rddreg [dreg:$0xb]  }
.LBB2_6:
0x4a: {  	p0 =	sgt.u32 s23, $0x4  }
0x4b: {  	s26 =	simm.s32 @!p0 $0x0;
	s28 =	simm.s32 @!p0 $0x1000  }
0x4c: {  	[tilespmem:s28], [sflag:$0x4] =	stream.linear.gather @!p0 [hbm4b:s24+s26], $0x1000, $0x38;
	[tilespmem:$0x10000] =	vst v63  }
0x4d: {  	_ =	swait.ge [sflag:s16], $0x1000  }
0x4e: {  	[sflag:s16] =	ssyncset.done $0x0  }
0x4f: {  	[sflag:s16] =	ssyncadd.s32 $0xFFFFF000  }
0x50: {  	[tilespmem:s14], [sflag:$0x1] =	stream.indirect.gather [hbm4b:s4+s17], $0x40, s3, s17, $0xb8;
	[tilespmem:$0x10000] =	vst v63  }
0x51: {  	s28 =	simm.s32 $0x100  }
0x52: {  	[tilespmem:s19], [sflag:$0x2] =	stream.indirect.gather [hbm4b:s4+s17], $0x40, s28, s17, $0xb8;
	[tilespmem:$0x10000] =	vst v63  }
0x53: {  	_ =	swait.ge [sflag:s20], $0x2000  }
0x54: {  	[sflag:s20] =	ssyncset.done $0x0  }
0x55: {  	s26 =	simm.s32 $0x6;
	[sflag:s20] =	ssyncadd.s32 $0xFFFFE000  }
0x56: {  	[spmem:s2] =	stream.indirect.scatter.add.f32 [tilespmem:s14], [sflag:$0x6], $0x40, s17, s17, $0xb8;
	[tilespmem:$0x10000] =	vst v63  }
0x57: {  	_ =	swait.ge [sflag:s26], $0x2000  }
0x58: {  	[sflag:s26] =	ssyncset.done $0x0  }
0x59: {  	s28 =	simm.s32 $0x200;
	[sflag:s26] =	ssyncadd.s32 $0xFFFFE000  }
0x5a: {  	[tilespmem:s14], [sflag:$0x1] =	stream.indirect.gather [hbm4b:s4+s17], $0x40, s28, s17, $0xb8;
	[tilespmem:$0x10000] =	vst v63  }
0x5b: {  	_ =	swait.ge [sflag:s22], $0x2000  }
0x5c: {  	[sflag:s22] =	ssyncset.done $0x0  }
0x5d: {  	s28 =	simm.s32 $0x180;
	[sflag:s22] =	ssyncadd.s32 $0xFFFFE000  }
0x5e: {  	[spmem:s2] =	stream.indirect.scatter.add.f32 [tilespmem:s19], [sflag:$0x6], $0x40, s28, s17, $0xb8;
	[tilespmem:$0x10000] =	vst v63  }
0x5f: {  	_ =	swait.ge [sflag:s26], $0x2000  }
0x60: {  	[sflag:s26] =	ssyncset.done $0x0  }
0x61: {  	s28 =	simm.s32 $0x300;
	[sflag:s26] =	ssyncadd.s32 $0xFFFFE000  }
0x62: {  	[tilespmem:s19], [sflag:$0x2] =	stream.indirect.gather [hbm4b:s4+s17], $0x40, s28, s17, $0xb8;
	[tilespmem:$0x10000] =	vst v63  }
0x63: {  	_ =	swait.ge [sflag:s20], $0x2000  }
0x64: {  	[sflag:s20] =	ssyncset.done $0x0  }
0x65: {  	s28 =	simm.s32 $0x280;
	[sflag:s20] =	ssyncadd.s32 $0xFFFFE000  }
0x66: {  	[spmem:s2] =	stream.indirect.scatter.add.f32 [tilespmem:s14], [sflag:$0x6], $0x40, s28, s17, $0xb8;
	[tilespmem:$0x10000] =	vst v63  }
0x67: {  	_ =	swait.ge [sflag:s26], $0x2000  }
0x68: {  	[sflag:s26] =	ssyncset.done $0x0  }
0x69: {  	s28 =	simm.s32 $0x400;
	[sflag:s26] =	ssyncadd.s32 $0xFFFFE000  }
0x6a: {  	[tilespmem:s14], [sflag:$0x1] =	stream.indirect.gather [hbm4b:s4+s17], $0x40, s28, s17, $0xb8;
	[tilespmem:$0x10000] =	vst v63  }
0x6b: {  	_ =	swait.ge [sflag:s22], $0x2000  }
0x6c: {  	[sflag:s22] =	ssyncset.done $0x0  }
0x6d: {  	s28 =	simm.s32 $0x380;
	[sflag:s22] =	ssyncadd.s32 $0xFFFFE000  }
0x6e: {  	[spmem:s2] =	stream.indirect.scatter.add.f32 [tilespmem:s19], [sflag:$0x6], $0x40, s28, s17, $0xb8;
	[tilespmem:$0x10000] =	vst v63  }
0x6f: {  	_ =	swait.ge [sflag:s26], $0x2000  }
0x70: {  	[sflag:s26] =	ssyncset.done $0x0  }
0x71: {  	s28 =	simm.s32 $0x500;
	[sflag:s26] =	ssyncadd.s32 $0xFFFFE000  }
0x72: {  	[tilespmem:s19], [sflag:$0x2] =	stream.indirect.gather [hbm4b:s4+s17], $0x40, s28, s17, $0xb8;
	[tilespmem:$0x10000] =	vst v63  }
0x73: {  	_ =	swait.ge [sflag:s20], $0x2000  }
0x74: {  	[sflag:s20] =	ssyncset.done $0x0  }
0x75: {  	s28 =	simm.s32 $0x480;
	[sflag:s20] =	ssyncadd.s32 $0xFFFFE000  }
0x76: {  	[spmem:s2] =	stream.indirect.scatter.add.f32 [tilespmem:s14], [sflag:$0x6], $0x40, s28, s17, $0xb8;
	[tilespmem:$0x10000] =	vst v63  }
0x77: {  	_ =	swait.ge [sflag:s26], $0x2000  }
0x78: {  	[sflag:s26] =	ssyncset.done $0x0  }
0x79: {  	s28 =	simm.s32 $0x600;
	[sflag:s26] =	ssyncadd.s32 $0xFFFFE000  }
0x7a: {  	[tilespmem:s14], [sflag:$0x1] =	stream.indirect.gather [hbm4b:s4+s17], $0x40, s28, s17, $0xb8;
	[tilespmem:$0x10000] =	vst v63  }
0x7b: {  	_ =	swait.ge [sflag:s22], $0x2000  }
0x7c: {  	[sflag:s22] =	ssyncset.done $0x0  }
0x7d: {  	s28 =	simm.s32 $0x580;
	[sflag:s22] =	ssyncadd.s32 $0xFFFFE000  }
0x7e: {  	[spmem:s2] =	stream.indirect.scatter.add.f32 [tilespmem:s19], [sflag:$0x6], $0x40, s28, s17, $0xb8;
	[tilespmem:$0x10000] =	vst v63  }
0x7f: {  	_ =	swait.ge [sflag:s26], $0x2000  }
0x80: {  	[sflag:s26] =	ssyncset.done $0x0  }
0x81: {  	s28 =	simm.s32 $0x700;
	[sflag:s26] =	ssyncadd.s32 $0xFFFFE000  }
0x82: {  	[tilespmem:s19], [sflag:$0x2] =	stream.indirect.gather [hbm4b:s4+s17], $0x40, s28, s17, $0xb8;
	[tilespmem:$0x10000] =	vst v63  }
0x83: {  	_ =	swait.ge [sflag:s20], $0x2000  }
0x84: {  	[sflag:s20] =	ssyncset.done $0x0  }
0x85: {  	s28 =	simm.s32 $0x680;
	[sflag:s20] =	ssyncadd.s32 $0xFFFFE000  }
0x86: {  	[spmem:s2] =	stream.indirect.scatter.add.f32 [tilespmem:s14], [sflag:$0x6], $0x40, s28, s17, $0xb8;
	[tilespmem:$0x10000] =	vst v63  }
0x87: {  	_ =	swait.ge [sflag:s26], $0x2000  }
0x88: {  	[sflag:s26] =	ssyncset.done $0x0  }
0x89: {  	s28 =	simm.s32 $0x800;
	[sflag:s26] =	ssyncadd.s32 $0xFFFFE000  }
0x8a: {  	[tilespmem:s14], [sflag:$0x1] =	stream.indirect.gather [hbm4b:s4+s17], $0x40, s28, s17, $0xb8;
	[tilespmem:$0x10000] =	vst v63  }
0x8b: {  	_ =	swait.ge [sflag:s22], $0x2000  }
0x8c: {  	[sflag:s22] =	ssyncset.done $0x0  }
0x8d: {  	s28 =	simm.s32 $0x780;
	[sflag:s22] =	ssyncadd.s32 $0xFFFFE000  }
0x8e: {  	[spmem:s2] =	stream.indirect.scatter.add.f32 [tilespmem:s19], [sflag:$0x6], $0x40, s28, s17, $0xb8;
	[tilespmem:$0x10000] =	vst v63  }
0x8f: {  	_ =	swait.ge [sflag:s26], $0x2000  }
0x90: {  	[sflag:s26] =	ssyncset.done $0x0  }
0x91: {  	s28 =	simm.s32 $0x900;
	[sflag:s26] =	ssyncadd.s32 $0xFFFFE000  }
0x92: {  	[tilespmem:s19], [sflag:$0x2] =	stream.indirect.gather [hbm4b:s4+s17], $0x40, s28, s17, $0xb8;
	[tilespmem:$0x10000] =	vst v63  }
0x93: {  	_ =	swait.ge [sflag:s20], $0x2000  }
0x94: {  	[sflag:s20] =	ssyncset.done $0x0  }
0x95: {  	s28 =	simm.s32 $0x880;
	[sflag:s20] =	ssyncadd.s32 $0xFFFFE000  }
0x96: {  	[spmem:s2] =	stream.indirect.scatter.add.f32 [tilespmem:s14], [sflag:$0x6], $0x40, s28, s17, $0xb8;
	[tilespmem:$0x10000] =	vst v63  }
0x97: {  	_ =	swait.ge [sflag:s26], $0x2000  }
0x98: {  	[sflag:s26] =	ssyncset.done $0x0  }
0x99: {  	s28 =	simm.s32 $0xA00;
	[sflag:s26] =	ssyncadd.s32 $0xFFFFE000  }
0x9a: {  	[tilespmem:s14], [sflag:$0x1] =	stream.indirect.gather [hbm4b:s4+s17], $0x40, s28, s17, $0xb8;
	[tilespmem:$0x10000] =	vst v63  }
0x9b: {  	_ =	swait.ge [sflag:s22], $0x2000  }
0x9c: {  	[sflag:s22] =	ssyncset.done $0x0  }
0x9d: {  	s28 =	simm.s32 $0x980;
	[sflag:s22] =	ssyncadd.s32 $0xFFFFE000  }
0x9e: {  	[spmem:s2] =	stream.indirect.scatter.add.f32 [tilespmem:s19], [sflag:$0x6], $0x40, s28, s17, $0xb8;
	[tilespmem:$0x10000] =	vst v63  }
0x9f: {  	_ =	swait.ge [sflag:s26], $0x2000  }
0xa0: {  	[sflag:s26] =	ssyncset.done $0x0  }
0xa1: {  	s28 =	simm.s32 $0xB00;
	[sflag:s26] =	ssyncadd.s32 $0xFFFFE000  }
0xa2: {  	[tilespmem:s19], [sflag:$0x2] =	stream.indirect.gather [hbm4b:s4+s17], $0x40, s28, s17, $0xb8;
	[tilespmem:$0x10000] =	vst v63  }
0xa3: {  	_ =	swait.ge [sflag:s20], $0x2000  }
0xa4: {  	[sflag:s20] =	ssyncset.done $0x0  }
0xa5: {  	s28 =	simm.s32 $0xA80;
	[sflag:s20] =	ssyncadd.s32 $0xFFFFE000  }
0xa6: {  	[spmem:s2] =	stream.indirect.scatter.add.f32 [tilespmem:s14], [sflag:$0x6], $0x40, s28, s17, $0xb8;
	[tilespmem:$0x10000] =	vst v63  }
0xa7: {  	_ =	swait.ge [sflag:s26], $0x2000  }
0xa8: {  	[sflag:s26] =	ssyncset.done $0x0  }
0xa9: {  	s28 =	simm.s32 $0xC00;
	[sflag:s26] =	ssyncadd.s32 $0xFFFFE000  }
0xaa: {  	[tilespmem:s14], [sflag:$0x1] =	stream.indirect.gather [hbm4b:s4+s17], $0x40, s28, s17, $0xb8;
	[tilespmem:$0x10000] =	vst v63  }
0xab: {  	_ =	swait.ge [sflag:s22], $0x2000  }
0xac: {  	[sflag:s22] =	ssyncset.done $0x0  }
0xad: {  	s28 =	simm.s32 $0xB80;
	[sflag:s22] =	ssyncadd.s32 $0xFFFFE000  }
0xae: {  	[spmem:s2] =	stream.indirect.scatter.add.f32 [tilespmem:s19], [sflag:$0x6], $0x40, s28, s17, $0xb8;
	[tilespmem:$0x10000] =	vst v63  }
0xaf: {  	_ =	swait.ge [sflag:s26], $0x2000  }
0xb0: {  	[sflag:s26] =	ssyncset.done $0x0  }
0xb1: {  	s28 =	simm.s32 $0xD00;
	[sflag:s26] =	ssyncadd.s32 $0xFFFFE000  }
0xb2: {  	[tilespmem:s19], [sflag:$0x2] =	stream.indirect.gather [hbm4b:s4+s17], $0x40, s28, s17, $0xb8;
	[tilespmem:$0x10000] =	vst v63  }
0xb3: {  	_ =	swait.ge [sflag:s20], $0x2000  }
0xb4: {  	[sflag:s20] =	ssyncset.done $0x0  }
0xb5: {  	s28 =	simm.s32 $0xC80;
	[sflag:s20] =	ssyncadd.s32 $0xFFFFE000  }
0xb6: {  	[spmem:s2] =	stream.indirect.scatter.add.f32 [tilespmem:s14], [sflag:$0x6], $0x40, s28, s17, $0xb8;
	[tilespmem:$0x10000] =	vst v63  }
0xb7: {  	_ =	swait.ge [sflag:s26], $0x2000  }
0xb8: {  	[sflag:s26] =	ssyncset.done $0x0  }
0xb9: {  	s28 =	simm.s32 $0xE00;
	[sflag:s26] =	ssyncadd.s32 $0xFFFFE000  }
0xba: {  	[tilespmem:s14], [sflag:$0x1] =	stream.indirect.gather [hbm4b:s4+s17], $0x40, s28, s17, $0xb8;
	[tilespmem:$0x10000] =	vst v63  }
0xbb: {  	_ =	swait.ge [sflag:s22], $0x2000  }
0xbc: {  	[sflag:s22] =	ssyncset.done $0x0  }
0xbd: {  	s28 =	simm.s32 $0xD80;
	[sflag:s22] =	ssyncadd.s32 $0xFFFFE000  }
0xbe: {  	[spmem:s2] =	stream.indirect.scatter.add.f32 [tilespmem:s19], [sflag:$0x6], $0x40, s28, s17, $0xb8;
	[tilespmem:$0x10000] =	vst v63  }
0xbf: {  	_ =	swait.ge [sflag:s26], $0x2000  }
0xc0: {  	[sflag:s26] =	ssyncset.done $0x0  }
0xc1: {  	s28 =	simm.s32 $0xF00;
	[sflag:s26] =	ssyncadd.s32 $0xFFFFE000  }
0xc2: {  	[tilespmem:s19], [sflag:$0x2] =	stream.indirect.gather [hbm4b:s4+s17], $0x40, s28, s17, $0xb8;
	[tilespmem:$0x10000] =	vst v63  }
0xc3: {  	_ =	swait.ge [sflag:s20], $0x2000  }
0xc4: {  	[sflag:s20] =	ssyncset.done $0x0  }
0xc5: {  	s28 =	simm.s32 $0xE80;
	[sflag:s20] =	ssyncadd.s32 $0xFFFFE000  }
0xc6: {  	[spmem:s2] =	stream.indirect.scatter.add.f32 [tilespmem:s14], [sflag:$0x6], $0x40, s28, s17, $0xb8;
	[tilespmem:$0x10000] =	vst v63  }
0xc7: {  	_ =	swait.ge [sflag:s26], $0x2000  }
0xc8: {  	[sflag:s26] =	ssyncset.done $0x0  }
0xc9: {  	[sflag:s26] =	ssyncadd.s32 $0xFFFFE000  }
0xca: {  	_ =	swait.ge [sflag:s22], $0x2000  }
0xcb: {  	[sflag:s22] =	ssyncset.done $0x0  }
0xcc: {  	s28 =	simm.s32 $0xF80;
	[sflag:s22] =	ssyncadd.s32 $0xFFFFE000  }
0xcd: {  	[spmem:s2] =	stream.indirect.scatter.add.f32 [tilespmem:s19], [sflag:$0x6], $0x40, s28, s17, $0xb8;
	[tilespmem:$0x10000] =	vst v63  }
.LBB2_7:
0xce: {  	s23 =	sadd.s32 $0x1, s23  }
0xcf: {  	p0 =	sne.s32 s23, $0x6  }
.Ltmp4:
0xd0: {  	_ = 	snop;
	(pc) =	sbr.rel @!p0 .LBB2_8-.Ltmp4, $4  }
0xd1: {  	_ = 	snop  }
0xd2: {  	_ =	swait.ge [sflag:s26], $0x2000  }
0xd3: {  	[sflag:s26] =	ssyncset.done $0x0  }
0xd4: {  	s24 =	sadd.s32 $0x200, s24;
	[sflag:s26] =	ssyncadd.s32 $0xFFFFE000  }
.LBB2_4:
0xd5: {  	s26 =	sand.u32 $0x1, s23  }
0xd6: {  	p0 =	seq.s32 s26, $0x1  }
.Ltmp5:
0xd7: {  	_ = 	snop;
	(pc) =	sbr.rel @p0 .LBB2_6-.Ltmp5, $1  }
0xd8: {  	_ =	sdelay $0x3  }
0xd9: {  	[tilespmem:s3], [sflag:$0x3] =	stream.linear.gather [hbm4b:s24+s3], $0x1000, $0x38;
	[tilespmem:$0x10000] =	vst v63  }
0xda: {  	_ =	swait.ge [sflag:s0], $0x1000  }
0xdb: {  	[sflag:s0] =	ssyncset.done $0x0  }
0xdc: {  	s26 =	simm.s32 $0x1000;
	[sflag:s0] =	ssyncadd.s32 $0xFFFFF000  }
0xdd: {  	[tilespmem:s14], [sflag:$0x1] =	stream.indirect.gather [hbm4b:s4+s17], $0x40, s26, s17, $0xb8;
	[tilespmem:$0x10000] =	vst v63  }
0xde: {  	s28 =	simm.s32 $0x1100  }
0xdf: {  	[tilespmem:s19], [sflag:$0x2] =	stream.indirect.gather [hbm4b:s4+s17], $0x40, s28, s17, $0xb8;
	[tilespmem:$0x10000] =	vst v63  }
0xe0: {  	_ =	swait.ge [sflag:s20], $0x2000  }
0xe1: {  	[sflag:s20] =	ssyncset.done $0x0  }
0xe2: {  	s28 =	simm.s32 $0x1080;
	[sflag:s20] =	ssyncadd.s32 $0xFFFFE000  }
0xe3: {  	[spmem:s2] =	stream.indirect.scatter.add.f32 [tilespmem:s14], [sflag:$0x6], $0x40, s28, s17, $0xb8;
	[tilespmem:$0x10000] =	vst v63  }
0xe4: {  	_ =	swait.ge [sflag:s8], $0x2000  }
0xe5: {  	[sflag:s8] =	ssyncset.done $0x0  }
0xe6: {  	s28 =	simm.s32 $0x1200;
	[sflag:s8] =	ssyncadd.s32 $0xFFFFE000  }
0xe7: {  	[tilespmem:s14], [sflag:$0x1] =	stream.indirect.gather [hbm4b:s4+s17], $0x40, s28, s17, $0xb8;
	[tilespmem:$0x10000] =	vst v63  }
0xe8: {  	_ =	swait.ge [sflag:s22], $0x2000  }
0xe9: {  	[sflag:s22] =	ssyncset.done $0x0  }
0xea: {  	s28 =	simm.s32 $0x1180;
	[sflag:s22] =	ssyncadd.s32 $0xFFFFE000  }
0xeb: {  	[spmem:s2] =	stream.indirect.scatter.add.f32 [tilespmem:s19], [sflag:$0x6], $0x40, s28, s17, $0xb8;
	[tilespmem:$0x10000] =	vst v63  }
0xec: {  	_ =	swait.ge [sflag:s8], $0x2000  }
0xed: {  	[sflag:s8] =	ssyncset.done $0x0  }
0xee: {  	s28 =	simm.s32 $0x1300;
	[sflag:s8] =	ssyncadd.s32 $0xFFFFE000  }
0xef: {  	[tilespmem:s19], [sflag:$0x2] =	stream.indirect.gather [hbm4b:s4+s17], $0x40, s28, s17, $0xb8;
	[tilespmem:$0x10000] =	vst v63  }
0xf0: {  	_ =	swait.ge [sflag:s20], $0x2000  }
0xf1: {  	[sflag:s20] =	ssyncset.done $0x0  }
0xf2: {  	s28 =	simm.s32 $0x1280;
	[sflag:s20] =	ssyncadd.s32 $0xFFFFE000  }
0xf3: {  	[spmem:s2] =	stream.indirect.scatter.add.f32 [tilespmem:s14], [sflag:$0x6], $0x40, s28, s17, $0xb8;
	[tilespmem:$0x10000] =	vst v63  }
0xf4: {  	_ =	swait.ge [sflag:s8], $0x2000  }
0xf5: {  	[sflag:s8] =	ssyncset.done $0x0  }
0xf6: {  	s28 =	simm.s32 $0x1400;
	[sflag:s8] =	ssyncadd.s32 $0xFFFFE000  }
0xf7: {  	[tilespmem:s14], [sflag:$0x1] =	stream.indirect.gather [hbm4b:s4+s17], $0x40, s28, s17, $0xb8;
	[tilespmem:$0x10000] =	vst v63  }
0xf8: {  	_ =	swait.ge [sflag:s22], $0x2000  }
0xf9: {  	[sflag:s22] =	ssyncset.done $0x0  }
0xfa: {  	s28 =	simm.s32 $0x1380;
	[sflag:s22] =	ssyncadd.s32 $0xFFFFE000  }
0xfb: {  	[spmem:s2] =	stream.indirect.scatter.add.f32 [tilespmem:s19], [sflag:$0x6], $0x40, s28, s17, $0xb8;
	[tilespmem:$0x10000] =	vst v63  }
0xfc: {  	_ =	swait.ge [sflag:s8], $0x2000  }
0xfd: {  	[sflag:s8] =	ssyncset.done $0x0  }
0xfe: {  	s28 =	simm.s32 $0x1500;
	[sflag:s8] =	ssyncadd.s32 $0xFFFFE000  }
0xff: {  	[tilespmem:s19], [sflag:$0x2] =	stream.indirect.gather [hbm4b:s4+s17], $0x40, s28, s17, $0xb8;
	[tilespmem:$0x10000] =	vst v63  }
0x100: {  	_ =	swait.ge [sflag:s20], $0x2000  }
0x101: {  	[sflag:s20] =	ssyncset.done $0x0  }
0x102: {  	s28 =	simm.s32 $0x1480;
	[sflag:s20] =	ssyncadd.s32 $0xFFFFE000  }
0x103: {  	[spmem:s2] =	stream.indirect.scatter.add.f32 [tilespmem:s14], [sflag:$0x6], $0x40, s28, s17, $0xb8;
	[tilespmem:$0x10000] =	vst v63  }
0x104: {  	_ =	swait.ge [sflag:s8], $0x2000  }
0x105: {  	[sflag:s8] =	ssyncset.done $0x0  }
0x106: {  	s28 =	simm.s32 $0x1600;
	[sflag:s8] =	ssyncadd.s32 $0xFFFFE000  }
0x107: {  	[tilespmem:s14], [sflag:$0x1] =	stream.indirect.gather [hbm4b:s4+s17], $0x40, s28, s17, $0xb8;
	[tilespmem:$0x10000] =	vst v63  }
0x108: {  	_ =	swait.ge [sflag:s22], $0x2000  }
0x109: {  	[sflag:s22] =	ssyncset.done $0x0  }
0x10a: {  	s28 =	simm.s32 $0x1580;
	[sflag:s22] =	ssyncadd.s32 $0xFFFFE000  }
0x10b: {  	[spmem:s2] =	stream.indirect.scatter.add.f32 [tilespmem:s19], [sflag:$0x6], $0x40, s28, s17, $0xb8;
	[tilespmem:$0x10000] =	vst v63  }
0x10c: {  	_ =	swait.ge [sflag:s8], $0x2000  }
0x10d: {  	[sflag:s8] =	ssyncset.done $0x0  }
0x10e: {  	s28 =	simm.s32 $0x1700;
	[sflag:s8] =	ssyncadd.s32 $0xFFFFE000  }
0x10f: {  	[tilespmem:s19], [sflag:$0x2] =	stream.indirect.gather [hbm4b:s4+s17], $0x40, s28, s17, $0xb8;
	[tilespmem:$0x10000] =	vst v63  }
0x110: {  	_ =	swait.ge [sflag:s20], $0x2000  }
0x111: {  	[sflag:s20] =	ssyncset.done $0x0  }
0x112: {  	s28 =	simm.s32 $0x1680;
	[sflag:s20] =	ssyncadd.s32 $0xFFFFE000  }
0x113: {  	[spmem:s2] =	stream.indirect.scatter.add.f32 [tilespmem:s14], [sflag:$0x6], $0x40, s28, s17, $0xb8;
	[tilespmem:$0x10000] =	vst v63  }
0x114: {  	_ =	swait.ge [sflag:s8], $0x2000  }
0x115: {  	[sflag:s8] =	ssyncset.done $0x0  }
0x116: {  	s28 =	simm.s32 $0x1800;
	[sflag:s8] =	ssyncadd.s32 $0xFFFFE000  }
0x117: {  	[tilespmem:s14], [sflag:$0x1] =	stream.indirect.gather [hbm4b:s4+s17], $0x40, s28, s17, $0xb8;
	[tilespmem:$0x10000] =	vst v63  }
0x118: {  	_ =	swait.ge [sflag:s22], $0x2000  }
0x119: {  	[sflag:s22] =	ssyncset.done $0x0  }
0x11a: {  	[sflag:s22] =	ssyncadd.s32 $0xFFFFE000  }
0x11b: {  	[spmem:s2] =	stream.indirect.scatter.add.f32 [tilespmem:s19], [sflag:$0x6], $0x40, s29, s17, $0xb8;
	[tilespmem:$0x10000] =	vst v63  }
0x11c: {  	_ =	swait.ge [sflag:s8], $0x2000  }
0x11d: {  	[sflag:s8] =	ssyncset.done $0x0  }
0x11e: {  	[sflag:s8] =	ssyncadd.s32 $0xFFFFE000  }
0x11f: {  	[tilespmem:s19], [sflag:$0x2] =	stream.indirect.gather [hbm4b:s4+s17], $0x40, s30, s17, $0xb8;
	[tilespmem:$0x10000] =	vst v63  }
0x120: {  	_ =	swait.ge [sflag:s20], $0x2000  }
0x121: {  	[sflag:s20] =	ssyncset.done $0x0  }
0x122: {  	[sflag:s20] =	ssyncadd.s32 $0xFFFFE000  }
0x123: {  	[spmem:s2] =	stream.indirect.scatter.add.f32 [tilespmem:s14], [sflag:$0x6], $0x40, s31, s17, $0xb8;
	[tilespmem:$0x10000] =	vst v63  }
0x124: {  	_ =	swait.ge [sflag:s8], $0x2000  }
0x125: {  	[sflag:s8] =	ssyncset.done $0x0  }
0x126: {  	[sflag:s8] =	ssyncadd.s32 $0xFFFFE000  }
0x127: {  	[tilespmem:s14], [sflag:$0x1] =	stream.indirect.gather [hbm4b:s4+s17], $0x40, s1, s17, $0xb8;
	[tilespmem:$0x10000] =	vst v63  }
0x128: {  	_ =	swait.ge [sflag:s22], $0x2000  }
0x129: {  	[sflag:s22] =	ssyncset.done $0x0  }
0x12a: {  	[sflag:s22] =	ssyncadd.s32 $0xFFFFE000  }
0x12b: {  	[spmem:s2] =	stream.indirect.scatter.add.f32 [tilespmem:s19], [sflag:$0x6], $0x40, s5, s17, $0xb8;
	[tilespmem:$0x10000] =	vst v63  }
0x12c: {  	_ =	swait.ge [sflag:s8], $0x2000  }
0x12d: {  	[sflag:s8] =	ssyncset.done $0x0  }
0x12e: {  	[sflag:s8] =	ssyncadd.s32 $0xFFFFE000  }
0x12f: {  	[tilespmem:s19], [sflag:$0x2] =	stream.indirect.gather [hbm4b:s4+s17], $0x40, s7, s17, $0xb8;
	[tilespmem:$0x10000] =	vst v63  }
0x130: {  	_ =	swait.ge [sflag:s20], $0x2000  }
0x131: {  	[sflag:s20] =	ssyncset.done $0x0  }
0x132: {  	[sflag:s20] =	ssyncadd.s32 $0xFFFFE000  }
0x133: {  	[spmem:s2] =	stream.indirect.scatter.add.f32 [tilespmem:s14], [sflag:$0x6], $0x40, s9, s17, $0xb8;
	[tilespmem:$0x10000] =	vst v63  }
0x134: {  	_ =	swait.ge [sflag:s8], $0x2000  }
0x135: {  	[sflag:s8] =	ssyncset.done $0x0  }
0x136: {  	[sflag:s8] =	ssyncadd.s32 $0xFFFFE000  }
0x137: {  	[tilespmem:s14], [sflag:$0x1] =	stream.indirect.gather [hbm4b:s4+s17], $0x40, s10, s17, $0xb8;
	[tilespmem:$0x10000] =	vst v63  }
0x138: {  	_ =	swait.ge [sflag:s22], $0x2000  }
0x139: {  	[sflag:s22] =	ssyncset.done $0x0  }
0x13a: {  	[sflag:s22] =	ssyncadd.s32 $0xFFFFE000  }
0x13b: {  	[spmem:s2] =	stream.indirect.scatter.add.f32 [tilespmem:s19], [sflag:$0x6], $0x40, s11, s17, $0xb8;
	[tilespmem:$0x10000] =	vst v63  }
0x13c: {  	_ =	swait.ge [sflag:s8], $0x2000  }
0x13d: {  	[sflag:s8] =	ssyncset.done $0x0  }
0x13e: {  	[sflag:s8] =	ssyncadd.s32 $0xFFFFE000  }
0x13f: {  	[tilespmem:s19], [sflag:$0x2] =	stream.indirect.gather [hbm4b:s4+s17], $0x40, s12, s17, $0xb8;
	[tilespmem:$0x10000] =	vst v63  }
0x140: {  	_ =	swait.ge [sflag:s20], $0x2000  }
0x141: {  	[sflag:s20] =	ssyncset.done $0x0  }
0x142: {  	[sflag:s20] =	ssyncadd.s32 $0xFFFFE000  }
0x143: {  	[spmem:s2] =	stream.indirect.scatter.add.f32 [tilespmem:s14], [sflag:$0x6], $0x40, s13, s17, $0xb8;
	[tilespmem:$0x10000] =	vst v63  }
0x144: {  	_ =	swait.ge [sflag:s8], $0x2000  }
0x145: {  	[sflag:s8] =	ssyncset.done $0x0  }
0x146: {  	[sflag:s8] =	ssyncadd.s32 $0xFFFFE000  }
0x147: {  	[tilespmem:s14], [sflag:$0x1] =	stream.indirect.gather [hbm4b:s4+s17], $0x40, s25, s17, $0xb8;
	[tilespmem:$0x10000] =	vst v63  }
0x148: {  	_ =	swait.ge [sflag:s22], $0x2000  }
0x149: {  	[sflag:s22] =	ssyncset.done $0x0  }
0x14a: {  	[sflag:s22] =	ssyncadd.s32 $0xFFFFE000  }
0x14b: {  	[spmem:s2] =	stream.indirect.scatter.add.f32 [tilespmem:s19], [sflag:$0x6], $0x40, s6, s17, $0xb8;
	[tilespmem:$0x10000] =	vst v63  }
0x14c: {  	_ =	swait.ge [sflag:s8], $0x2000  }
0x14d: {  	[sflag:s8] =	ssyncset.done $0x0  }
0x14e: {  	[sflag:s8] =	ssyncadd.s32 $0xFFFFE000  }
0x14f: {  	[tilespmem:s19], [sflag:$0x2] =	stream.indirect.gather [hbm4b:s4+s17], $0x40, s15, s17, $0xb8;
	[tilespmem:$0x10000] =	vst v63  }
0x150: {  	_ =	swait.ge [sflag:s20], $0x2000  }
0x151: {  	[sflag:s20] =	ssyncset.done $0x0  }
0x152: {  	[sflag:s20] =	ssyncadd.s32 $0xFFFFE000  }
0x153: {  	[spmem:s2] =	stream.indirect.scatter.add.f32 [tilespmem:s14], [sflag:$0x6], $0x40, s18, s17, $0xb8;
	[tilespmem:$0x10000] =	vst v63  }
0x154: {  	_ =	swait.ge [sflag:s8], $0x2000  }
0x155: {  	[sflag:s8] =	ssyncset.done $0x0  }
.Ltmp6:
0x156: {  	[sflag:s8] =	ssyncadd.s32 $0xFFFFE000;
	(pc) =	sbr.rel .LBB2_7-.Ltmp6, $4  }
0x157: {  	_ =	swait.ge [sflag:s22], $0x2000  }
0x158: {  	[sflag:s22] =	ssyncset.done $0x0  }
0x159: {  	s26 =	simm.s32 $0x5;
	[sflag:s22] =	ssyncadd.s32 $0xFFFFE000  }
0x15a: {  	[spmem:s2] =	stream.indirect.scatter.add.f32 [tilespmem:s19], [sflag:$0x5], $0x40, s21, s17, $0xb8;
	[tilespmem:$0x10000] =	vst v63  }
.LBB2_9:
0x15b: {  	_ =	sfence.sel $0x180000  }
0x15c: {  	[bflag:$0x0] =	sbarrier.arrive $0xFFFF  }
0x15d: {  	_ =	strace $0x9000004D  }
0x15e: {  	s0 =	stileid.u32;
	[bflag:$0x2] =	sbarrier.arrive $0xFFFF  }
0x15f: {  	p0 =	sne.s32 s0, $0x0;
	s0 =	rddreg [dreg:$0x2]  }
0x160: {  	s0 =	sadd.s32 @!p0 $0x100000, s0  }
0x161: {  	[sflag:s0] =	ssyncadd.tile.s32 @!p0 $0x1;
	_ =	shalt  }
.Lfunc_end2:
_tile_overlayer_lowered:
.L_overlay_start_2:
0x162: {  	(tag) =	ssettag $0x2  }
0x163: {  	s0 =	rddreg [dreg:$0x0];
	s2 =	stileid.u32  }
0x164: {  	s1 =	rddreg [dreg:$0x1];
	p0 =	sne.s32 s2, $0x0  }
0x165: {  	s3 =	rddreg [dreg:$0x2];
	[bflag:$0x3] =	sbarrier.arrive $0xFFFF;
	s2 =	simm.s32 @!p0 $0x1C05  }
0x166: {  	[timem:s3], [sflag:s2] =	dma.local @!p0 [hbm:s0], s1  }
0x167: {  	s0 =	simm.s32 @!p0 $0x5  }
0x168: {  	_ =	swait.ge @!p0 [sflag:s0], s1  }
0x169: {  	s1 =	ssub.s32 @!p0 $0x0, s1;
	[sflag:s0] =	ssyncset.done @!p0 $0x0  }
0x16a: {  	[sflag:s0] =	ssyncadd.s32 @!p0 s1  }
0x16b: {  	[bflag:$0x3] =	sbarrier.arrive $0xFFFF  }
0x16c: {  	_ =	shalt  }

// kernel: kernel.8.cloned.1.call-start
scs
__scs_entry_jumppad:
0x0: {  	(pc) =	sbr.rel $0x88, $3  }
0x1: {  	(tag) =	ssettag $0x0;
	lr =	simm.s32 $0x1  }
0x2: {  	[smem:$0x3F9B] =	sst lr;
	_ =	strace $0xD0000000  }
0x3: {  	_ = 	snop  }
0x4: {  	_ = 	snop  }
0x5: {  	_ = 	snop  }
0x6: {  	_ = 	snop  }
0x7: {  	_ = 	snop  }
__scs_overlays_trampoline_lowered:
0x8: {  	[smem:$0x3FAA] =	sst s0  }
0x9: {  	[smem:$0x3FAB] =	sst s1  }
0xa: {  	[smem:$0x3FAC] =	sst s2  }
0xb: {  	[smem:$0x3FAD] =	sst s3  }
0xc: {  	[smem:$0x3FAE] =	sst s4  }
0xd: {  	[smem:$0x3FAF] =	sst s5  }
0xe: {  	[smem:$0x3FB0] =	sst s6  }
0xf: {  	[smem:$0x3FB1] =	sst s7  }
0x10: {  	[smem:$0x3FB2] =	sst s8  }
0x11: {  	[smem:$0x3FB3] =	sst s9;
	s0 =	simm.s32 @!p0 $0x0  }
0x12: {  	s1 =	sld [smem:$0x3F99];
	s0 =	simm.s32 @p0 $0x1  }
0x13: {  	[smem:$0x3FB4] =	sst s0;
	s0 =	simm.s32 @!p1 $0x0  }
0x14: {  	s2 =	sld [smem:$0x3F98];
	s0 =	simm.s32 @p1 $0x1  }
0x15: {  	[smem:$0x3FB5] =	sst s0;
	s0 =	simm.s32 @!p2 $0x0  }
0x16: {  	s3 =	sld [smem:$0x3FDB];
	s0 =	simm.s32 @p2 $0x1  }
0x17: {  	s4 =	simm.s32 $0x1BF5;
	[smem:$0x3FB7] =	sst s0  }
0x18: {  	s0 =	sld [smem:$0x3F9A];
	_ =	swait.ge [sflag:s4], $0x0  }
0x19: {  	s7 =	sld [smem:$0x3F9B]  }
0x1a: {  	s8 =	sadd.s32 $0xFFFFE003, lr  }
0x1b: {  	s9 =	sadd.s32 $0xFFFFFEF7, lr;
	s5 =	simm.s32 $0xFFFFFFFF;
	p2 =	slt.u32 s8, $0xFFFFF086  }
0x1c: {  	p1 =	slt.u32 s9, $0xF7A;
	s5 =	simm.s32 @!p2 $0x0  }
0x1d: {  	s5 =	simm.s32 @p1 $0x1;
	p0 =	seq.s32 s7, s2  }
0x1e: {  	s7 =	smul.u32 @!p0 $0xF7A, s2;
	p2 =	seq.s32 @!p0 s5, $0x0  }
0x1f: {  	s9 =	smul.u32 $0xF7A, s1;
	s8 =	simm.s32 @!p0 $0x1BF5;
	p2 =	por !p2, p0  }
0x20: {  	[sflag:s8] =	ssyncset.s32 @!p0 $0xFFFFF086;
	s6 =	sadd.s32 @!p0 s3, s7;
	s7 =	simm.s32 @!p0 $0x108  }
0x21: {  	s3 =	sadd.s32 s3, s9;
	s6 =	sadd.s32 @!p0 $0x88, s6;
	s7 =	simm.s32 @p2 $0x1082  }
0x22: {  	[simem:s7], [sflag:s8] =	dma.local @!p0 [hbm:s6], $0xF7A  }
0x23: {  	s9 =	sor.u32 $0xD0000000, s2;
	s6 =	simm.s32 $0x108;
	_ =	swait.ge @!p0 [sflag:s8], $0x0  }
0x24: {  	s3 =	sadd.s32 $0x88, s3;
	s6 =	simm.s32 @!p1 $0x1082;
	[sflag:s4] =	ssyncset.s32 $0xFFFFF086  }
0x25: {  	[simem:s6], [sflag:s4] =	dma.local [hbm:s3], $0xF7A  }
0x26: {  	[smem:$0x3F9B] =	sst s1;
	(tag) =	ssettag s2;
	_ =	strace s9  }
0x27: {  	s1 =	sld [smem:$0x3FAB]  }
0x28: {  	s2 =	sld [smem:$0x3FAC]  }
0x29: {  	s4 =	sld [smem:$0x3FAE]  }
0x2a: {  	p0 =	seq.s32 s5, $0x0;
	s5 =	sld [smem:$0x3FAF]  }
0x2b: {  	s6 =	sld [smem:$0x3FB0]  }
0x2c: {  	s7 =	sld [smem:$0x3FB1]  }
0x2d: {  	s3 =	simm.s32 $0x108;
	s8 =	sld [smem:$0x3FB2]  }
0x2e: {  	s3 =	simm.s32 @!p0 $0x1082;
	s9 =	sld [smem:$0x3FB3]  }
0x2f: {  	lr =	sadd.s32 s0, s3;
	s0 =	sld [smem:$0x3FAA]  }
0x30: {  	s3 =	sld [smem:$0x3FAD]  }
0x31: {  	[smem:$0x3FB6] =	sst s10  }
0x32: {  	s10 =	sld [smem:$0x3FB4];
	_ =	sdelay $0x3  }
0x33: {  	p0 =	seq.s32 s10, $0x1;
	s10 =	sld [smem:$0x3FB6];
	_ =	sdelay $0x3  }
0x34: {  	[smem:$0x3FB6] =	sst s10  }
0x35: {  	s10 =	sld [smem:$0x3FB5];
	_ =	sdelay $0x3  }
0x36: {  	p1 =	seq.s32 s10, $0x1;
	s10 =	sld [smem:$0x3FB6];
	_ =	sdelay $0x3  }
0x37: {  	[smem:$0x3FB6] =	sst s10  }
0x38: {  	s10 =	sld [smem:$0x3FB7]  }
0x39: {  	_ = 	snop;
	(pc) =	sbr.ind lr, $3  }
0x3a: {  	_ = 	snop  }
0x3b: {  	_ = 	snop  }
0x3c: {  	p2 =	seq.s32 s10, $0x1;
	s10 =	sld [smem:$0x3FB6]  }
0x3d: {  	_ =	shalt  }
0x3e: {  	_ =	shalt  }
0x3f: {  	_ =	shalt  }
0x40: {  	_ =	shalt  }
0x41: {  	_ =	shalt  }
0x42: {  	_ =	shalt  }
0x43: {  	_ =	shalt  }
0x44: {  	_ =	shalt  }
0x45: {  	_ =	shalt  }
0x46: {  	_ =	shalt  }
0x47: {  	_ =	shalt  }
0x48: {  	_ =	shalt  }
0x49: {  	_ =	shalt  }
0x4a: {  	_ =	shalt  }
0x4b: {  	_ =	shalt  }
0x4c: {  	_ =	shalt  }
0x4d: {  	_ =	shalt  }
0x4e: {  	_ =	shalt  }
0x4f: {  	_ =	shalt  }
0x50: {  	_ =	shalt  }
0x51: {  	_ =	shalt  }
0x52: {  	_ =	shalt  }
0x53: {  	_ =	shalt  }
0x54: {  	_ =	shalt  }
0x55: {  	_ =	shalt  }
0x56: {  	_ =	shalt  }
0x57: {  	_ =	shalt  }
0x58: {  	_ =	shalt  }
0x59: {  	_ =	shalt  }
0x5a: {  	_ =	shalt  }
0x5b: {  	_ =	shalt  }
0x5c: {  	_ =	shalt  }
0x5d: {  	_ =	shalt  }
0x5e: {  	_ =	shalt  }
0x5f: {  	_ =	shalt  }
0x60: {  	_ =	shalt  }
0x61: {  	_ =	shalt  }
0x62: {  	_ =	shalt  }
0x63: {  	_ =	shalt  }
0x64: {  	_ =	shalt  }
0x65: {  	_ =	shalt  }
0x66: {  	_ =	shalt  }
0x67: {  	_ =	shalt  }
0x68: {  	_ =	shalt  }
0x69: {  	_ =	shalt  }
0x6a: {  	_ =	shalt  }
0x6b: {  	_ =	shalt  }
0x6c: {  	_ =	shalt  }
0x6d: {  	_ =	shalt  }
0x6e: {  	_ =	shalt  }
0x6f: {  	_ =	shalt  }
0x70: {  	_ =	shalt  }
0x71: {  	_ =	shalt  }
0x72: {  	_ =	shalt  }
0x73: {  	_ =	shalt  }
0x74: {  	_ =	shalt  }
0x75: {  	_ =	shalt  }
0x76: {  	_ =	shalt  }
0x77: {  	_ =	shalt  }
0x78: {  	_ =	shalt  }
0x79: {  	_ =	shalt  }
0x7a: {  	_ =	shalt  }
0x7b: {  	_ =	shalt  }
0x7c: {  	_ =	shalt  }
0x7d: {  	_ =	shalt  }
0x7e: {  	_ =	shalt  }
0x7f: {  	_ =	shalt  }
0x80: {  	_ =	shalt  }
0x81: {  	_ =	shalt  }
0x82: {  	_ =	shalt  }
0x83: {  	_ =	shalt  }
0x84: {  	_ =	shalt  }
0x85: {  	_ =	shalt  }
0x86: {  	_ =	shalt  }
0x87: {  	_ =	shalt  }
.Lfunc_end0:
.L_simem_size_0:
called_computation_lowered:
.L_overlay_start_0:
0x88: {  	s2 =	sld [smem:$0x3FD9]  }
0x89: {  	s3 =	sld [smem:$0x3FFE];
	_ =	sdelay $0x1  }
0x8a: {  	s1 =	srdreg.scid  }
0x8b: {  	s0 =	sand.u32 $0x1, s1  }
0x8c: {  	s17 =	sshll.u32 s0, $0xA;
	s2 =	sadd.s32 s3, s2  }
0x8d: {  	s2 =	sadd.s32 s2, s17  }
0x8e: {  	[smem:$0x3FC2] =	sst s2  }
0x8f: {  	_ = 	snop  }
0x90: {  	s2 =	sld [smem:$0x3FD0];
	(tm) =	ssettm $0x1  }
0x91: {  	s18 =	sld [smem:$0x3FFB];
	_ =	sdelay $0x3  }
0x92: {  	_ =	strace s18  }
0x93: {  	s3 =	sld [smem:$0x3FFC];
	_ =	sdelay $0x3  }
0x94: {  	_ =	strace s3  }
0x95: {  	s3 =	sld [smem:$0x3FFD];
	_ =	sdelay $0x3  }
0x96: {  	_ =	strace s3  }
0x97: {  	_ =	strace $0x8FFFFFFF  }
0x98: {  	s19 =	sld [smem:$0x3FDB];
	_ =	sdelay $0x1  }
0x99: {  	s4 =	simm.s32 $_scs_section_size  }
0x9a: {  	s5 =	simm.s32 $_size__tile_overlayer_lowered;
	s6 =	simm.s32 $_tile_overlayer_lowered  }
0x9b: {  	s22 =	simm.s32 $0x1BFF;
	s21 =	sshll.u32 s6, $0x1;
	s3 =	sadd.s32 s4, s19  }
0x9c: {  	s7 =	simm.s32 $0x0;
	s20 =	sshll.u32 s5, $0x1;
	s5 =	sadd.s32 s21, s3  }
0x9d: {  	[timem:s7], [sflag:s22] =	dma.local [hbm:s5], s20  }
0x9e: {  	_ =	swait.ge [sflag:s22], s20  }
0x9f: {  	s4 =	ssub.s32 $0x0, s20;
	[sflag:s22] =	ssyncset.done $0x0  }
0xa0: {  	[sflag:s22] =	ssyncadd.s32 s4;
	_ =	sdelay $0x1  }
0xa1: {  	s23 =	simm.s32 $0x1B8B  }
0xa2: {  	_ =	swait.ge [sflag:s23], $0x1  }
0xa3: {  	[sflag:s23] =	ssyncset.done $0x0  }
0xa4: {  	s25 =	simm.s32 $0x1B8E;
	s24 =	sld [smem:$0x3FFE];
	[sflag:s23] =	ssyncadd.s32 $0xFFFFFFFF  }
0xa5: {  	s26 =	simm.s32 $execute0_lowered;
	[smem:$0x3FD2] =	sst s25  }
0xa6: {  	s5 =	sshll.u32 s26, $0x1;
	_ =	strace $0x80000046;
	[dreg:$0x1] =	wrdreg $0xFFFFFFFF  }
0xa7: {  	s28 =	simm.s32 $_size_execute0_lowered;
	s3 =	sadd.s32 s3, s5;
	[dreg:$0x0] =	wrdreg $0x0  }
0xa8: {  	s5 =	sshll.u32 s28, $0x1;
	[dreg:$0x2] =	wrdreg s3  }
0xa9: {  	[dreg:$0x3] =	wrdreg s5  }
0xaa: {  	[dreg:$0x4] =	wrdreg $0xC0  }
0xab: {  	_ =	task [dreg:s7], $0x5FFFF  }
0xac: {  	[dreg:$0x1] =	wrdreg $0xFFFFFFFF  }
0xad: {  	[dreg:$0x0] =	wrdreg $0x60  }
0xae: {  	[dreg:$0x2] =	wrdreg s2  }
0xaf: {  	[dreg:$0x3] =	wrdreg s24  }
0xb0: {  	[dreg:$0x4] =	wrdreg $0x38000  }
0xb1: {  	[dreg:$0x5] =	wrdreg $0x9  }
0xb2: {  	_ =	task.clear_ibuf [dreg:s7], $0x6FFFF;
	_ =	strace $0x90000046  }
0xb3: {  	s29 =	simm.s32 $0x9;
	_ =	strace $0x80000048  }
0xb4: {  	_ =	swait.ge [sflag:s29], $0x1  }
0xb5: {  	[sflag:s29] =	ssyncadd.s32 $0xFFFFFFFF  }
0xb6: {  	_ =	strace $0x90000048  }
0xb7: {  	_ =	sfence  }
0xb8: {  	s30 =	sld [smem:$0x0];
	_ =	sdelay $0x2  }
0xb9: {  	s31 =	sshll.u32 s1, $0xD;
	s1 =	sshrl.u32 s1, $0x2  }
0xba: {  	s3 =	sand.u32 $0x4000, s31;
	s1 =	sadd.s32 s1, s30  }
0xbb: {  	s0 =	sor.u32 s3, s0;
	s1 =	sshll.u32 s1, $0x11  }
0xbc: {  	s0 =	sor.u32 s1, s0  }
0xbd: {  	s0 =	sadd.s32 $0x8F2B, s0  }
0xbe: {  	[sflag:s0] =	ssyncadd.remote.s32 $0x1  }
0xbf: {  	_ =	sfence.sel $0xFFFF  }
0xc0: {  	[dreg:$0x0] =	wrdreg $0xFFFFFFFF;
	(pc) =	sbr.abs _section_cstart, $3  }
0xc1: {  	[dreg:$0x1] =	wrdreg $0xFFFFFFFF  }
0xc2: {  	_ =	task.clear_ibuf [dreg:s7], $0x2FFFF;
	_ =	strace $0x9FFFFFFF  }
0xc3: {  	(tm) =	ssettm $0x7FFFFFFF  }
tec
execute0_lowered:
.L_overlay_start_1:
0x0: {  	(tag) =	ssettag $0x1  }
0x1: {  	s5 =	rddreg [dreg:$0x0]  }
0x2: {  	s4 =	rddreg [dreg:$0x1]  }
0x3: {  	s1 =	rddreg [dreg:$0x2]  }
0x4: {  	s2 =	srdreg.scid;
	s0 =	rddreg [dreg:$0x3];
	s3 =	simm.s32 $0x0  }
0x5: {  	s12 =	simm.s32 $0x3000;
	s13 =	simm.s32 $0x1;
	s6 =	sand.u32 $0x1, s2  }
0x6: {  	s14 =	simm.s32 $0x80;
	s2 =	stileid.u32;
	s7 =	smul.u32 $0x28000, s6  }
0x7: {  	s15 =	simm.s32 $0x2800;
	[smem:$0x7FF] =	sst s3;
	s8 =	smul.u32 $0x2800, s2  }
0x8: {  	_ =	strace $0x80000047;
	s9 =	sshll.u32 s6, $0x4;
	s10 =	smul.u32 $0xA000, s2  }
0x9: {  	s6 =	ssub.s32 $0x2, s6;
	s16 =	sshll.u32 s2, $0x6;
	s9 =	sor.u32 s2, s9  }
0xa: {  	s11 =	sshrl.u32 s6, $0x1;
	s16 =	sor.u32 $0x1C01, s16;
	s7 =	sadd.s32 s8, s7  }
0xb: {  	s10 =	sshrl.u32 s10, $0x2;
	s9 =	smul.u32 $0x500, s9;
	s17 =	sadd.s32 s8, s1  }
0xc: {  	s11 =	ssub.s32 s6, s11;
	s7 =	sshrl.u32 s7, $0x3;
	s17 =	sshrl.u32 s17, $0x3  }
0xd: {  	s7 =	sadd.s32 s7, s4;
	s4 =	sadd.s32 s10, s1;
	s5 =	sadd.s32 s5, s9  }
0xe: {  	s6 =	sadd.s32 $0x2400, s7;
	s7 =	smax.u32 s11, $0x1;
	s8 =	sadd.s32 $0x800, s4  }
0xf: {  	v0 =	vimm.f32 $1.000000000e+00;
	v1 =	vimm.f32 $0.0e+00;
	s9 =	sadd.s32 $0x1000, s4;
	s10 =	sadd.s32 $0x1800, s4;
	s11 =	sadd.s32 $0x2000, s4  }
.LBB2_1:
0x10: {  	s18 =	simm.s32 $0x40;
	s19 =	simm.s32 $0x0  }
.LBB2_2:
0x11: {  	p0 =	sne.s32 s18, $0x1FC0;
	[tilespmem:s19+$0x2800] =	vst v0;
	s20 =	smov.u32 s18;
	s18 =	sadd.s32 $0x40, s18  }
.Ltmp0:
0x12: {  	[tilespmem:s19+$0x3000] =	vst v1;
	(pc) =	sbr.rel @p0 .LBB2_2-.Ltmp0, $2  }
0x13: {  	_ =	sdelay $0x2  }
0x14: {  	s19 =	sshra.s32 s20, $0x2  }
0x15: {  	[tilespmem:s19+$0x2800] =	vst v0  }
0x16: {  	[tilespmem:s19+$0x3000] =	vst v1  }
0x17: {  	[spmem:s4] =	stream.linear.scatter [tilespmem:s12], [sflag:$0x1], $0x800, $0x38;
	[tilespmem:$0x6000] =	vst v63  }
0x18: {  	_ =	swait.ge [sflag:s13], $0x800  }
0x19: {  	[sflag:s13] =	ssyncset.done $0x0  }
0x1a: {  	[sflag:s13] =	ssyncadd.s32 $0xFFFFF800  }
0x1b: {  	[spmem:s8] =	stream.linear.scatter [tilespmem:s12], [sflag:$0x1], $0x800, $0x38;
	[tilespmem:$0x6000] =	vst v63  }
0x1c: {  	_ =	swait.ge [sflag:s13], $0x800  }
0x1d: {  	[sflag:s13] =	ssyncset.done $0x0  }
0x1e: {  	[sflag:s13] =	ssyncadd.s32 $0xFFFFF800  }
0x1f: {  	[spmem:s9] =	stream.linear.scatter [tilespmem:s12], [sflag:$0x1], $0x800, $0x38;
	[tilespmem:$0x6000] =	vst v63  }
0x20: {  	_ =	swait.ge [sflag:s13], $0x800  }
0x21: {  	[sflag:s13] =	ssyncset.done $0x0  }
0x22: {  	[sflag:s13] =	ssyncadd.s32 $0xFFFFF800  }
0x23: {  	[spmem:s10] =	stream.linear.scatter [tilespmem:s12], [sflag:$0x1], $0x800, $0x38;
	[tilespmem:$0x6000] =	vst v63  }
0x24: {  	_ =	swait.ge [sflag:s13], $0x800  }
0x25: {  	[sflag:s13] =	ssyncset.done $0x0  }
0x26: {  	[sflag:s13] =	ssyncadd.s32 $0xFFFFF800  }
0x27: {  	[spmem:s11] =	stream.linear.scatter [tilespmem:s12], [sflag:$0x1], $0x800, $0x38;
	[tilespmem:$0x6000] =	vst v63  }
0x28: {  	_ =	swait.ge [sflag:s13], $0x800  }
0x29: {  	[sflag:s13] =	ssyncset.done $0x0  }
0x2a: {  	s18 =	simm.s32 $0x0;
	[sflag:s13] =	ssyncadd.s32 $0xFFFFF800  }
0x2b: {  	[tilespmem:s18], [sflag:$0x1] =	stream.linear.gather [hbm4b:s5+s18], $0x2800, $0x38;
	[tilespmem:$0x6000] =	vst v63  }
0x2c: {  	_ =	swait.ge [sflag:s13], $0x2800  }
0x2d: {  	[sflag:s13] =	ssyncset.done $0x0  }
0x2e: {  	[sflag:s13] =	ssyncadd.s32 $0xFFFFD800  }
0x2f: {  	s31 =	simm.s32 $0x0;
	[bflag:$0x0] =	sbarrier.arrive $0xFFFF  }
0x30: {  	[spmem:s1] =	stream.indirect.scatter.add.f32 [tilespmem:s15], [sflag:$0x1], $0x10, s31, s14, $0xb8;
	[tilespmem:$0x6000] =	vst v63  }
0x31: {  	_ =	swait.ge [sflag:s13], $0x800  }
0x32: {  	s18 =	simm.s32 $0x200;
	[sflag:s13] =	ssyncset.done $0x0  }
.LBB2_4:
0x33: {  	s19 =	sshra.s32 s18, $0x2;
	[sflag:s13] =	ssyncadd.s32 $0xFFFFF800;
	p0 =	sne.s32 s18, $0x9E00  }
0x34: {  	[spmem:s1] =	stream.indirect.scatter.add.f32 [tilespmem:s15], [sflag:$0x1], $0x10, s19, s14, $0xb8;
	[tilespmem:$0x6000] =	vst v63  }
.Ltmp1:
0x35: {  	_ = 	snop;
	(pc) =	sbr.rel @p0 .LBB2_4-.Ltmp1, $4  }
0x36: {  	_ = 	snop  }
0x37: {  	s18 =	sadd.s32 $0x200, s18  }
0x38: {  	_ =	swait.ge [sflag:s13], $0x800  }
0x39: {  	[sflag:s13] =	ssyncset.done $0x0  }
0x3a: {  	s3 =	sadd.s32 $0x1, s3  }
0x3b: {  	[sflag:s13] =	ssyncadd.s32 $0xFFFFF800;
	p0 =	sne.s32 s3, s7  }
.Ltmp2:
0x3c: {  	[bflag:$0x0] =	sbarrier.arrive $0xFFFF;
	(pc) =	sbr.rel @p0 .LBB2_1-.Ltmp2, $4  }
0x3d: {  	[hbm:s6], [sflag:s16] =	dma.local [spmem:s17], $0x500  }
0x3e: {  	_ =	swait.ge [sflag:s13], $0x500  }
0x3f: {  	[sflag:s13] =	ssyncset.done $0x0  }
0x40: {  	[sflag:s13] =	ssyncadd.s32 $0xFFFFFB00  }
0x41: {  	_ =	sfence.sel $0x180000  }
0x42: {  	[bflag:$0x0] =	sbarrier.arrive $0xFFFF  }
0x43: {  	p0 =	sne.s32 s2, $0x0;
	_ =	strace $0x90000047  }
0x44: {  	s0 =	sadd.s32 @!p0 $0x100000, s0;
	[bflag:$0x2] =	sbarrier.arrive $0xFFFF  }
0x45: {  	[sflag:s0] =	ssyncadd.tile.s32 @!p0 $0x1;
	_ =	shalt  }
.Lfunc_end2:
_tile_overlayer_lowered:
.L_overlay_start_2:
0x46: {  	(tag) =	ssettag $0x2  }
0x47: {  	s0 =	rddreg [dreg:$0x0];
	s2 =	stileid.u32  }
0x48: {  	s1 =	rddreg [dreg:$0x1];
	p0 =	sne.s32 s2, $0x0  }
0x49: {  	s3 =	rddreg [dreg:$0x2];
	[bflag:$0x3] =	sbarrier.arrive $0xFFFF;
	s2 =	simm.s32 @!p0 $0x1C01  }
0x4a: {  	[timem:s3], [sflag:s2] =	dma.local @!p0 [hbm:s0], s1  }
0x4b: {  	s0 =	simm.s32 @!p0 $0x1  }
0x4c: {  	_ =	swait.ge @!p0 [sflag:s0], s1  }
0x4d: {  	s1 =	ssub.s32 @!p0 $0x0, s1;
	[sflag:s0] =	ssyncset.done @!p0 $0x0  }
0x4e: {  	[sflag:s0] =	ssyncadd.s32 @!p0 s1  }
0x4f: {  	[bflag:$0x3] =	sbarrier.arrive $0xFFFF  }
0x50: {  	_ =	shalt  }

</sc_bundles>
